<compile_context>
chip_gen: v7x
topology: tpu7x:2x2x1
jax: 0.10.2.dev20260603
libtpu: 0.0.44.dev20260713+nightly
codegen_flags: <defaults>
</compile_context>

<pallas_src>
import functools

import jax
import jax.numpy as jnp
from jax import lax
from jax.experimental import pallas as pl
from jax.experimental.pallas import tpu as pltpu
from jax.experimental.pallas import tpu_sc as plsc

EPS = 1e-15
E = 320000
D = 128
D2 = D // 2
NC, NS, L = 2, 16, 16
NW = NC * NS
PER_W = 2 * E // NW
C = 128
NFULL = PER_W // C
CT = PER_W - NFULL * C


def _sc_dots(z, pos_edges, neg_edges):
    mesh = plsc.VectorSubcoreMesh(core_axis_name="c", subcore_axis_name="s")

    @functools.partial(
        pl.kernel,
        mesh=mesh,
        compiler_params=pltpu.CompilerParams(
            needs_layout_passes=False, use_tc_tiling_on_sc=False),
        out_type=jax.ShapeDtypeStruct((2 * E,), jnp.float32),
        scratch_types=[
            pltpu.VMEM((PER_W,), jnp.int32),
            pltpu.VMEM((PER_W,), jnp.int32),
            pltpu.VMEM((3, C, D2), jnp.int32),
            pltpu.VMEM((3, C, D2), jnp.int32),
            pltpu.VMEM((PER_W,), jnp.float32),
            pltpu.SemaphoreType.DMA,
            pltpu.SemaphoreType.DMA,
            pltpu.SemaphoreType.DMA,
            pltpu.SemaphoreType.DMA,
            pltpu.SemaphoreType.DMA,
            pltpu.SemaphoreType.DMA,
        ],
    )
    def sc_kernel(z_hbm, pe_hbm, ne_hbm, out_hbm,
                  sidx, didx, srows, drows, outv,
                  sem_s0, sem_d0, sem_s1, sem_d1, sem_s2, sem_d2):
        z32 = z_hbm
        side = lax.axis_index("c")
        lane16 = lax.axis_index("s")
        span = lane16 * PER_W
        base = side * E + span
        sems = ((sem_s0, sem_d0), (sem_s1, sem_d1), (sem_s2, sem_d2))

        @pl.when(side == 0)
        def _():
            pltpu.sync_copy(pe_hbm.at[0, pl.ds(span, PER_W)], sidx)
            pltpu.sync_copy(pe_hbm.at[1, pl.ds(span, PER_W)], didx)

        @pl.when(side == 1)
        def _():
            pltpu.sync_copy(ne_hbm.at[0, pl.ds(span, PER_W)], sidx)
            pltpu.sync_copy(ne_hbm.at[1, pl.ds(span, PER_W)], didx)

        def fire(off, n, b):
            pltpu.async_copy(z32.at[sidx.at[pl.ds(off, n)]],
                             srows.at[b, pl.ds(0, n)], sems[b][0])
            pltpu.async_copy(z32.at[didx.at[pl.ds(off, n)]],
                             drows.at[b, pl.ds(0, n)], sems[b][1])

        def wait(off, n, b):
            pltpu.make_async_copy(z32.at[sidx.at[pl.ds(off, n)]],
                                  srows.at[b, pl.ds(0, n)], sems[b][0]).wait()
            pltpu.make_async_copy(z32.at[didx.at[pl.ds(off, n)]],
                                  drows.at[b, pl.ds(0, n)], sems[b][1]).wait()

        lane = lax.iota(jnp.int32, L)

        def compute(off, n, b):
            ngrp = n // L
            rows_g = [lane + g * L for g in range(ngrp)]
            wait(off, n, b)
            sr = srows.at[b]
            dr = drows.at[b]

            def dot_step(j, accs):
                cols = (lane + j) & (D2 - 1)
                out = []
                for g in range(ngrp):
                    ws = plsc.load_gather(sr, [rows_g[g], cols])
                    wd = plsc.load_gather(dr, [rows_g[g], cols])
                    prod = (plsc.bitcast(ws, jnp.bfloat16)
                            * plsc.bitcast(wd, jnp.bfloat16))
                    p0, p1 = plsc.unpack(
                        prod,
                        format=plsc.PackFormat.INTERLEAVED,
                        preferred_element_type=jnp.float32)
                    out.append(accs[g] + (p0 + p1))
                return tuple(out)

            def jbody(j, accs):
                return dot_step(2 * j + 1, dot_step(2 * j, accs))

            accs = lax.fori_loop(
                0, D2 // 2, jbody,
                tuple(jnp.zeros((L,), jnp.float32) for _ in range(ngrp)))
            for g in range(ngrp):
                outv[pl.ds(off + g * L, L)] = accs[g]

        fire(0, C, 0)
        fire(C, C, 1)

        def chunk_trip(t, carry):
            for b in range(3):
                chunk = 3 * t + b

                @pl.when(chunk + 2 < NFULL)
                def _():
                    fire((chunk + 2) * C, C, (b + 2) % 3)

                compute(chunk * C, C, b)
            return carry

        lax.fori_loop(0, NFULL // 3, chunk_trip, 0)
        fire(NFULL * C, CT, 0)
        compute(NFULL * C, CT, 0)
        pltpu.sync_copy(outv, out_hbm.at[pl.ds(base, PER_W)])

    return sc_kernel(z, pos_edges, neg_edges)


def _tc_pack(z):

    def body(z_ref, o_ref):
        b = jax.lax.bitcast_convert_type(
            z_ref[...].astype(jnp.bfloat16), jnp.uint16)
        lo = b[:, :D2].astype(jnp.uint32)
        hi = b[:, D2:].astype(jnp.uint32)
        o_ref[...] = jax.lax.bitcast_convert_type(
            lo | (hi << 16), jnp.int32)

    return pl.pallas_call(
        body,
        out_shape=jax.ShapeDtypeStruct((z.shape[0], D2), jnp.int32),
    )(z)


def _tc_loss(vals):
    v2 = vals.reshape(2 * E // D, D)
    half = E // D

    def body(v_ref, o_ref):
        v = v_ref[...]
        p = jax.nn.sigmoid(v[:half])
        q = jax.nn.sigmoid(v[half:])
        pos = -jnp.log(p + EPS)
        neg = -jnp.log(jnp.maximum(1.0 - q, 0.0))
        o_ref[0, 0] = jnp.sum(pos) / E + jnp.sum(neg) / E

    out = pl.pallas_call(
        body,
        out_shape=jax.ShapeDtypeStruct((1, 1), jnp.float32),
        out_specs=pl.BlockSpec(memory_space=pltpu.SMEM),
    )(v2)
    return out.reshape(())


def kernel(z, pos_edge_index, neg_edge_index):
    pe = pos_edge_index.astype(jnp.int32)
    ne = neg_edge_index.astype(jnp.int32)
    dots = _sc_dots(_tc_pack(z), pe, ne)
    return _tc_loss(dots)

# --- scband reference (transcript-rebuilt; emitter-appended) ---
"""Pipeline reference for scband-recon-loss-661424963765 (READ-ONLY COPY).

The authoritative reference and input builder live on the scoring server;
editing this copy changes nothing except your own understanding.
"""

import jax, jax.numpy as jnp
import numpy as np

EPS = 1e-15


def setup_inputs(seed: int = 0) -> dict:
    key = jax.random.key(seed)
    k1, k2, k3 = jax.random.split(key, 3)
    z = jax.random.normal(k1, (10000, 128), dtype=jnp.float32)
    pos_edge_index = jax.random.randint(k2, (2, 320000), 0, 10000, dtype=jnp.int64)
    neg_edge_index = jax.random.randint(k3, (2, 320000), 0, 10000, dtype=jnp.int64)
    return {"z": z, "pos_edge_index": pos_edge_index, "neg_edge_index": neg_edge_index}


def _decoder(z, edge_index, sigmoid=True):
    # gather src/dst node embeddings and take inner product per edge
    src = jnp.take(z, edge_index[0], axis=0)
    dst = jnp.take(z, edge_index[1], axis=0)
    value = (src * dst).sum(axis=1)
    return jax.nn.sigmoid(value) if sigmoid else value


def reference(z, pos_edge_index, neg_edge_index):
    pos_loss = -jnp.log(_decoder(z, pos_edge_index, sigmoid=True) + EPS).mean()
    neg_loss = -jnp.log(1.0 - _decoder(z, neg_edge_index, sigmoid=True) + EPS).mean()
    return pos_loss + neg_loss

if __name__ == "__main__":
    import jax
    _d = setup_inputs()
    print(jax.jit(kernel)(*tuple(_d.values())))

</pallas_src>

<mosaic_0001>
#map = affine_map<(d0, d1) -> (0, 0)>
#map1 = affine_map<(d0, d1) -> (0)>
module attributes {stable_mosaic.version = 14 : i64} {
  func.func @sc_kernel(%arg0: i32, %arg1: i32, %arg2: memref<10000x64xi32, #tpu.memory_space<hbm>>, %arg3: memref<2x320000xi32, #tpu.memory_space<hbm>>, %arg4: memref<2x320000xi32, #tpu.memory_space<hbm>>, %arg5: memref<640000xf32, #tpu.memory_space<hbm>>, %arg6: memref<20000xi32, #tpu.memory_space<vmem>>, %arg7: memref<20000xi32, #tpu.memory_space<vmem>>, %arg8: memref<3x128x64xi32, #tpu.memory_space<vmem>>, %arg9: memref<3x128x64xi32, #tpu.memory_space<vmem>>, %arg10: memref<20000xf32, #tpu.memory_space<vmem>>, %arg11: memref<!tpu.dma_semaphore, #tpu.memory_space<semaphore_mem>>, %arg12: memref<!tpu.dma_semaphore, #tpu.memory_space<semaphore_mem>>, %arg13: memref<!tpu.dma_semaphore, #tpu.memory_space<semaphore_mem>>, %arg14: memref<!tpu.dma_semaphore, #tpu.memory_space<semaphore_mem>>, %arg15: memref<!tpu.dma_semaphore, #tpu.memory_space<semaphore_mem>>, %arg16: memref<!tpu.dma_semaphore, #tpu.memory_space<semaphore_mem>>) attributes {dimension_semantics = [#tpu.dimension_semantics<core_parallel>, #tpu.dimension_semantics<subcore_parallel>], iteration_bounds = array<i64: 2, 16>, scalar_prefetch = 0 : i64, scratch_operands = 11 : i64, tpu.core_type = #tpu.core_type<sc_vector_subcore>, window_params = [{transform_indices = #map}, {transform_indices = #map}, {transform_indices = #map}, {transform_indices = #map1}]} {
    %mul3A = arith.constant 20000 : i32
    %mul3A_0 = arith.muli %arg1, %mul3A : i32
    %mul3A_1 = arith.constant 320000 : i32
    %mul3A_2 = arith.muli %arg0, %mul3A_1 : i32
    %add3A = arith.addi %mul3A_2, %mul3A_0 : i32
    %eq3A = arith.constant 0 : i32
    %eq3A_3 = arith.cmpi eq, %arg0, %eq3A : i32
    %convert_element_type3A = arith.extui %eq3A_3 : i1 to i32
    %cond3A = arith.constant 0 : i32
    %cond3A_4 = arith.cmpi ne, %convert_element_type3A, %cond3A : i32
    scf.if %cond3A_4 {
      %run_scoped3A = arith.constant 0 : i32
      "tpu.region"() ({
        %run_scoped3A_114 = tpu.sem_alloc : memref<!tpu.dma_semaphore, #tpu.memory_space<semaphore_mem>>
        %dma_start3A_115 = tpu.memref_slice %arg3[%run_scoped3A, %mul3A_0] : memref<2x320000xi32, #tpu.memory_space<hbm>> -> memref<1x20000xi32, #tpu.memory_space<hbm>>
        %dma_start3A_116 = tpu.memref_squeeze %dma_start3A_115 : memref<1x20000xi32, #tpu.memory_space<hbm>> -> memref<20000xi32, #tpu.memory_space<hbm>>
        %dma_start3A_117 = tpu.memref_slice %arg3[%run_scoped3A, %mul3A_0] : memref<2x320000xi32, #tpu.memory_space<hbm>> -> memref<1x20000xi32, #tpu.memory_space<hbm>>
        %dma_start3A_118 = tpu.memref_squeeze %dma_start3A_117 : memref<1x20000xi32, #tpu.memory_space<hbm>> -> memref<20000xi32, #tpu.memory_space<hbm>>
        tpu.enqueue_dma source(%dma_start3A_118 : memref<20000xi32, #tpu.memory_space<hbm>>) target(%arg6 : memref<20000xi32, #tpu.memory_space<vmem>>) target_semaphore(%run_scoped3A_114 : memref<!tpu.dma_semaphore, #tpu.memory_space<semaphore_mem>>)
        %dma_wait3A_119 = tpu.memref_slice %arg3[%run_scoped3A, %mul3A_0] : memref<2x320000xi32, #tpu.memory_space<hbm>> -> memref<1x20000xi32, #tpu.memory_space<hbm>>
        %dma_wait3A_120 = tpu.memref_squeeze %dma_wait3A_119 : memref<1x20000xi32, #tpu.memory_space<hbm>> -> memref<20000xi32, #tpu.memory_space<hbm>>
        %dma_wait3A_121 = tpu.memref_slice %arg3[%run_scoped3A, %mul3A_0] : memref<2x320000xi32, #tpu.memory_space<hbm>> -> memref<1x20000xi32, #tpu.memory_space<hbm>>
        %dma_wait3A_122 = tpu.memref_squeeze %dma_wait3A_121 : memref<1x20000xi32, #tpu.memory_space<hbm>> -> memref<20000xi32, #tpu.memory_space<hbm>>
        tpu.wait_dma2 semaphore(%run_scoped3A_114 : memref<!tpu.dma_semaphore, #tpu.memory_space<semaphore_mem>>) src(%dma_wait3A_122 : memref<20000xi32, #tpu.memory_space<hbm>>) dst(%arg6 : memref<20000xi32, #tpu.memory_space<vmem>>)
        tpu.yield
      }) : () -> ()
      %run_scoped3A_113 = arith.constant 1 : i32
      "tpu.region"() ({
        %run_scoped3A_114 = tpu.sem_alloc : memref<!tpu.dma_semaphore, #tpu.memory_space<semaphore_mem>>
        %dma_start3A_115 = tpu.memref_slice %arg3[%run_scoped3A_113, %mul3A_0] : memref<2x320000xi32, #tpu.memory_space<hbm>> -> memref<1x20000xi32, #tpu.memory_space<hbm>>
        %dma_start3A_116 = tpu.memref_squeeze %dma_start3A_115 : memref<1x20000xi32, #tpu.memory_space<hbm>> -> memref<20000xi32, #tpu.memory_space<hbm>>
        %dma_start3A_117 = tpu.memref_slice %arg3[%run_scoped3A_113, %mul3A_0] : memref<2x320000xi32, #tpu.memory_space<hbm>> -> memref<1x20000xi32, #tpu.memory_space<hbm>>
        %dma_start3A_118 = tpu.memref_squeeze %dma_start3A_117 : memref<1x20000xi32, #tpu.memory_space<hbm>> -> memref<20000xi32, #tpu.memory_space<hbm>>
        tpu.enqueue_dma source(%dma_start3A_118 : memref<20000xi32, #tpu.memory_space<hbm>>) target(%arg7 : memref<20000xi32, #tpu.memory_space<vmem>>) target_semaphore(%run_scoped3A_114 : memref<!tpu.dma_semaphore, #tpu.memory_space<semaphore_mem>>)
        %dma_wait3A_119 = tpu.memref_slice %arg3[%run_scoped3A_113, %mul3A_0] : memref<2x320000xi32, #tpu.memory_space<hbm>> -> memref<1x20000xi32, #tpu.memory_space<hbm>>
        %dma_wait3A_120 = tpu.memref_squeeze %dma_wait3A_119 : memref<1x20000xi32, #tpu.memory_space<hbm>> -> memref<20000xi32, #tpu.memory_space<hbm>>
        %dma_wait3A_121 = tpu.memref_slice %arg3[%run_scoped3A_113, %mul3A_0] : memref<2x320000xi32, #tpu.memory_space<hbm>> -> memref<1x20000xi32, #tpu.memory_space<hbm>>
        %dma_wait3A_122 = tpu.memref_squeeze %dma_wait3A_121 : memref<1x20000xi32, #tpu.memory_space<hbm>> -> memref<20000xi32, #tpu.memory_space<hbm>>
        tpu.wait_dma2 semaphore(%run_scoped3A_114 : memref<!tpu.dma_semaphore, #tpu.memory_space<semaphore_mem>>) src(%dma_wait3A_122 : memref<20000xi32, #tpu.memory_space<hbm>>) dst(%arg7 : memref<20000xi32, #tpu.memory_space<vmem>>)
        tpu.yield
      }) : () -> ()
    } else {
    }
    %eq3A_5 = arith.constant 1 : i32
    %eq3A_6 = arith.cmpi eq, %arg0, %eq3A_5 : i32
    %convert_element_type3A_7 = arith.extui %eq3A_6 : i1 to i32
    %cond3A_8 = arith.constant 0 : i32
    %cond3A_9 = arith.cmpi ne, %convert_element_type3A_7, %cond3A_8 : i32
    scf.if %cond3A_9 {
      %run_scoped3A = arith.constant 0 : i32
      "tpu.region"() ({
        %run_scoped3A_114 = tpu.sem_alloc : memref<!tpu.dma_semaphore, #tpu.memory_space<semaphore_mem>>
        %dma_start3A_115 = tpu.memref_slice %arg4[%run_scoped3A, %mul3A_0] : memref<2x320000xi32, #tpu.memory_space<hbm>> -> memref<1x20000xi32, #tpu.memory_space<hbm>>
        %dma_start3A_116 = tpu.memref_squeeze %dma_start3A_115 : memref<1x20000xi32, #tpu.memory_space<hbm>> -> memref<20000xi32, #tpu.memory_space<hbm>>
        %dma_start3A_117 = tpu.memref_slice %arg4[%run_scoped3A, %mul3A_0] : memref<2x320000xi32, #tpu.memory_space<hbm>> -> memref<1x20000xi32, #tpu.memory_space<hbm>>
        %dma_start3A_118 = tpu.memref_squeeze %dma_start3A_117 : memref<1x20000xi32, #tpu.memory_space<hbm>> -> memref<20000xi32, #tpu.memory_space<hbm>>
        tpu.enqueue_dma source(%dma_start3A_118 : memref<20000xi32, #tpu.memory_space<hbm>>) target(%arg6 : memref<20000xi32, #tpu.memory_space<vmem>>) target_semaphore(%run_scoped3A_114 : memref<!tpu.dma_semaphore, #tpu.memory_space<semaphore_mem>>)
        %dma_wait3A_119 = tpu.memref_slice %arg4[%run_scoped3A, %mul3A_0] : memref<2x320000xi32, #tpu.memory_space<hbm>> -> memref<1x20000xi32, #tpu.memory_space<hbm>>
        %dma_wait3A_120 = tpu.memref_squeeze %dma_wait3A_119 : memref<1x20000xi32, #tpu.memory_space<hbm>> -> memref<20000xi32, #tpu.memory_space<hbm>>
        %dma_wait3A_121 = tpu.memref_slice %arg4[%run_scoped3A, %mul3A_0] : memref<2x320000xi32, #tpu.memory_space<hbm>> -> memref<1x20000xi32, #tpu.memory_space<hbm>>
        %dma_wait3A_122 = tpu.memref_squeeze %dma_wait3A_121 : memref<1x20000xi32, #tpu.memory_space<hbm>> -> memref<20000xi32, #tpu.memory_space<hbm>>
        tpu.wait_dma2 semaphore(%run_scoped3A_114 : memref<!tpu.dma_semaphore, #tpu.memory_space<semaphore_mem>>) src(%dma_wait3A_122 : memref<20000xi32, #tpu.memory_space<hbm>>) dst(%arg6 : memref<20000xi32, #tpu.memory_space<vmem>>)
        tpu.yield
      }) : () -> ()
      %run_scoped3A_113 = arith.constant 1 : i32
      "tpu.region"() ({
        %run_scoped3A_114 = tpu.sem_alloc : memref<!tpu.dma_semaphore, #tpu.memory_space<semaphore_mem>>
        %dma_start3A_115 = tpu.memref_slice %arg4[%run_scoped3A_113, %mul3A_0] : memref<2x320000xi32, #tpu.memory_space<hbm>> -> memref<1x20000xi32, #tpu.memory_space<hbm>>
        %dma_start3A_116 = tpu.memref_squeeze %dma_start3A_115 : memref<1x20000xi32, #tpu.memory_space<hbm>> -> memref<20000xi32, #tpu.memory_space<hbm>>
        %dma_start3A_117 = tpu.memref_slice %arg4[%run_scoped3A_113, %mul3A_0] : memref<2x320000xi32, #tpu.memory_space<hbm>> -> memref<1x20000xi32, #tpu.memory_space<hbm>>
        %dma_start3A_118 = tpu.memref_squeeze %dma_start3A_117 : memref<1x20000xi32, #tpu.memory_space<hbm>> -> memref<20000xi32, #tpu.memory_space<hbm>>
        tpu.enqueue_dma source(%dma_start3A_118 : memref<20000xi32, #tpu.memory_space<hbm>>) target(%arg7 : memref<20000xi32, #tpu.memory_space<vmem>>) target_semaphore(%run_scoped3A_114 : memref<!tpu.dma_semaphore, #tpu.memory_space<semaphore_mem>>)
        %dma_wait3A_119 = tpu.memref_slice %arg4[%run_scoped3A_113, %mul3A_0] : memref<2x320000xi32, #tpu.memory_space<hbm>> -> memref<1x20000xi32, #tpu.memory_space<hbm>>
        %dma_wait3A_120 = tpu.memref_squeeze %dma_wait3A_119 : memref<1x20000xi32, #tpu.memory_space<hbm>> -> memref<20000xi32, #tpu.memory_space<hbm>>
        %dma_wait3A_121 = tpu.memref_slice %arg4[%run_scoped3A_113, %mul3A_0] : memref<2x320000xi32, #tpu.memory_space<hbm>> -> memref<1x20000xi32, #tpu.memory_space<hbm>>
        %dma_wait3A_122 = tpu.memref_squeeze %dma_wait3A_121 : memref<1x20000xi32, #tpu.memory_space<hbm>> -> memref<20000xi32, #tpu.memory_space<hbm>>
        tpu.wait_dma2 semaphore(%run_scoped3A_114 : memref<!tpu.dma_semaphore, #tpu.memory_space<semaphore_mem>>) src(%dma_wait3A_122 : memref<20000xi32, #tpu.memory_space<hbm>>) dst(%arg7 : memref<20000xi32, #tpu.memory_space<vmem>>)
        tpu.yield
      }) : () -> ()
    } else {
    }
    %iota3A = tpu.iota {dimensions = array<i32: 0>} : vector<16xi32>
    %dma_start3A = arith.constant 0 : i32
    %dma_start3A_10 = arith.constant 0 : i32
    %dma_start3A_11 = arith.constant 0 : i32
    %dma_start3A_12 = tpu.memref_slice %arg8[%dma_start3A, %dma_start3A_10, %dma_start3A_11] : memref<3x128x64xi32, #tpu.memory_space<vmem>> -> memref<1x128x64xi32, #tpu.memory_space<vmem>>
    %dma_start3A_13 = tpu.memref_squeeze %dma_start3A_12 : memref<1x128x64xi32, #tpu.memory_space<vmem>> -> memref<128x64xi32, #tpu.memory_space<vmem>>
    %dma_start3A_14 = arith.constant 0 : i32
    %dma_start3A_15 = tpu.memref_slice %arg6[%dma_start3A_14] : memref<20000xi32, #tpu.memory_space<vmem>> -> memref<128xi32, #tpu.memory_space<vmem>>
    %dma_start3A_16 = arith.constant 0 : i32
    %dma_start3A_17 = arith.constant 0 : i32
    %dma_start3A_18 = tpu.memref_slice %arg2[%dma_start3A_16, %dma_start3A_17] : memref<10000x64xi32, #tpu.memory_space<hbm>> -> memref<10000x64xi32, #tpu.memory_space<hbm>>
    tpu.enqueue_indirect_dma source(%dma_start3A_18 : memref<10000x64xi32, #tpu.memory_space<hbm>>) target(%dma_start3A_13 : memref<128x64xi32, #tpu.memory_space<vmem>>) offsets(%dma_start3A_15 : memref<128xi32, #tpu.memory_space<vmem>>) semaphore(%arg11 : memref<!tpu.dma_semaphore, #tpu.memory_space<semaphore_mem>>)
    %dma_start3A_19 = arith.constant 0 : i32
    %dma_start3A_20 = arith.constant 0 : i32
    %dma_start3A_21 = arith.constant 0 : i32
    %dma_start3A_22 = tpu.memref_slice %arg9[%dma_start3A_19, %dma_start3A_20, %dma_start3A_21] : memref<3x128x64xi32, #tpu.memory_space<vmem>> -> memref<1x128x64xi32, #tpu.memory_space<vmem>>
    %dma_start3A_23 = tpu.memref_squeeze %dma_start3A_22 : memref<1x128x64xi32, #tpu.memory_space<vmem>> -> memref<128x64xi32, #tpu.memory_space<vmem>>
    %dma_start3A_24 = arith.constant 0 : i32
    %dma_start3A_25 = tpu.memref_slice %arg7[%dma_start3A_24] : memref<20000xi32, #tpu.memory_space<vmem>> -> memref<128xi32, #tpu.memory_space<vmem>>
    %dma_start3A_26 = arith.constant 0 : i32
    %dma_start3A_27 = arith.constant 0 : i32
    %dma_start3A_28 = tpu.memref_slice %arg2[%dma_start3A_26, %dma_start3A_27] : memref<10000x64xi32, #tpu.memory_space<hbm>> -> memref<10000x64xi32, #tpu.memory_space<hbm>>
    tpu.enqueue_indirect_dma source(%dma_start3A_28 : memref<10000x64xi32, #tpu.memory_space<hbm>>) target(%dma_start3A_23 : memref<128x64xi32, #tpu.memory_space<vmem>>) offsets(%dma_start3A_25 : memref<128xi32, #tpu.memory_space<vmem>>) semaphore(%arg12 : memref<!tpu.dma_semaphore, #tpu.memory_space<semaphore_mem>>)
    %dma_start3A_29 = arith.constant 1 : i32
    %dma_start3A_30 = arith.constant 0 : i32
    %dma_start3A_31 = arith.constant 0 : i32
    %dma_start3A_32 = tpu.memref_slice %arg8[%dma_start3A_29, %dma_start3A_30, %dma_start3A_31] : memref<3x128x64xi32, #tpu.memory_space<vmem>> -> memref<1x128x64xi32, #tpu.memory_space<vmem>>
    %dma_start3A_33 = tpu.memref_squeeze %dma_start3A_32 : memref<1x128x64xi32, #tpu.memory_space<vmem>> -> memref<128x64xi32, #tpu.memory_space<vmem>>
    %dma_start3A_34 = arith.constant 128 : i32
    %dma_start3A_35 = tpu.memref_slice %arg6[%dma_start3A_34] : memref<20000xi32, #tpu.memory_space<vmem>> -> memref<128xi32, #tpu.memory_space<vmem>>
    %dma_start3A_36 = arith.constant 0 : i32
    %dma_start3A_37 = arith.constant 0 : i32
    %dma_start3A_38 = tpu.memref_slice %arg2[%dma_start3A_36, %dma_start3A_37] : memref<10000x64xi32, #tpu.memory_space<hbm>> -> memref<10000x64xi32, #tpu.memory_space<hbm>>
    tpu.enqueue_indirect_dma source(%dma_start3A_38 : memref<10000x64xi32, #tpu.memory_space<hbm>>) target(%dma_start3A_33 : memref<128x64xi32, #tpu.memory_space<vmem>>) offsets(%dma_start3A_35 : memref<128xi32, #tpu.memory_space<vmem>>) semaphore(%arg13 : memref<!tpu.dma_semaphore, #tpu.memory_space<semaphore_mem>>)
    %dma_start3A_39 = arith.constant 1 : i32
    %dma_start3A_40 = arith.constant 0 : i32
    %dma_start3A_41 = arith.constant 0 : i32
    %dma_start3A_42 = tpu.memref_slice %arg9[%dma_start3A_39, %dma_start3A_40, %dma_start3A_41] : memref<3x128x64xi32, #tpu.memory_space<vmem>> -> memref<1x128x64xi32, #tpu.memory_space<vmem>>
    %dma_start3A_43 = tpu.memref_squeeze %dma_start3A_42 : memref<1x128x64xi32, #tpu.memory_space<vmem>> -> memref<128x64xi32, #tpu.memory_space<vmem>>
    %dma_start3A_44 = arith.constant 128 : i32
    %dma_start3A_45 = tpu.memref_slice %arg7[%dma_start3A_44] : memref<20000xi32, #tpu.memory_space<vmem>> -> memref<128xi32, #tpu.memory_space<vmem>>
    %dma_start3A_46 = arith.constant 0 : i32
    %dma_start3A_47 = arith.constant 0 : i32
    %dma_start3A_48 = tpu.memref_slice %arg2[%dma_start3A_46, %dma_start3A_47] : memref<10000x64xi32, #tpu.memory_space<hbm>> -> memref<10000x64xi32, #tpu.memory_space<hbm>>
    tpu.enqueue_indirect_dma source(%dma_start3A_48 : memref<10000x64xi32, #tpu.memory_space<hbm>>) target(%dma_start3A_43 : memref<128x64xi32, #tpu.memory_space<vmem>>) offsets(%dma_start3A_45 : memref<128xi32, #tpu.memory_space<vmem>>) semaphore(%arg14 : memref<!tpu.dma_semaphore, #tpu.memory_space<semaphore_mem>>)
    %scan3A = arith.constant 0 : i32
    %scan3A_49 = arith.constant 0 : i32
    %scan3A_50 = arith.constant 52 : i32
    %scan3A_51 = arith.addi %scan3A_49, %scan3A_50 : i32
    %scan3A_52 = arith.constant 1 : i32
    scf.for %scan3A_113 = %scan3A_49 to %scan3A_51 step %scan3A_52  : i32 {
      %mul3A_114 = arith.constant 3 : i32
      %mul3A_115 = arith.muli %mul3A_114, %scan3A_113 : i32
      %add3A_116 = arith.constant 0 : i32
      %add3A_117 = arith.addi %mul3A_115, %add3A_116 : i32
      %add3A_118 = arith.constant 2 : i32
      %add3A_119 = arith.addi %add3A_117, %add3A_118 : i32
      %lt3A = arith.constant 156 : i32
      %lt3A_120 = arith.cmpi slt, %add3A_119, %lt3A : i32
      %convert_element_type3A_121 = arith.extui %lt3A_120 : i1 to i32
      %cond3A_122 = arith.constant 0 : i32
      %cond3A_123 = arith.cmpi ne, %convert_element_type3A_121, %cond3A_122 : i32
      scf.if %cond3A_123 {
        %add3A_446 = arith.constant 2 : i32
        %add3A_447 = arith.addi %add3A_117, %add3A_446 : i32
        %mul3A_448 = arith.constant 128 : i32
        %mul3A_449 = arith.muli %add3A_447, %mul3A_448 : i32
        %dma_start3A_450 = arith.constant 2 : i32
        %dma_start3A_451 = arith.constant 0 : i32
        %dma_start3A_452 = arith.constant 0 : i32
        %dma_start3A_453 = tpu.memref_slice %arg8[%dma_start3A_450, %dma_start3A_451, %dma_start3A_452] : memref<3x128x64xi32, #tpu.memory_space<vmem>> -> memref<1x128x64xi32, #tpu.memory_space<vmem>>
        %dma_start3A_454 = tpu.memref_squeeze %dma_start3A_453 : memref<1x128x64xi32, #tpu.memory_space<vmem>> -> memref<128x64xi32, #tpu.memory_space<vmem>>
        %dma_start3A_455 = tpu.memref_slice %arg6[%mul3A_449] : memref<20000xi32, #tpu.memory_space<vmem>> -> memref<128xi32, #tpu.memory_space<vmem>>
        %dma_start3A_456 = arith.constant 0 : i32
        %dma_start3A_457 = arith.constant 0 : i32
        %dma_start3A_458 = tpu.memref_slice %arg2[%dma_start3A_456, %dma_start3A_457] : memref<10000x64xi32, #tpu.memory_space<hbm>> -> memref<10000x64xi32, #tpu.memory_space<hbm>>
        tpu.enqueue_indirect_dma source(%dma_start3A_458 : memref<10000x64xi32, #tpu.memory_space<hbm>>) target(%dma_start3A_454 : memref<128x64xi32, #tpu.memory_space<vmem>>) offsets(%dma_start3A_455 : memref<128xi32, #tpu.memory_space<vmem>>) semaphore(%arg15 : memref<!tpu.dma_semaphore, #tpu.memory_space<semaphore_mem>>)
        %dma_start3A_459 = arith.constant 2 : i32
        %dma_start3A_460 = arith.constant 0 : i32
        %dma_start3A_461 = arith.constant 0 : i32
        %dma_start3A_462 = tpu.memref_slice %arg9[%dma_start3A_459, %dma_start3A_460, %dma_start3A_461] : memref<3x128x64xi32, #tpu.memory_space<vmem>> -> memref<1x128x64xi32, #tpu.memory_space<vmem>>
        %dma_start3A_463 = tpu.memref_squeeze %dma_start3A_462 : memref<1x128x64xi32, #tpu.memory_space<vmem>> -> memref<128x64xi32, #tpu.memory_space<vmem>>
        %dma_start3A_464 = tpu.memref_slice %arg7[%mul3A_449] : memref<20000xi32, #tpu.memory_space<vmem>> -> memref<128xi32, #tpu.memory_space<vmem>>
        %dma_start3A_465 = arith.constant 0 : i32
        %dma_start3A_466 = arith.constant 0 : i32
        %dma_start3A_467 = tpu.memref_slice %arg2[%dma_start3A_465, %dma_start3A_466] : memref<10000x64xi32, #tpu.memory_space<hbm>> -> memref<10000x64xi32, #tpu.memory_space<hbm>>
        tpu.enqueue_indirect_dma source(%dma_start3A_467 : memref<10000x64xi32, #tpu.memory_space<hbm>>) target(%dma_start3A_463 : memref<128x64xi32, #tpu.memory_space<vmem>>) offsets(%dma_start3A_464 : memref<128xi32, #tpu.memory_space<vmem>>) semaphore(%arg16 : memref<!tpu.dma_semaphore, #tpu.memory_space<semaphore_mem>>)
      } else {
      }
      %mul3A_124 = arith.constant 128 : i32
      %mul3A_125 = arith.muli %add3A_117, %mul3A_124 : i32
      %add3A_126 = arith.constant 0 : i32
      %add3A_127 = vector.broadcast %add3A_126 : i32 to vector<16xi32>
      %add3A_128 = arith.addi %iota3A, %add3A_127 : vector<16xi32>
      %add3A_129 = arith.constant 16 : i32
      %add3A_130 = vector.broadcast %add3A_129 : i32 to vector<16xi32>
      %add3A_131 = arith.addi %iota3A, %add3A_130 : vector<16xi32>
      %add3A_132 = arith.constant 32 : i32
      %add3A_133 = vector.broadcast %add3A_132 : i32 to vector<16xi32>
      %add3A_134 = arith.addi %iota3A, %add3A_133 : vector<16xi32>
      %add3A_135 = arith.constant 48 : i32
      %add3A_136 = vector.broadcast %add3A_135 : i32 to vector<16xi32>
      %add3A_137 = arith.addi %iota3A, %add3A_136 : vector<16xi32>
      %add3A_138 = arith.constant 64 : i32
      %add3A_139 = vector.broadcast %add3A_138 : i32 to vector<16xi32>
      %add3A_140 = arith.addi %iota3A, %add3A_139 : vector<16xi32>
      %add3A_141 = arith.constant 80 : i32
      %add3A_142 = vector.broadcast %add3A_141 : i32 to vector<16xi32>
      %add3A_143 = arith.addi %iota3A, %add3A_142 : vector<16xi32>
      %add3A_144 = arith.constant 96 : i32
      %add3A_145 = vector.broadcast %add3A_144 : i32 to vector<16xi32>
      %add3A_146 = arith.addi %iota3A, %add3A_145 : vector<16xi32>
      %add3A_147 = arith.constant 112 : i32
      %add3A_148 = vector.broadcast %add3A_147 : i32 to vector<16xi32>
      %add3A_149 = arith.addi %iota3A, %add3A_148 : vector<16xi32>
      %dma_wait3A_150 = arith.constant 0 : i32
      %dma_wait3A_151 = arith.constant 0 : i32
      %dma_wait3A_152 = arith.constant 0 : i32
      %dma_wait3A_153 = tpu.memref_slice %arg8[%dma_wait3A_150, %dma_wait3A_151, %dma_wait3A_152] : memref<3x128x64xi32, #tpu.memory_space<vmem>> -> memref<1x128x64xi32, #tpu.memory_space<vmem>>
      %dma_wait3A_154 = tpu.memref_squeeze %dma_wait3A_153 : memref<1x128x64xi32, #tpu.memory_space<vmem>> -> memref<128x64xi32, #tpu.memory_space<vmem>>
      %dma_wait3A_155 = tpu.memref_slice %arg6[%mul3A_125] : memref<20000xi32, #tpu.memory_space<vmem>> -> memref<128xi32, #tpu.memory_space<vmem>>
      %dma_wait3A_156 = arith.constant 0 : i32
      %dma_wait3A_157 = arith.constant 0 : i32
      %dma_wait3A_158 = tpu.memref_slice %arg2[%dma_wait3A_156, %dma_wait3A_157] : memref<10000x64xi32, #tpu.memory_space<hbm>> -> memref<10000x64xi32, #tpu.memory_space<hbm>>
      tpu.wait_indirect_dma semaphore(%arg11 : memref<!tpu.dma_semaphore, #tpu.memory_space<semaphore_mem>>) src(%dma_wait3A_158 : memref<10000x64xi32, #tpu.memory_space<hbm>>) dst(%dma_wait3A_154 : memref<128x64xi32, #tpu.memory_space<vmem>>)
      %dma_wait3A_159 = arith.constant 0 : i32
      %dma_wait3A_160 = arith.constant 0 : i32
      %dma_wait3A_161 = arith.constant 0 : i32
      %dma_wait3A_162 = tpu.memref_slice %arg9[%dma_wait3A_159, %dma_wait3A_160, %dma_wait3A_161] : memref<3x128x64xi32, #tpu.memory_space<vmem>> -> memref<1x128x64xi32, #tpu.memory_space<vmem>>
      %dma_wait3A_163 = tpu.memref_squeeze %dma_wait3A_162 : memref<1x128x64xi32, #tpu.memory_space<vmem>> -> memref<128x64xi32, #tpu.memory_space<vmem>>
      %dma_wait3A_164 = tpu.memref_slice %arg7[%mul3A_125] : memref<20000xi32, #tpu.memory_space<vmem>> -> memref<128xi32, #tpu.memory_space<vmem>>
      %dma_wait3A_165 = arith.constant 0 : i32
      %dma_wait3A_166 = arith.constant 0 : i32
      %dma_wait3A_167 = tpu.memref_slice %arg2[%dma_wait3A_165, %dma_wait3A_166] : memref<10000x64xi32, #tpu.memory_space<hbm>> -> memref<10000x64xi32, #tpu.memory_space<hbm>>
      tpu.wait_indirect_dma semaphore(%arg12 : memref<!tpu.dma_semaphore, #tpu.memory_space<semaphore_mem>>) src(%dma_wait3A_167 : memref<10000x64xi32, #tpu.memory_space<hbm>>) dst(%dma_wait3A_163 : memref<128x64xi32, #tpu.memory_space<vmem>>)
      %broadcast_in_dim3A_168 = arith.constant 0.000000e+00 : f32
      %broadcast_in_dim3A_169 = vector.broadcast %broadcast_in_dim3A_168 : f32 to vector<16xf32>
      %broadcast_in_dim3A_170 = arith.constant 0.000000e+00 : f32
      %broadcast_in_dim3A_171 = vector.broadcast %broadcast_in_dim3A_170 : f32 to vector<16xf32>
      %broadcast_in_dim3A_172 = arith.constant 0.000000e+00 : f32
      %broadcast_in_dim3A_173 = vector.broadcast %broadcast_in_dim3A_172 : f32 to vector<16xf32>
      %broadcast_in_dim3A_174 = arith.constant 0.000000e+00 : f32
      %broadcast_in_dim3A_175 = vector.broadcast %broadcast_in_dim3A_174 : f32 to vector<16xf32>
      %broadcast_in_dim3A_176 = arith.constant 0.000000e+00 : f32
      %broadcast_in_dim3A_177 = vector.broadcast %broadcast_in_dim3A_176 : f32 to vector<16xf32>
      %broadcast_in_dim3A_178 = arith.constant 0.000000e+00 : f32
      %broadcast_in_dim3A_179 = vector.broadcast %broadcast_in_dim3A_178 : f32 to vector<16xf32>
      %broadcast_in_dim3A_180 = arith.constant 0.000000e+00 : f32
      %broadcast_in_dim3A_181 = vector.broadcast %broadcast_in_dim3A_180 : f32 to vector<16xf32>
      %broadcast_in_dim3A_182 = arith.constant 0.000000e+00 : f32
      %broadcast_in_dim3A_183 = vector.broadcast %broadcast_in_dim3A_182 : f32 to vector<16xf32>
      %scan3A_184 = arith.constant 0 : i32
      %scan3A_185 = arith.constant 0 : i32
      %scan3A_186 = arith.constant 0 : i32
      %scan3A_187 = arith.constant 32 : i32
      %scan3A_188 = arith.addi %scan3A_186, %scan3A_187 : i32
      %scan3A_189 = arith.constant 1 : i32
      %scan3A_190:8 = scf.for %scan3A_446 = %scan3A_186 to %scan3A_188 step %scan3A_189 iter_args(%scan3A_447 = %broadcast_in_dim3A_169, %scan3A_448 = %broadcast_in_dim3A_171, %scan3A_449 = %broadcast_in_dim3A_173, %scan3A_450 = %broadcast_in_dim3A_175, %scan3A_451 = %broadcast_in_dim3A_177, %scan3A_452 = %broadcast_in_dim3A_179, %scan3A_453 = %broadcast_in_dim3A_181, %scan3A_454 = %broadcast_in_dim3A_183) -> (vector<16xf32>, vector<16xf32>, vector<16xf32>, vector<16xf32>, vector<16xf32>, vector<16xf32>, vector<16xf32>, vector<16xf32>)  : i32 {
        %mul3A_455 = arith.constant 2 : i32
        %mul3A_456 = arith.muli %mul3A_455, %scan3A_446 : i32
        %add3A_457 = arith.constant 1 : i32
        %add3A_458 = arith.addi %mul3A_456, %add3A_457 : i32
        %mul3A_459 = arith.constant 2 : i32
        %mul3A_460 = arith.muli %mul3A_459, %scan3A_446 : i32
        %add3A_461 = vector.broadcast %mul3A_460 : i32 to vector<16xi32>
        %add3A_462 = arith.addi %iota3A, %add3A_461 : vector<16xi32>
        %and3A = arith.constant 63 : i32
        %and3A_463 = vector.broadcast %and3A : i32 to vector<16xi32>
        %and3A_464 = arith.andi %add3A_462, %and3A_463 : vector<16xi32>
        %gather3A = arith.constant 0 : i32
        %gather3A_465 = arith.constant 0 : i32
        %gather3A_466 = tpu.memref_slice %arg8[%scan3A_184, %gather3A, %gather3A_465] : memref<3x128x64xi32, #tpu.memory_space<vmem>> -> memref<1x128x64xi32, #tpu.memory_space<vmem>>
        %gather3A_467 = tpu.memref_squeeze %gather3A_466 : memref<1x128x64xi32, #tpu.memory_space<vmem>> -> memref<128x64xi32, #tpu.memory_space<vmem>>
        %gather3A_468 = tpu.vector_load_idx %gather3A_467[%add3A_128, %and3A_464] : memref<128x64xi32, #tpu.memory_space<vmem>>[vector<16xi32>, vector<16xi32>], vector<16xi32>,
        %gather3A_469 = arith.constant 0 : i32
        %gather3A_470 = arith.constant 0 : i32
        %gather3A_471 = tpu.memref_slice %arg9[%scan3A_185, %gather3A_469, %gather3A_470] : memref<3x128x64xi32, #tpu.memory_space<vmem>> -> memref<1x128x64xi32, #tpu.memory_space<vmem>>
        %gather3A_472 = tpu.memref_squeeze %gather3A_471 : memref<1x128x64xi32, #tpu.memory_space<vmem>> -> memref<128x64xi32, #tpu.memory_space<vmem>>
        %gather3A_473 = tpu.vector_load_idx %gather3A_472[%add3A_128, %and3A_464] : memref<128x64xi32, #tpu.memory_space<vmem>>[vector<16xi32>, vector<16xi32>], vector<16xi32>,
        %bitcast3A = vector.bitcast %gather3A_468 : vector<16xi32> to vector<32xbf16>
        %bitcast3A_474 = vector.bitcast %gather3A_473 : vector<16xi32> to vector<32xbf16>
        %mul3A_475 = arith.mulf %bitcast3A, %bitcast3A_474 : vector<32xbf16>
        %unpack3A = tpu.unpack_subelements %mul3A_475, 0 {pack_format = #tpu.pack_format<interleaved>} : vector<32xbf16> -> vector<16xf32>
        %unpack3A_476 = tpu.unpack_subelements %mul3A_475, 1 {pack_format = #tpu.pack_format<interleaved>} : vector<32xbf16> -> vector<16xf32>
        %add3A_477 = arith.addf %unpack3A, %unpack3A_476 : vector<16xf32>
        %add3A_478 = arith.addf %scan3A_447, %add3A_477 : vector<16xf32>
        %gather3A_479 = arith.constant 0 : i32
        %gather3A_480 = arith.constant 0 : i32
        %gather3A_481 = tpu.memref_slice %arg8[%scan3A_184, %gather3A_479, %gather3A_480] : memref<3x128x64xi32, #tpu.memory_space<vmem>> -> memref<1x128x64xi32, #tpu.memory_space<vmem>>
        %gather3A_482 = tpu.memref_squeeze %gather3A_481 : memref<1x128x64xi32, #tpu.memory_space<vmem>> -> memref<128x64xi32, #tpu.memory_space<vmem>>
        %gather3A_483 = tpu.vector_load_idx %gather3A_482[%add3A_131, %and3A_464] : memref<128x64xi32, #tpu.memory_space<vmem>>[vector<16xi32>, vector<16xi32>], vector<16xi32>,
        %gather3A_484 = arith.constant 0 : i32
        %gather3A_485 = arith.constant 0 : i32
        %gather3A_486 = tpu.memref_slice %arg9[%scan3A_185, %gather3A_484, %gather3A_485] : memref<3x128x64xi32, #tpu.memory_space<vmem>> -> memref<1x128x64xi32, #tpu.memory_space<vmem>>
        %gather3A_487 = tpu.memref_squeeze %gather3A_486 : memref<1x128x64xi32, #tpu.memory_space<vmem>> -> memref<128x64xi32, #tpu.memory_space<vmem>>
        %gather3A_488 = tpu.vector_load_idx %gather3A_487[%add3A_131, %and3A_464] : memref<128x64xi32, #tpu.memory_space<vmem>>[vector<16xi32>, vector<16xi32>], vector<16xi32>,
        %bitcast3A_489 = vector.bitcast %gather3A_483 : vector<16xi32> to vector<32xbf16>
        %bitcast3A_490 = vector.bitcast %gather3A_488 : vector<16xi32> to vector<32xbf16>
        %mul3A_491 = arith.mulf %bitcast3A_489, %bitcast3A_490 : vector<32xbf16>
        %unpack3A_492 = tpu.unpack_subelements %mul3A_491, 0 {pack_format = #tpu.pack_format<interleaved>} : vector<32xbf16> -> vector<16xf32>
        %unpack3A_493 = tpu.unpack_subelements %mul3A_491, 1 {pack_format = #tpu.pack_format<interleaved>} : vector<32xbf16> -> vector<16xf32>
        %add3A_494 = arith.addf %unpack3A_492, %unpack3A_493 : vector<16xf32>
        %add3A_495 = arith.addf %scan3A_448, %add3A_494 : vector<16xf32>
        %gather3A_496 = arith.constant 0 : i32
        %gather3A_497 = arith.constant 0 : i32
        %gather3A_498 = tpu.memref_slice %arg8[%scan3A_184, %gather3A_496, %gather3A_497] : memref<3x128x64xi32, #tpu.memory_space<vmem>> -> memref<1x128x64xi32, #tpu.memory_space<vmem>>
        %gather3A_499 = tpu.memref_squeeze %gather3A_498 : memref<1x128x64xi32, #tpu.memory_space<vmem>> -> memref<128x64xi32, #tpu.memory_space<vmem>>
        %gather3A_500 = tpu.vector_load_idx %gather3A_499[%add3A_134, %and3A_464] : memref<128x64xi32, #tpu.memory_space<vmem>>[vector<16xi32>, vector<16xi32>], vector<16xi32>,
        %gather3A_501 = arith.constant 0 : i32
        %gather3A_502 = arith.constant 0 : i32
        %gather3A_503 = tpu.memref_slice %arg9[%scan3A_185, %gather3A_501, %gather3A_502] : memref<3x128x64xi32, #tpu.memory_space<vmem>> -> memref<1x128x64xi32, #tpu.memory_space<vmem>>
        %gather3A_504 = tpu.memref_squeeze %gather3A_503 : memref<1x128x64xi32, #tpu.memory_space<vmem>> -> memref<128x64xi32, #tpu.memory_space<vmem>>
        %gather3A_505 = tpu.vector_load_idx %gather3A_504[%add3A_134, %and3A_464] : memref<128x64xi32, #tpu.memory_space<vmem>>[vector<16xi32>, vector<16xi32>], vector<16xi32>,
        %bitcast3A_506 = vector.bitcast %gather3A_500 : vector<16xi32> to vector<32xbf16>
        %bitcast3A_507 = vector.bitcast %gather3A_505 : vector<16xi32> to vector<32xbf16>
        %mul3A_508 = arith.mulf %bitcast3A_506, %bitcast3A_507 : vector<32xbf16>
        %unpack3A_509 = tpu.unpack_subelements %mul3A_508, 0 {pack_format = #tpu.pack_format<interleaved>} : vector<32xbf16> -> vector<16xf32>
        %unpack3A_510 = tpu.unpack_subelements %mul3A_508, 1 {pack_format = #tpu.pack_format<interleaved>} : vector<32xbf16> -> vector<16xf32>
        %add3A_511 = arith.addf %unpack3A_509, %unpack3A_510 : vector<16xf32>
        %add3A_512 = arith.addf %scan3A_449, %add3A_511 : vector<16xf32>
        %gather3A_513 = arith.constant 0 : i32
        %gather3A_514 = arith.constant 0 : i32
        %gather3A_515 = tpu.memref_slice %arg8[%scan3A_184, %gather3A_513, %gather3A_514] : memref<3x128x64xi32, #tpu.memory_space<vmem>> -> memref<1x128x64xi32, #tpu.memory_space<vmem>>
        %gather3A_516 = tpu.memref_squeeze %gather3A_515 : memref<1x128x64xi32, #tpu.memory_space<vmem>> -> memref<128x64xi32, #tpu.memory_space<vmem>>
        %gather3A_517 = tpu.vector_load_idx %gather3A_516[%add3A_137, %and3A_464] : memref<128x64xi32, #tpu.memory_space<vmem>>[vector<16xi32>, vector<16xi32>], vector<16xi32>,
        %gather3A_518 = arith.constant 0 : i32
        %gather3A_519 = arith.constant 0 : i32
        %gather3A_520 = tpu.memref_slice %arg9[%scan3A_185, %gather3A_518, %gather3A_519] : memref<3x128x64xi32, #tpu.memory_space<vmem>> -> memref<1x128x64xi32, #tpu.memory_space<vmem>>
        %gather3A_521 = tpu.memref_squeeze %gather3A_520 : memref<1x128x64xi32, #tpu.memory_space<vmem>> -> memref<128x64xi32, #tpu.memory_space<vmem>>
        %gather3A_522 = tpu.vector_load_idx %gather3A_521[%add3A_137, %and3A_464] : memref<128x64xi32, #tpu.memory_space<vmem>>[vector<16xi32>, vector<16xi32>], vector<16xi32>,
        %bitcast3A_523 = vector.bitcast %gather3A_517 : vector<16xi32> to vector<32xbf16>
        %bitcast3A_524 = vector.bitcast %gather3A_522 : vector<16xi32> to vector<32xbf16>
        %mul3A_525 = arith.mulf %bitcast3A_523, %bitcast3A_524 : vector<32xbf16>
        %unpack3A_526 = tpu.unpack_subelements %mul3A_525, 0 {pack_format = #tpu.pack_format<interleaved>} : vector<32xbf16> -> vector<16xf32>
        %unpack3A_527 = tpu.unpack_subelements %mul3A_525, 1 {pack_format = #tpu.pack_format<interleaved>} : vector<32xbf16> -> vector<16xf32>
        %add3A_528 = arith.addf %unpack3A_526, %unpack3A_527 : vector<16xf32>
        %add3A_529 = arith.addf %scan3A_450, %add3A_528 : vector<16xf32>
        %gather3A_530 = arith.constant 0 : i32
        %gather3A_531 = arith.constant 0 : i32
        %gather3A_532 = tpu.memref_slice %arg8[%scan3A_184, %gather3A_530, %gather3A_531] : memref<3x128x64xi32, #tpu.memory_space<vmem>> -> memref<1x128x64xi32, #tpu.memory_space<vmem>>
        %gather3A_533 = tpu.memref_squeeze %gather3A_532 : memref<1x128x64xi32, #tpu.memory_space<vmem>> -> memref<128x64xi32, #tpu.memory_space<vmem>>
        %gather3A_534 = tpu.vector_load_idx %gather3A_533[%add3A_140, %and3A_464] : memref<128x64xi32, #tpu.memory_space<vmem>>[vector<16xi32>, vector<16xi32>], vector<16xi32>,
        %gather3A_535 = arith.constant 0 : i32
        %gather3A_536 = arith.constant 0 : i32
        %gather3A_537 = tpu.memref_slice %arg9[%scan3A_185, %gather3A_535, %gather3A_536] : memref<3x128x64xi32, #tpu.memory_space<vmem>> -> memref<1x128x64xi32, #tpu.memory_space<vmem>>
        %gather3A_538 = tpu.memref_squeeze %gather3A_537 : memref<1x128x64xi32, #tpu.memory_space<vmem>> -> memref<128x64xi32, #tpu.memory_space<vmem>>
        %gather3A_539 = tpu.vector_load_idx %gather3A_538[%add3A_140, %and3A_464] : memref<128x64xi32, #tpu.memory_space<vmem>>[vector<16xi32>, vector<16xi32>], vector<16xi32>,
        %bitcast3A_540 = vector.bitcast %gather3A_534 : vector<16xi32> to vector<32xbf16>
        %bitcast3A_541 = vector.bitcast %gather3A_539 : vector<16xi32> to vector<32xbf16>
        %mul3A_542 = arith.mulf %bitcast3A_540, %bitcast3A_541 : vector<32xbf16>
        %unpack3A_543 = tpu.unpack_subelements %mul3A_542, 0 {pack_format = #tpu.pack_format<interleaved>} : vector<32xbf16> -> vector<16xf32>
        %unpack3A_544 = tpu.unpack_subelements %mul3A_542, 1 {pack_format = #tpu.pack_format<interleaved>} : vector<32xbf16> -> vector<16xf32>
        %add3A_545 = arith.addf %unpack3A_543, %unpack3A_544 : vector<16xf32>
        %add3A_546 = arith.addf %scan3A_451, %add3A_545 : vector<16xf32>
        %gather3A_547 = arith.constant 0 : i32
        %gather3A_548 = arith.constant 0 : i32
        %gather3A_549 = tpu.memref_slice %arg8[%scan3A_184, %gather3A_547, %gather3A_548] : memref<3x128x64xi32, #tpu.memory_space<vmem>> -> memref<1x128x64xi32, #tpu.memory_space<vmem>>
        %gather3A_550 = tpu.memref_squeeze %gather3A_549 : memref<1x128x64xi32, #tpu.memory_space<vmem>> -> memref<128x64xi32, #tpu.memory_space<vmem>>
        %gather3A_551 = tpu.vector_load_idx %gather3A_550[%add3A_143, %and3A_464] : memref<128x64xi32, #tpu.memory_space<vmem>>[vector<16xi32>, vector<16xi32>], vector<16xi32>,
        %gather3A_552 = arith.constant 0 : i32
        %gather3A_553 = arith.constant 0 : i32
        %gather3A_554 = tpu.memref_slice %arg9[%scan3A_185, %gather3A_552, %gather3A_553] : memref<3x128x64xi32, #tpu.memory_space<vmem>> -> memref<1x128x64xi32, #tpu.memory_space<vmem>>
        %gather3A_555 = tpu.memref_squeeze %gather3A_554 : memref<1x128x64xi32, #tpu.memory_space<vmem>> -> memref<128x64xi32, #tpu.memory_space<vmem>>
        %gather3A_556 = tpu.vector_load_idx %gather3A_555[%add3A_143, %and3A_464] : memref<128x64xi32, #tpu.memory_space<vmem>>[vector<16xi32>, vector<16xi32>], vector<16xi32>,
        %bitcast3A_557 = vector.bitcast %gather3A_551 : vector<16xi32> to vector<32xbf16>
        %bitcast3A_558 = vector.bitcast %gather3A_556 : vector<16xi32> to vector<32xbf16>
        %mul3A_559 = arith.mulf %bitcast3A_557, %bitcast3A_558 : vector<32xbf16>
        %unpack3A_560 = tpu.unpack_subelements %mul3A_559, 0 {pack_format = #tpu.pack_format<interleaved>} : vector<32xbf16> -> vector<16xf32>
        %unpack3A_561 = tpu.unpack_subelements %mul3A_559, 1 {pack_format = #tpu.pack_format<interleaved>} : vector<32xbf16> -> vector<16xf32>
        %add3A_562 = arith.addf %unpack3A_560, %unpack3A_561 : vector<16xf32>
        %add3A_563 = arith.addf %scan3A_452, %add3A_562 : vector<16xf32>
        %gather3A_564 = arith.constant 0 : i32
        %gather3A_565 = arith.constant 0 : i32
        %gather3A_566 = tpu.memref_slice %arg8[%scan3A_184, %gather3A_564, %gather3A_565] : memref<3x128x64xi32, #tpu.memory_space<vmem>> -> memref<1x128x64xi32, #tpu.memory_space<vmem>>
        %gather3A_567 = tpu.memref_squeeze %gather3A_566 : memref<1x128x64xi32, #tpu.memory_space<vmem>> -> memref<128x64xi32, #tpu.memory_space<vmem>>
        %gather3A_568 = tpu.vector_load_idx %gather3A_567[%add3A_146, %and3A_464] : memref<128x64xi32, #tpu.memory_space<vmem>>[vector<16xi32>, vector<16xi32>], vector<16xi32>,
        %gather3A_569 = arith.constant 0 : i32
        %gather3A_570 = arith.constant 0 : i32
        %gather3A_571 = tpu.memref_slice %arg9[%scan3A_185, %gather3A_569, %gather3A_570] : memref<3x128x64xi32, #tpu.memory_space<vmem>> -> memref<1x128x64xi32, #tpu.memory_space<vmem>>
        %gather3A_572 = tpu.memref_squeeze %gather3A_571 : memref<1x128x64xi32, #tpu.memory_space<vmem>> -> memref<128x64xi32, #tpu.memory_space<vmem>>
        %gather3A_573 = tpu.vector_load_idx %gather3A_572[%add3A_146, %and3A_464] : memref<128x64xi32, #tpu.memory_space<vmem>>[vector<16xi32>, vector<16xi32>], vector<16xi32>,
        %bitcast3A_574 = vector.bitcast %gather3A_568 : vector<16xi32> to vector<32xbf16>
        %bitcast3A_575 = vector.bitcast %gather3A_573 : vector<16xi32> to vector<32xbf16>
        %mul3A_576 = arith.mulf %bitcast3A_574, %bitcast3A_575 : vector<32xbf16>
        %unpack3A_577 = tpu.unpack_subelements %mul3A_576, 0 {pack_format = #tpu.pack_format<interleaved>} : vector<32xbf16> -> vector<16xf32>
        %unpack3A_578 = tpu.unpack_subelements %mul3A_576, 1 {pack_format = #tpu.pack_format<interleaved>} : vector<32xbf16> -> vector<16xf32>
        %add3A_579 = arith.addf %unpack3A_577, %unpack3A_578 : vector<16xf32>
        %add3A_580 = arith.addf %scan3A_453, %add3A_579 : vector<16xf32>
        %gather3A_581 = arith.constant 0 : i32
        %gather3A_582 = arith.constant 0 : i32
        %gather3A_583 = tpu.memref_slice %arg8[%scan3A_184, %gather3A_581, %gather3A_582] : memref<3x128x64xi32, #tpu.memory_space<vmem>> -> memref<1x128x64xi32, #tpu.memory_space<vmem>>
        %gather3A_584 = tpu.memref_squeeze %gather3A_583 : memref<1x128x64xi32, #tpu.memory_space<vmem>> -> memref<128x64xi32, #tpu.memory_space<vmem>>
        %gather3A_585 = tpu.vector_load_idx %gather3A_584[%add3A_149, %and3A_464] : memref<128x64xi32, #tpu.memory_space<vmem>>[vector<16xi32>, vector<16xi32>], vector<16xi32>,
        %gather3A_586 = arith.constant 0 : i32
        %gather3A_587 = arith.constant 0 : i32
        %gather3A_588 = tpu.memref_slice %arg9[%scan3A_185, %gather3A_586, %gather3A_587] : memref<3x128x64xi32, #tpu.memory_space<vmem>> -> memref<1x128x64xi32, #tpu.memory_space<vmem>>
        %gather3A_589 = tpu.memref_squeeze %gather3A_588 : memref<1x128x64xi32, #tpu.memory_space<vmem>> -> memref<128x64xi32, #tpu.memory_space<vmem>>
        %gather3A_590 = tpu.vector_load_idx %gather3A_589[%add3A_149, %and3A_464] : memref<128x64xi32, #tpu.memory_space<vmem>>[vector<16xi32>, vector<16xi32>], vector<16xi32>,
        %bitcast3A_591 = vector.bitcast %gather3A_585 : vector<16xi32> to vector<32xbf16>
        %bitcast3A_592 = vector.bitcast %gather3A_590 : vector<16xi32> to vector<32xbf16>
        %mul3A_593 = arith.mulf %bitcast3A_591, %bitcast3A_592 : vector<32xbf16>
        %unpack3A_594 = tpu.unpack_subelements %mul3A_593, 0 {pack_format = #tpu.pack_format<interleaved>} : vector<32xbf16> -> vector<16xf32>
        %unpack3A_595 = tpu.unpack_subelements %mul3A_593, 1 {pack_format = #tpu.pack_format<interleaved>} : vector<32xbf16> -> vector<16xf32>
        %add3A_596 = arith.addf %unpack3A_594, %unpack3A_595 : vector<16xf32>
        %add3A_597 = arith.addf %scan3A_454, %add3A_596 : vector<16xf32>
        %add3A_598 = vector.broadcast %add3A_458 : i32 to vector<16xi32>
        %add3A_599 = arith.addi %iota3A, %add3A_598 : vector<16xi32>
        %and3A_600 = arith.constant 63 : i32
        %and3A_601 = vector.broadcast %and3A_600 : i32 to vector<16xi32>
        %and3A_602 = arith.andi %add3A_599, %and3A_601 : vector<16xi32>
        %gather3A_603 = arith.constant 0 : i32
        %gather3A_604 = arith.constant 0 : i32
        %gather3A_605 = tpu.memref_slice %arg8[%scan3A_184, %gather3A_603, %gather3A_604] : memref<3x128x64xi32, #tpu.memory_space<vmem>> -> memref<1x128x64xi32, #tpu.memory_space<vmem>>
        %gather3A_606 = tpu.memref_squeeze %gather3A_605 : memref<1x128x64xi32, #tpu.memory_space<vmem>> -> memref<128x64xi32, #tpu.memory_space<vmem>>
        %gather3A_607 = tpu.vector_load_idx %gather3A_606[%add3A_128, %and3A_602] : memref<128x64xi32, #tpu.memory_space<vmem>>[vector<16xi32>, vector<16xi32>], vector<16xi32>,
        %gather3A_608 = arith.constant 0 : i32
        %gather3A_609 = arith.constant 0 : i32
        %gather3A_610 = tpu.memref_slice %arg9[%scan3A_185, %gather3A_608, %gather3A_609] : memref<3x128x64xi32, #tpu.memory_space<vmem>> -> memref<1x128x64xi32, #tpu.memory_space<vmem>>
        %gather3A_611 = tpu.memref_squeeze %gather3A_610 : memref<1x128x64xi32, #tpu.memory_space<vmem>> -> memref<128x64xi32, #tpu.memory_space<vmem>>
        %gather3A_612 = tpu.vector_load_idx %gather3A_611[%add3A_128, %and3A_602] : memref<128x64xi32, #tpu.memory_space<vmem>>[vector<16xi32>, vector<16xi32>], vector<16xi32>,
        %bitcast3A_613 = vector.bitcast %gather3A_607 : vector<16xi32> to vector<32xbf16>
        %bitcast3A_614 = vector.bitcast %gather3A_612 : vector<16xi32> to vector<32xbf16>
        %mul3A_615 = arith.mulf %bitcast3A_613, %bitcast3A_614 : vector<32xbf16>
        %unpack3A_616 = tpu.unpack_subelements %mul3A_615, 0 {pack_format = #tpu.pack_format<interleaved>} : vector<32xbf16> -> vector<16xf32>
        %unpack3A_617 = tpu.unpack_subelements %mul3A_615, 1 {pack_format = #tpu.pack_format<interleaved>} : vector<32xbf16> -> vector<16xf32>
        %add3A_618 = arith.addf %unpack3A_616, %unpack3A_617 : vector<16xf32>
        %add3A_619 = arith.addf %add3A_478, %add3A_618 : vector<16xf32>
        %gather3A_620 = arith.constant 0 : i32
        %gather3A_621 = arith.constant 0 : i32
        %gather3A_622 = tpu.memref_slice %arg8[%scan3A_184, %gather3A_620, %gather3A_621] : memref<3x128x64xi32, #tpu.memory_space<vmem>> -> memref<1x128x64xi32, #tpu.memory_space<vmem>>
        %gather3A_623 = tpu.memref_squeeze %gather3A_622 : memref<1x128x64xi32, #tpu.memory_space<vmem>> -> memref<128x64xi32, #tpu.memory_space<vmem>>
        %gather3A_624 = tpu.vector_load_idx %gather3A_623[%add3A_131, %and3A_602] : memref<128x64xi32, #tpu.memory_space<vmem>>[vector<16xi32>, vector<16xi32>], vector<16xi32>,
        %gather3A_625 = arith.constant 0 : i32
        %gather3A_626 = arith.constant 0 : i32
        %gather3A_627 = tpu.memref_slice %arg9[%scan3A_185, %gather3A_625, %gather3A_626] : memref<3x128x64xi32, #tpu.memory_space<vmem>> -> memref<1x128x64xi32, #tpu.memory_space<vmem>>
        %gather3A_628 = tpu.memref_squeeze %gather3A_627 : memref<1x128x64xi32, #tpu.memory_space<vmem>> -> memref<128x64xi32, #tpu.memory_space<vmem>>
        %gather3A_629 = tpu.vector_load_idx %gather3A_628[%add3A_131, %and3A_602] : memref<128x64xi32, #tpu.memory_space<vmem>>[vector<16xi32>, vector<16xi32>], vector<16xi32>,
        %bitcast3A_630 = vector.bitcast %gather3A_624 : vector<16xi32> to vector<32xbf16>
        %bitcast3A_631 = vector.bitcast %gather3A_629 : vector<16xi32> to vector<32xbf16>
        %mul3A_632 = arith.mulf %bitcast3A_630, %bitcast3A_631 : vector<32xbf16>
        %unpack3A_633 = tpu.unpack_subelements %mul3A_632, 0 {pack_format = #tpu.pack_format<interleaved>} : vector<32xbf16> -> vector<16xf32>
        %unpack3A_634 = tpu.unpack_subelements %mul3A_632, 1 {pack_format = #tpu.pack_format<interleaved>} : vector<32xbf16> -> vector<16xf32>
        %add3A_635 = arith.addf %unpack3A_633, %unpack3A_634 : vector<16xf32>
        %add3A_636 = arith.addf %add3A_495, %add3A_635 : vector<16xf32>
        %gather3A_637 = arith.constant 0 : i32
        %gather3A_638 = arith.constant 0 : i32
        %gather3A_639 = tpu.memref_slice %arg8[%scan3A_184, %gather3A_637, %gather3A_638] : memref<3x128x64xi32, #tpu.memory_space<vmem>> -> memref<1x128x64xi32, #tpu.memory_space<vmem>>
        %gather3A_640 = tpu.memref_squeeze %gather3A_639 : memref<1x128x64xi32, #tpu.memory_space<vmem>> -> memref<128x64xi32, #tpu.memory_space<vmem>>
        %gather3A_641 = tpu.vector_load_idx %gather3A_640[%add3A_134, %and3A_602] : memref<128x64xi32, #tpu.memory_space<vmem>>[vector<16xi32>, vector<16xi32>], vector<16xi32>,
        %gather3A_642 = arith.constant 0 : i32
        %gather3A_643 = arith.constant 0 : i32
        %gather3A_644 = tpu.memref_slice %arg9[%scan3A_185, %gather3A_642, %gather3A_643] : memref<3x128x64xi32, #tpu.memory_space<vmem>> -> memref<1x128x64xi32, #tpu.memory_space<vmem>>
        %gather3A_645 = tpu.memref_squeeze %gather3A_644 : memref<1x128x64xi32, #tpu.memory_space<vmem>> -> memref<128x64xi32, #tpu.memory_space<vmem>>
        %gather3A_646 = tpu.vector_load_idx %gather3A_645[%add3A_134, %and3A_602] : memref<128x64xi32, #tpu.memory_space<vmem>>[vector<16xi32>, vector<16xi32>], vector<16xi32>,
        %bitcast3A_647 = vector.bitcast %gather3A_641 : vector<16xi32> to vector<32xbf16>
        %bitcast3A_648 = vector.bitcast %gather3A_646 : vector<16xi32> to vector<32xbf16>
        %mul3A_649 = arith.mulf %bitcast3A_647, %bitcast3A_648 : vector<32xbf16>
        %unpack3A_650 = tpu.unpack_subelements %mul3A_649, 0 {pack_format = #tpu.pack_format<interleaved>} : vector<32xbf16> -> vector<16xf32>
        %unpack3A_651 = tpu.unpack_subelements %mul3A_649, 1 {pack_format = #tpu.pack_format<interleaved>} : vector<32xbf16> -> vector<16xf32>
        %add3A_652 = arith.addf %unpack3A_650, %unpack3A_651 : vector<16xf32>
        %add3A_653 = arith.addf %add3A_512, %add3A_652 : vector<16xf32>
        %gather3A_654 = arith.constant 0 : i32
        %gather3A_655 = arith.constant 0 : i32
        %gather3A_656 = tpu.memref_slice %arg8[%scan3A_184, %gather3A_654, %gather3A_655] : memref<3x128x64xi32, #tpu.memory_space<vmem>> -> memref<1x128x64xi32, #tpu.memory_space<vmem>>
        %gather3A_657 = tpu.memref_squeeze %gather3A_656 : memref<1x128x64xi32, #tpu.memory_space<vmem>> -> memref<128x64xi32, #tpu.memory_space<vmem>>
        %gather3A_658 = tpu.vector_load_idx %gather3A_657[%add3A_137, %and3A_602] : memref<128x64xi32, #tpu.memory_space<vmem>>[vector<16xi32>, vector<16xi32>], vector<16xi32>,
        %gather3A_659 = arith.constant 0 : i32
        %gather3A_660 = arith.constant 0 : i32
        %gather3A_661 = tpu.memref_slice %arg9[%scan3A_185, %gather3A_659, %gather3A_660] : memref<3x128x64xi32, #tpu.memory_space<vmem>> -> memref<1x128x64xi32, #tpu.memory_space<vmem>>
        %gather3A_662 = tpu.memref_squeeze %gather3A_661 : memref<1x128x64xi32, #tpu.memory_space<vmem>> -> memref<128x64xi32, #tpu.memory_space<vmem>>
        %gather3A_663 = tpu.vector_load_idx %gather3A_662[%add3A_137, %and3A_602] : memref<128x64xi32, #tpu.memory_space<vmem>>[vector<16xi32>, vector<16xi32>], vector<16xi32>,
        %bitcast3A_664 = vector.bitcast %gather3A_658 : vector<16xi32> to vector<32xbf16>
        %bitcast3A_665 = vector.bitcast %gather3A_663 : vector<16xi32> to vector<32xbf16>
        %mul3A_666 = arith.mulf %bitcast3A_664, %bitcast3A_665 : vector<32xbf16>
        %unpack3A_667 = tpu.unpack_subelements %mul3A_666, 0 {pack_format = #tpu.pack_format<interleaved>} : vector<32xbf16> -> vector<16xf32>
        %unpack3A_668 = tpu.unpack_subelements %mul3A_666, 1 {pack_format = #tpu.pack_format<interleaved>} : vector<32xbf16> -> vector<16xf32>
        %add3A_669 = arith.addf %unpack3A_667, %unpack3A_668 : vector<16xf32>
        %add3A_670 = arith.addf %add3A_529, %add3A_669 : vector<16xf32>
        %gather3A_671 = arith.constant 0 : i32
        %gather3A_672 = arith.constant 0 : i32
        %gather3A_673 = tpu.memref_slice %arg8[%scan3A_184, %gather3A_671, %gather3A_672] : memref<3x128x64xi32, #tpu.memory_space<vmem>> -> memref<1x128x64xi32, #tpu.memory_space<vmem>>
        %gather3A_674 = tpu.memref_squeeze %gather3A_673 : memref<1x128x64xi32, #tpu.memory_space<vmem>> -> memref<128x64xi32, #tpu.memory_space<vmem>>
        %gather3A_675 = tpu.vector_load_idx %gather3A_674[%add3A_140, %and3A_602] : memref<128x64xi32, #tpu.memory_space<vmem>>[vector<16xi32>, vector<16xi32>], vector<16xi32>,
        %gather3A_676 = arith.constant 0 : i32
        %gather3A_677 = arith.constant 0 : i32
        %gather3A_678 = tpu.memref_slice %arg9[%scan3A_185, %gather3A_676, %gather3A_677] : memref<3x128x64xi32, #tpu.memory_space<vmem>> -> memref<1x128x64xi32, #tpu.memory_space<vmem>>
        %gather3A_679 = tpu.memref_squeeze %gather3A_678 : memref<1x128x64xi32, #tpu.memory_space<vmem>> -> memref<128x64xi32, #tpu.memory_space<vmem>>
        %gather3A_680 = tpu.vector_load_idx %gather3A_679[%add3A_140, %and3A_602] : memref<128x64xi32, #tpu.memory_space<vmem>>[vector<16xi32>, vector<16xi32>], vector<16xi32>,
        %bitcast3A_681 = vector.bitcast %gather3A_675 : vector<16xi32> to vector<32xbf16>
        %bitcast3A_682 = vector.bitcast %gather3A_680 : vector<16xi32> to vector<32xbf16>
        %mul3A_683 = arith.mulf %bitcast3A_681, %bitcast3A_682 : vector<32xbf16>
        %unpack3A_684 = tpu.unpack_subelements %mul3A_683, 0 {pack_format = #tpu.pack_format<interleaved>} : vector<32xbf16> -> vector<16xf32>
        %unpack3A_685 = tpu.unpack_subelements %mul3A_683, 1 {pack_format = #tpu.pack_format<interleaved>} : vector<32xbf16> -> vector<16xf32>
        %add3A_686 = arith.addf %unpack3A_684, %unpack3A_685 : vector<16xf32>
        %add3A_687 = arith.addf %add3A_546, %add3A_686 : vector<16xf32>
        %gather3A_688 = arith.constant 0 : i32
        %gather3A_689 = arith.constant 0 : i32
        %gather3A_690 = tpu.memref_slice %arg8[%scan3A_184, %gather3A_688, %gather3A_689] : memref<3x128x64xi32, #tpu.memory_space<vmem>> -> memref<1x128x64xi32, #tpu.memory_space<vmem>>
        %gather3A_691 = tpu.memref_squeeze %gather3A_690 : memref<1x128x64xi32, #tpu.memory_space<vmem>> -> memref<128x64xi32, #tpu.memory_space<vmem>>
        %gather3A_692 = tpu.vector_load_idx %gather3A_691[%add3A_143, %and3A_602] : memref<128x64xi32, #tpu.memory_space<vmem>>[vector<16xi32>, vector<16xi32>], vector<16xi32>,
        %gather3A_693 = arith.constant 0 : i32
        %gather3A_694 = arith.constant 0 : i32
        %gather3A_695 = tpu.memref_slice %arg9[%scan3A_185, %gather3A_693, %gather3A_694] : memref<3x128x64xi32, #tpu.memory_space<vmem>> -> memref<1x128x64xi32, #tpu.memory_space<vmem>>
        %gather3A_696 = tpu.memref_squeeze %gather3A_695 : memref<1x128x64xi32, #tpu.memory_space<vmem>> -> memref<128x64xi32, #tpu.memory_space<vmem>>
        %gather3A_697 = tpu.vector_load_idx %gather3A_696[%add3A_143, %and3A_602] : memref<128x64xi32, #tpu.memory_space<vmem>>[vector<16xi32>, vector<16xi32>], vector<16xi32>,
        %bitcast3A_698 = vector.bitcast %gather3A_692 : vector<16xi32> to vector<32xbf16>
        %bitcast3A_699 = vector.bitcast %gather3A_697 : vector<16xi32> to vector<32xbf16>
        %mul3A_700 = arith.mulf %bitcast3A_698, %bitcast3A_699 : vector<32xbf16>
        %unpack3A_701 = tpu.unpack_subelements %mul3A_700, 0 {pack_format = #tpu.pack_format<interleaved>} : vector<32xbf16> -> vector<16xf32>
        %unpack3A_702 = tpu.unpack_subelements %mul3A_700, 1 {pack_format = #tpu.pack_format<interleaved>} : vector<32xbf16> -> vector<16xf32>
        %add3A_703 = arith.addf %unpack3A_701, %unpack3A_702 : vector<16xf32>
        %add3A_704 = arith.addf %add3A_563, %add3A_703 : vector<16xf32>
        %gather3A_705 = arith.constant 0 : i32
        %gather3A_706 = arith.constant 0 : i32
        %gather3A_707 = tpu.memref_slice %arg8[%scan3A_184, %gather3A_705, %gather3A_706] : memref<3x128x64xi32, #tpu.memory_space<vmem>> -> memref<1x128x64xi32, #tpu.memory_space<vmem>>
        %gather3A_708 = tpu.memref_squeeze %gather3A_707 : memref<1x128x64xi32, #tpu.memory_space<vmem>> -> memref<128x64xi32, #tpu.memory_space<vmem>>
        %gather3A_709 = tpu.vector_load_idx %gather3A_708[%add3A_146, %and3A_602] : memref<128x64xi32, #tpu.memory_space<vmem>>[vector<16xi32>, vector<16xi32>], vector<16xi32>,
        %gather3A_710 = arith.constant 0 : i32
        %gather3A_711 = arith.constant 0 : i32
        %gather3A_712 = tpu.memref_slice %arg9[%scan3A_185, %gather3A_710, %gather3A_711] : memref<3x128x64xi32, #tpu.memory_space<vmem>> -> memref<1x128x64xi32, #tpu.memory_space<vmem>>
        %gather3A_713 = tpu.memref_squeeze %gather3A_712 : memref<1x128x64xi32, #tpu.memory_space<vmem>> -> memref<128x64xi32, #tpu.memory_space<vmem>>
        %gather3A_714 = tpu.vector_load_idx %gather3A_713[%add3A_146, %and3A_602] : memref<128x64xi32, #tpu.memory_space<vmem>>[vector<16xi32>, vector<16xi32>], vector<16xi32>,
        %bitcast3A_715 = vector.bitcast %gather3A_709 : vector<16xi32> to vector<32xbf16>
        %bitcast3A_716 = vector.bitcast %gather3A_714 : vector<16xi32> to vector<32xbf16>
        %mul3A_717 = arith.mulf %bitcast3A_715, %bitcast3A_716 : vector<32xbf16>
        %unpack3A_718 = tpu.unpack_subelements %mul3A_717, 0 {pack_format = #tpu.pack_format<interleaved>} : vector<32xbf16> -> vector<16xf32>
        %unpack3A_719 = tpu.unpack_subelements %mul3A_717, 1 {pack_format = #tpu.pack_format<interleaved>} : vector<32xbf16> -> vector<16xf32>
        %add3A_720 = arith.addf %unpack3A_718, %unpack3A_719 : vector<16xf32>
        %add3A_721 = arith.addf %add3A_580, %add3A_720 : vector<16xf32>
        %gather3A_722 = arith.constant 0 : i32
        %gather3A_723 = arith.constant 0 : i32
        %gather3A_724 = tpu.memref_slice %arg8[%scan3A_184, %gather3A_722, %gather3A_723] : memref<3x128x64xi32, #tpu.memory_space<vmem>> -> memref<1x128x64xi32, #tpu.memory_space<vmem>>
        %gather3A_725 = tpu.memref_squeeze %gather3A_724 : memref<1x128x64xi32, #tpu.memory_space<vmem>> -> memref<128x64xi32, #tpu.memory_space<vmem>>
        %gather3A_726 = tpu.vector_load_idx %gather3A_725[%add3A_149, %and3A_602] : memref<128x64xi32, #tpu.memory_space<vmem>>[vector<16xi32>, vector<16xi32>], vector<16xi32>,
        %gather3A_727 = arith.constant 0 : i32
        %gather3A_728 = arith.constant 0 : i32
        %gather3A_729 = tpu.memref_slice %arg9[%scan3A_185, %gather3A_727, %gather3A_728] : memref<3x128x64xi32, #tpu.memory_space<vmem>> -> memref<1x128x64xi32, #tpu.memory_space<vmem>>
        %gather3A_730 = tpu.memref_squeeze %gather3A_729 : memref<1x128x64xi32, #tpu.memory_space<vmem>> -> memref<128x64xi32, #tpu.memory_space<vmem>>
        %gather3A_731 = tpu.vector_load_idx %gather3A_730[%add3A_149, %and3A_602] : memref<128x64xi32, #tpu.memory_space<vmem>>[vector<16xi32>, vector<16xi32>], vector<16xi32>,
        %bitcast3A_732 = vector.bitcast %gather3A_726 : vector<16xi32> to vector<32xbf16>
        %bitcast3A_733 = vector.bitcast %gather3A_731 : vector<16xi32> to vector<32xbf16>
        %mul3A_734 = arith.mulf %bitcast3A_732, %bitcast3A_733 : vector<32xbf16>
        %unpack3A_735 = tpu.unpack_subelements %mul3A_734, 0 {pack_format = #tpu.pack_format<interleaved>} : vector<32xbf16> -> vector<16xf32>
        %unpack3A_736 = tpu.unpack_subelements %mul3A_734, 1 {pack_format = #tpu.pack_format<interleaved>} : vector<32xbf16> -> vector<16xf32>
        %add3A_737 = arith.addf %unpack3A_735, %unpack3A_736 : vector<16xf32>
        %add3A_738 = arith.addf %add3A_597, %add3A_737 : vector<16xf32>
        scf.yield %add3A_619, %add3A_636, %add3A_653, %add3A_670, %add3A_687, %add3A_704, %add3A_721, %add3A_738 : vector<16xf32>, vector<16xf32>, vector<16xf32>, vector<16xf32>, vector<16xf32>, vector<16xf32>, vector<16xf32>, vector<16xf32>
      }
      %scan3A_191 = arith.constant 32 : i32
      %add3A_192 = arith.constant 0 : i32
      %add3A_193 = arith.addi %mul3A_125, %add3A_192 : i32
      %swap3A_194 = arith.index_cast %add3A_193 : i32 to index
      %swap3A_195 = tpu.vector_load %arg10[%swap3A_194] {strides = array<i32>} : memref<20000xf32, #tpu.memory_space<vmem>>, vector<16xf32>,
      tpu.vector_store %arg10[%swap3A_194], %scan3A_190#0 {strides = array<i32>} : memref<20000xf32, #tpu.memory_space<vmem>>, vector<16xf32>,
      %add3A_196 = arith.constant 16 : i32
      %add3A_197 = arith.addi %mul3A_125, %add3A_196 : i32
      %swap3A_198 = arith.index_cast %add3A_197 : i32 to index
      %swap3A_199 = tpu.vector_load %arg10[%swap3A_198] {strides = array<i32>} : memref<20000xf32, #tpu.memory_space<vmem>>, vector<16xf32>,
      tpu.vector_store %arg10[%swap3A_198], %scan3A_190#1 {strides = array<i32>} : memref<20000xf32, #tpu.memory_space<vmem>>, vector<16xf32>,
      %add3A_200 = arith.constant 32 : i32
      %add3A_201 = arith.addi %mul3A_125, %add3A_200 : i32
      %swap3A_202 = arith.index_cast %add3A_201 : i32 to index
      %swap3A_203 = tpu.vector_load %arg10[%swap3A_202] {strides = array<i32>} : memref<20000xf32, #tpu.memory_space<vmem>>, vector<16xf32>,
      tpu.vector_store %arg10[%swap3A_202], %scan3A_190#2 {strides = array<i32>} : memref<20000xf32, #tpu.memory_space<vmem>>, vector<16xf32>,
      %add3A_204 = arith.constant 48 : i32
      %add3A_205 = arith.addi %mul3A_125, %add3A_204 : i32
      %swap3A_206 = arith.index_cast %add3A_205 : i32 to index
      %swap3A_207 = tpu.vector_load %arg10[%swap3A_206] {strides = array<i32>} : memref<20000xf32, #tpu.memory_space<vmem>>, vector<16xf32>,
      tpu.vector_store %arg10[%swap3A_206], %scan3A_190#3 {strides = array<i32>} : memref<20000xf32, #tpu.memory_space<vmem>>, vector<16xf32>,
      %add3A_208 = arith.constant 64 : i32
      %add3A_209 = arith.addi %mul3A_125, %add3A_208 : i32
      %swap3A_210 = arith.index_cast %add3A_209 : i32 to index
      %swap3A_211 = tpu.vector_load %arg10[%swap3A_210] {strides = array<i32>} : memref<20000xf32, #tpu.memory_space<vmem>>, vector<16xf32>,
      tpu.vector_store %arg10[%swap3A_210], %scan3A_190#4 {strides = array<i32>} : memref<20000xf32, #tpu.memory_space<vmem>>, vector<16xf32>,
      %add3A_212 = arith.constant 80 : i32
      %add3A_213 = arith.addi %mul3A_125, %add3A_212 : i32
      %swap3A_214 = arith.index_cast %add3A_213 : i32 to index
      %swap3A_215 = tpu.vector_load %arg10[%swap3A_214] {strides = array<i32>} : memref<20000xf32, #tpu.memory_space<vmem>>, vector<16xf32>,
      tpu.vector_store %arg10[%swap3A_214], %scan3A_190#5 {strides = array<i32>} : memref<20000xf32, #tpu.memory_space<vmem>>, vector<16xf32>,
      %add3A_216 = arith.constant 96 : i32
      %add3A_217 = arith.addi %mul3A_125, %add3A_216 : i32
      %swap3A_218 = arith.index_cast %add3A_217 : i32 to index
      %swap3A_219 = tpu.vector_load %arg10[%swap3A_218] {strides = array<i32>} : memref<20000xf32, #tpu.memory_space<vmem>>, vector<16xf32>,
      tpu.vector_store %arg10[%swap3A_218], %scan3A_190#6 {strides = array<i32>} : memref<20000xf32, #tpu.memory_space<vmem>>, vector<16xf32>,
      %add3A_220 = arith.constant 112 : i32
      %add3A_221 = arith.addi %mul3A_125, %add3A_220 : i32
      %swap3A_222 = arith.index_cast %add3A_221 : i32 to index
      %swap3A_223 = tpu.vector_load %arg10[%swap3A_222] {strides = array<i32>} : memref<20000xf32, #tpu.memory_space<vmem>>, vector<16xf32>,
      tpu.vector_store %arg10[%swap3A_222], %scan3A_190#7 {strides = array<i32>} : memref<20000xf32, #tpu.memory_space<vmem>>, vector<16xf32>,
      %mul3A_224 = arith.constant 3 : i32
      %mul3A_225 = arith.muli %mul3A_224, %scan3A_113 : i32
      %add3A_226 = arith.constant 1 : i32
      %add3A_227 = arith.addi %mul3A_225, %add3A_226 : i32
      %add3A_228 = arith.constant 2 : i32
      %add3A_229 = arith.addi %add3A_227, %add3A_228 : i32
      %lt3A_230 = arith.constant 156 : i32
      %lt3A_231 = arith.cmpi slt, %add3A_229, %lt3A_230 : i32
      %convert_element_type3A_232 = arith.extui %lt3A_231 : i1 to i32
      %cond3A_233 = arith.constant 0 : i32
      %cond3A_234 = arith.cmpi ne, %convert_element_type3A_232, %cond3A_233 : i32
      scf.if %cond3A_234 {
        %add3A_446 = arith.constant 2 : i32
        %add3A_447 = arith.addi %add3A_227, %add3A_446 : i32
        %mul3A_448 = arith.constant 128 : i32
        %mul3A_449 = arith.muli %add3A_447, %mul3A_448 : i32
        %dma_start3A_450 = arith.constant 0 : i32
        %dma_start3A_451 = arith.constant 0 : i32
        %dma_start3A_452 = arith.constant 0 : i32
        %dma_start3A_453 = tpu.memref_slice %arg8[%dma_start3A_450, %dma_start3A_451, %dma_start3A_452] : memref<3x128x64xi32, #tpu.memory_space<vmem>> -> memref<1x128x64xi32, #tpu.memory_space<vmem>>
        %dma_start3A_454 = tpu.memref_squeeze %dma_start3A_453 : memref<1x128x64xi32, #tpu.memory_space<vmem>> -> memref<128x64xi32, #tpu.memory_space<vmem>>
        %dma_start3A_455 = tpu.memref_slice %arg6[%mul3A_449] : memref<20000xi32, #tpu.memory_space<vmem>> -> memref<128xi32, #tpu.memory_space<vmem>>
        %dma_start3A_456 = arith.constant 0 : i32
        %dma_start3A_457 = arith.constant 0 : i32
        %dma_start3A_458 = tpu.memref_slice %arg2[%dma_start3A_456, %dma_start3A_457] : memref<10000x64xi32, #tpu.memory_space<hbm>> -> memref<10000x64xi32, #tpu.memory_space<hbm>>
        tpu.enqueue_indirect_dma source(%dma_start3A_458 : memref<10000x64xi32, #tpu.memory_space<hbm>>) target(%dma_start3A_454 : memref<128x64xi32, #tpu.memory_space<vmem>>) offsets(%dma_start3A_455 : memref<128xi32, #tpu.memory_space<vmem>>) semaphore(%arg11 : memref<!tpu.dma_semaphore, #tpu.memory_space<semaphore_mem>>)
        %dma_start3A_459 = arith.constant 0 : i32
        %dma_start3A_460 = arith.constant 0 : i32
        %dma_start3A_461 = arith.constant 0 : i32
        %dma_start3A_462 = tpu.memref_slice %arg9[%dma_start3A_459, %dma_start3A_460, %dma_start3A_461] : memref<3x128x64xi32, #tpu.memory_space<vmem>> -> memref<1x128x64xi32, #tpu.memory_space<vmem>>
        %dma_start3A_463 = tpu.memref_squeeze %dma_start3A_462 : memref<1x128x64xi32, #tpu.memory_space<vmem>> -> memref<128x64xi32, #tpu.memory_space<vmem>>
        %dma_start3A_464 = tpu.memref_slice %arg7[%mul3A_449] : memref<20000xi32, #tpu.memory_space<vmem>> -> memref<128xi32, #tpu.memory_space<vmem>>
        %dma_start3A_465 = arith.constant 0 : i32
        %dma_start3A_466 = arith.constant 0 : i32
        %dma_start3A_467 = tpu.memref_slice %arg2[%dma_start3A_465, %dma_start3A_466] : memref<10000x64xi32, #tpu.memory_space<hbm>> -> memref<10000x64xi32, #tpu.memory_space<hbm>>
        tpu.enqueue_indirect_dma source(%dma_start3A_467 : memref<10000x64xi32, #tpu.memory_space<hbm>>) target(%dma_start3A_463 : memref<128x64xi32, #tpu.memory_space<vmem>>) offsets(%dma_start3A_464 : memref<128xi32, #tpu.memory_space<vmem>>) semaphore(%arg12 : memref<!tpu.dma_semaphore, #tpu.memory_space<semaphore_mem>>)
      } else {
      }
      %mul3A_235 = arith.constant 128 : i32
      %mul3A_236 = arith.muli %add3A_227, %mul3A_235 : i32
      %add3A_237 = arith.constant 0 : i32
      %add3A_238 = vector.broadcast %add3A_237 : i32 to vector<16xi32>
      %add3A_239 = arith.addi %iota3A, %add3A_238 : vector<16xi32>
      %add3A_240 = arith.constant 16 : i32
      %add3A_241 = vector.broadcast %add3A_240 : i32 to vector<16xi32>
      %add3A_242 = arith.addi %iota3A, %add3A_241 : vector<16xi32>
      %add3A_243 = arith.constant 32 : i32
      %add3A_244 = vector.broadcast %add3A_243 : i32 to vector<16xi32>
      %add3A_245 = arith.addi %iota3A, %add3A_244 : vector<16xi32>
      %add3A_246 = arith.constant 48 : i32
      %add3A_247 = vector.broadcast %add3A_246 : i32 to vector<16xi32>
      %add3A_248 = arith.addi %iota3A, %add3A_247 : vector<16xi32>
      %add3A_249 = arith.constant 64 : i32
      %add3A_250 = vector.broadcast %add3A_249 : i32 to vector<16xi32>
      %add3A_251 = arith.addi %iota3A, %add3A_250 : vector<16xi32>
      %add3A_252 = arith.constant 80 : i32
      %add3A_253 = vector.broadcast %add3A_252 : i32 to vector<16xi32>
      %add3A_254 = arith.addi %iota3A, %add3A_253 : vector<16xi32>
      %add3A_255 = arith.constant 96 : i32
      %add3A_256 = vector.broadcast %add3A_255 : i32 to vector<16xi32>
      %add3A_257 = arith.addi %iota3A, %add3A_256 : vector<16xi32>
      %add3A_258 = arith.constant 112 : i32
      %add3A_259 = vector.broadcast %add3A_258 : i32 to vector<16xi32>
      %add3A_260 = arith.addi %iota3A, %add3A_259 : vector<16xi32>
      %dma_wait3A_261 = arith.constant 1 : i32
      %dma_wait3A_262 = arith.constant 0 : i32
      %dma_wait3A_263 = arith.constant 0 : i32
      %dma_wait3A_264 = tpu.memref_slice %arg8[%dma_wait3A_261, %dma_wait3A_262, %dma_wait3A_263] : memref<3x128x64xi32, #tpu.memory_space<vmem>> -> memref<1x128x64xi32, #tpu.memory_space<vmem>>
      %dma_wait3A_265 = tpu.memref_squeeze %dma_wait3A_264 : memref<1x128x64xi32, #tpu.memory_space<vmem>> -> memref<128x64xi32, #tpu.memory_space<vmem>>
      %dma_wait3A_266 = tpu.memref_slice %arg6[%mul3A_236] : memref<20000xi32, #tpu.memory_space<vmem>> -> memref<128xi32, #tpu.memory_space<vmem>>
      %dma_wait3A_267 = arith.constant 0 : i32
      %dma_wait3A_268 = arith.constant 0 : i32
      %dma_wait3A_269 = tpu.memref_slice %arg2[%dma_wait3A_267, %dma_wait3A_268] : memref<10000x64xi32, #tpu.memory_space<hbm>> -> memref<10000x64xi32, #tpu.memory_space<hbm>>
      tpu.wait_indirect_dma semaphore(%arg13 : memref<!tpu.dma_semaphore, #tpu.memory_space<semaphore_mem>>) src(%dma_wait3A_269 : memref<10000x64xi32, #tpu.memory_space<hbm>>) dst(%dma_wait3A_265 : memref<128x64xi32, #tpu.memory_space<vmem>>)
      %dma_wait3A_270 = arith.constant 1 : i32
      %dma_wait3A_271 = arith.constant 0 : i32
      %dma_wait3A_272 = arith.constant 0 : i32
      %dma_wait3A_273 = tpu.memref_slice %arg9[%dma_wait3A_270, %dma_wait3A_271, %dma_wait3A_272] : memref<3x128x64xi32, #tpu.memory_space<vmem>> -> memref<1x128x64xi32, #tpu.memory_space<vmem>>
      %dma_wait3A_274 = tpu.memref_squeeze %dma_wait3A_273 : memref<1x128x64xi32, #tpu.memory_space<vmem>> -> memref<128x64xi32, #tpu.memory_space<vmem>>
      %dma_wait3A_275 = tpu.memref_slice %arg7[%mul3A_236] : memref<20000xi32, #tpu.memory_space<vmem>> -> memref<128xi32, #tpu.memory_space<vmem>>
      %dma_wait3A_276 = arith.constant 0 : i32
      %dma_wait3A_277 = arith.constant 0 : i32
      %dma_wait3A_278 = tpu.memref_slice %arg2[%dma_wait3A_276, %dma_wait3A_277] : memref<10000x64xi32, #tpu.memory_space<hbm>> -> memref<10000x64xi32, #tpu.memory_space<hbm>>
      tpu.wait_indirect_dma semaphore(%arg14 : memref<!tpu.dma_semaphore, #tpu.memory_space<semaphore_mem>>) src(%dma_wait3A_278 : memref<10000x64xi32, #tpu.memory_space<hbm>>) dst(%dma_wait3A_274 : memref<128x64xi32, #tpu.memory_space<vmem>>)
      %broadcast_in_dim3A_279 = arith.constant 0.000000e+00 : f32
      %broadcast_in_dim3A_280 = vector.broadcast %broadcast_in_dim3A_279 : f32 to vector<16xf32>
      %broadcast_in_dim3A_281 = arith.constant 0.000000e+00 : f32
      %broadcast_in_dim3A_282 = vector.broadcast %broadcast_in_dim3A_281 : f32 to vector<16xf32>
      %broadcast_in_dim3A_283 = arith.constant 0.000000e+00 : f32
      %broadcast_in_dim3A_284 = vector.broadcast %broadcast_in_dim3A_283 : f32 to vector<16xf32>
      %broadcast_in_dim3A_285 = arith.constant 0.000000e+00 : f32
      %broadcast_in_dim3A_286 = vector.broadcast %broadcast_in_dim3A_285 : f32 to vector<16xf32>
      %broadcast_in_dim3A_287 = arith.constant 0.000000e+00 : f32
      %broadcast_in_dim3A_288 = vector.broadcast %broadcast_in_dim3A_287 : f32 to vector<16xf32>
      %broadcast_in_dim3A_289 = arith.constant 0.000000e+00 : f32
      %broadcast_in_dim3A_290 = vector.broadcast %broadcast_in_dim3A_289 : f32 to vector<16xf32>
      %broadcast_in_dim3A_291 = arith.constant 0.000000e+00 : f32
      %broadcast_in_dim3A_292 = vector.broadcast %broadcast_in_dim3A_291 : f32 to vector<16xf32>
      %broadcast_in_dim3A_293 = arith.constant 0.000000e+00 : f32
      %broadcast_in_dim3A_294 = vector.broadcast %broadcast_in_dim3A_293 : f32 to vector<16xf32>
      %scan3A_295 = arith.constant 1 : i32
      %scan3A_296 = arith.constant 1 : i32
      %scan3A_297 = arith.constant 0 : i32
      %scan3A_298 = arith.constant 32 : i32
      %scan3A_299 = arith.addi %scan3A_297, %scan3A_298 : i32
      %scan3A_300 = arith.constant 1 : i32
      %scan3A_301:8 = scf.for %scan3A_446 = %scan3A_297 to %scan3A_299 step %scan3A_300 iter_args(%scan3A_447 = %broadcast_in_dim3A_280, %scan3A_448 = %broadcast_in_dim3A_282, %scan3A_449 = %broadcast_in_dim3A_284, %scan3A_450 = %broadcast_in_dim3A_286, %scan3A_451 = %broadcast_in_dim3A_288, %scan3A_452 = %broadcast_in_dim3A_290, %scan3A_453 = %broadcast_in_dim3A_292, %scan3A_454 = %broadcast_in_dim3A_294) -> (vector<16xf32>, vector<16xf32>, vector<16xf32>, vector<16xf32>, vector<16xf32>, vector<16xf32>, vector<16xf32>, vector<16xf32>)  : i32 {
        %mul3A_455 = arith.constant 2 : i32
        %mul3A_456 = arith.muli %mul3A_455, %scan3A_446 : i32
        %add3A_457 = arith.constant 1 : i32
        %add3A_458 = arith.addi %mul3A_456, %add3A_457 : i32
        %mul3A_459 = arith.constant 2 : i32
        %mul3A_460 = arith.muli %mul3A_459, %scan3A_446 : i32
        %add3A_461 = vector.broadcast %mul3A_460 : i32 to vector<16xi32>
        %add3A_462 = arith.addi %iota3A, %add3A_461 : vector<16xi32>
        %and3A = arith.constant 63 : i32
        %and3A_463 = vector.broadcast %and3A : i32 to vector<16xi32>
        %and3A_464 = arith.andi %add3A_462, %and3A_463 : vector<16xi32>
        %gather3A = arith.constant 0 : i32
        %gather3A_465 = arith.constant 0 : i32
        %gather3A_466 = tpu.memref_slice %arg8[%scan3A_295, %gather3A, %gather3A_465] : memref<3x128x64xi32, #tpu.memory_space<vmem>> -> memref<1x128x64xi32, #tpu.memory_space<vmem>>
        %gather3A_467 = tpu.memref_squeeze %gather3A_466 : memref<1x128x64xi32, #tpu.memory_space<vmem>> -> memref<128x64xi32, #tpu.memory_space<vmem>>
        %gather3A_468 = tpu.vector_load_idx %gather3A_467[%add3A_239, %and3A_464] : memref<128x64xi32, #tpu.memory_space<vmem>>[vector<16xi32>, vector<16xi32>], vector<16xi32>,
        %gather3A_469 = arith.constant 0 : i32
        %gather3A_470 = arith.constant 0 : i32
        %gather3A_471 = tpu.memref_slice %arg9[%scan3A_296, %gather3A_469, %gather3A_470] : memref<3x128x64xi32, #tpu.memory_space<vmem>> -> memref<1x128x64xi32, #tpu.memory_space<vmem>>
        %gather3A_472 = tpu.memref_squeeze %gather3A_471 : memref<1x128x64xi32, #tpu.memory_space<vmem>> -> memref<128x64xi32, #tpu.memory_space<vmem>>
        %gather3A_473 = tpu.vector_load_idx %gather3A_472[%add3A_239, %and3A_464] : memref<128x64xi32, #tpu.memory_space<vmem>>[vector<16xi32>, vector<16xi32>], vector<16xi32>,
        %bitcast3A = vector.bitcast %gather3A_468 : vector<16xi32> to vector<32xbf16>
        %bitcast3A_474 = vector.bitcast %gather3A_473 : vector<16xi32> to vector<32xbf16>
        %mul3A_475 = arith.mulf %bitcast3A, %bitcast3A_474 : vector<32xbf16>
        %unpack3A = tpu.unpack_subelements %mul3A_475, 0 {pack_format = #tpu.pack_format<interleaved>} : vector<32xbf16> -> vector<16xf32>
        %unpack3A_476 = tpu.unpack_subelements %mul3A_475, 1 {pack_format = #tpu.pack_format<interleaved>} : vector<32xbf16> -> vector<16xf32>
        %add3A_477 = arith.addf %unpack3A, %unpack3A_476 : vector<16xf32>
        %add3A_478 = arith.addf %scan3A_447, %add3A_477 : vector<16xf32>
        %gather3A_479 = arith.constant 0 : i32
        %gather3A_480 = arith.constant 0 : i32
        %gather3A_481 = tpu.memref_slice %arg8[%scan3A_295, %gather3A_479, %gather3A_480] : memref<3x128x64xi32, #tpu.memory_space<vmem>> -> memref<1x128x64xi32, #tpu.memory_space<vmem>>
        %gather3A_482 = tpu.memref_squeeze %gather3A_481 : memref<1x128x64xi32, #tpu.memory_space<vmem>> -> memref<128x64xi32, #tpu.memory_space<vmem>>
        %gather3A_483 = tpu.vector_load_idx %gather3A_482[%add3A_242, %and3A_464] : memref<128x64xi32, #tpu.memory_space<vmem>>[vector<16xi32>, vector<16xi32>], vector<16xi32>,
        %gather3A_484 = arith.constant 0 : i32
        %gather3A_485 = arith.constant 0 : i32
        %gather3A_486 = tpu.memref_slice %arg9[%scan3A_296, %gather3A_484, %gather3A_485] : memref<3x128x64xi32, #tpu.memory_space<vmem>> -> memref<1x128x64xi32, #tpu.memory_space<vmem>>
        %gather3A_487 = tpu.memref_squeeze %gather3A_486 : memref<1x128x64xi32, #tpu.memory_space<vmem>> -> memref<128x64xi32, #tpu.memory_space<vmem>>
        %gather3A_488 = tpu.vector_load_idx %gather3A_487[%add3A_242, %and3A_464] : memref<128x64xi32, #tpu.memory_space<vmem>>[vector<16xi32>, vector<16xi32>], vector<16xi32>,
        %bitcast3A_489 = vector.bitcast %gather3A_483 : vector<16xi32> to vector<32xbf16>
        %bitcast3A_490 = vector.bitcast %gather3A_488 : vector<16xi32> to vector<32xbf16>
        %mul3A_491 = arith.mulf %bitcast3A_489, %bitcast3A_490 : vector<32xbf16>
        %unpack3A_492 = tpu.unpack_subelements %mul3A_491, 0 {pack_format = #tpu.pack_format<interleaved>} : vector<32xbf16> -> vector<16xf32>
        %unpack3A_493 = tpu.unpack_subelements %mul3A_491, 1 {pack_format = #tpu.pack_format<interleaved>} : vector<32xbf16> -> vector<16xf32>
        %add3A_494 = arith.addf %unpack3A_492, %unpack3A_493 : vector<16xf32>
        %add3A_495 = arith.addf %scan3A_448, %add3A_494 : vector<16xf32>
        %gather3A_496 = arith.constant 0 : i32
        %gather3A_497 = arith.constant 0 : i32
        %gather3A_498 = tpu.memref_slice %arg8[%scan3A_295, %gather3A_496, %gather3A_497] : memref<3x128x64xi32, #tpu.memory_space<vmem>> -> memref<1x128x64xi32, #tpu.memory_space<vmem>>
        %gather3A_499 = tpu.memref_squeeze %gather3A_498 : memref<1x128x64xi32, #tpu.memory_space<vmem>> -> memref<128x64xi32, #tpu.memory_space<vmem>>
        %gather3A_500 = tpu.vector_load_idx %gather3A_499[%add3A_245, %and3A_464] : memref<128x64xi32, #tpu.memory_space<vmem>>[vector<16xi32>, vector<16xi32>], vector<16xi32>,
        %gather3A_501 = arith.constant 0 : i32
        %gather3A_502 = arith.constant 0 : i32
        %gather3A_503 = tpu.memref_slice %arg9[%scan3A_296, %gather3A_501, %gather3A_502] : memref<3x128x64xi32, #tpu.memory_space<vmem>> -> memref<1x128x64xi32, #tpu.memory_space<vmem>>
        %gather3A_504 = tpu.memref_squeeze %gather3A_503 : memref<1x128x64xi32, #tpu.memory_space<vmem>> -> memref<128x64xi32, #tpu.memory_space<vmem>>
        %gather3A_505 = tpu.vector_load_idx %gather3A_504[%add3A_245, %and3A_464] : memref<128x64xi32, #tpu.memory_space<vmem>>[vector<16xi32>, vector<16xi32>], vector<16xi32>,
        %bitcast3A_506 = vector.bitcast %gather3A_500 : vector<16xi32> to vector<32xbf16>
        %bitcast3A_507 = vector.bitcast %gather3A_505 : vector<16xi32> to vector<32xbf16>
        %mul3A_508 = arith.mulf %bitcast3A_506, %bitcast3A_507 : vector<32xbf16>
        %unpack3A_509 = tpu.unpack_subelements %mul3A_508, 0 {pack_format = #tpu.pack_format<interleaved>} : vector<32xbf16> -> vector<16xf32>
        %unpack3A_510 = tpu.unpack_subelements %mul3A_508, 1 {pack_format = #tpu.pack_format<interleaved>} : vector<32xbf16> -> vector<16xf32>
        %add3A_511 = arith.addf %unpack3A_509, %unpack3A_510 : vector<16xf32>
        %add3A_512 = arith.addf %scan3A_449, %add3A_511 : vector<16xf32>
        %gather3A_513 = arith.constant 0 : i32
        %gather3A_514 = arith.constant 0 : i32
        %gather3A_515 = tpu.memref_slice %arg8[%scan3A_295, %gather3A_513, %gather3A_514] : memref<3x128x64xi32, #tpu.memory_space<vmem>> -> memref<1x128x64xi32, #tpu.memory_space<vmem>>
        %gather3A_516 = tpu.memref_squeeze %gather3A_515 : memref<1x128x64xi32, #tpu.memory_space<vmem>> -> memref<128x64xi32, #tpu.memory_space<vmem>>
        %gather3A_517 = tpu.vector_load_idx %gather3A_516[%add3A_248, %and3A_464] : memref<128x64xi32, #tpu.memory_space<vmem>>[vector<16xi32>, vector<16xi32>], vector<16xi32>,
        %gather3A_518 = arith.constant 0 : i32
        %gather3A_519 = arith.constant 0 : i32
        %gather3A_520 = tpu.memref_slice %arg9[%scan3A_296, %gather3A_518, %gather3A_519] : memref<3x128x64xi32, #tpu.memory_space<vmem>> -> memref<1x128x64xi32, #tpu.memory_space<vmem>>
        %gather3A_521 = tpu.memref_squeeze %gather3A_520 : memref<1x128x64xi32, #tpu.memory_space<vmem>> -> memref<128x64xi32, #tpu.memory_space<vmem>>
        %gather3A_522 = tpu.vector_load_idx %gather3A_521[%add3A_248, %and3A_464] : memref<128x64xi32, #tpu.memory_space<vmem>>[vector<16xi32>, vector<16xi32>], vector<16xi32>,
        %bitcast3A_523 = vector.bitcast %gather3A_517 : vector<16xi32> to vector<32xbf16>
        %bitcast3A_524 = vector.bitcast %gather3A_522 : vector<16xi32> to vector<32xbf16>
        %mul3A_525 = arith.mulf %bitcast3A_523, %bitcast3A_524 : vector<32xbf16>
        %unpack3A_526 = tpu.unpack_subelements %mul3A_525, 0 {pack_format = #tpu.pack_format<interleaved>} : vector<32xbf16> -> vector<16xf32>
        %unpack3A_527 = tpu.unpack_subelements %mul3A_525, 1 {pack_format = #tpu.pack_format<interleaved>} : vector<32xbf16> -> vector<16xf32>
        %add3A_528 = arith.addf %unpack3A_526, %unpack3A_527 : vector<16xf32>
        %add3A_529 = arith.addf %scan3A_450, %add3A_528 : vector<16xf32>
        %gather3A_530 = arith.constant 0 : i32
        %gather3A_531 = arith.constant 0 : i32
        %gather3A_532 = tpu.memref_slice %arg8[%scan3A_295, %gather3A_530, %gather3A_531] : memref<3x128x64xi32, #tpu.memory_space<vmem>> -> memref<1x128x64xi32, #tpu.memory_space<vmem>>
        %gather3A_533 = tpu.memref_squeeze %gather3A_532 : memref<1x128x64xi32, #tpu.memory_space<vmem>> -> memref<128x64xi32, #tpu.memory_space<vmem>>
        %gather3A_534 = tpu.vector_load_idx %gather3A_533[%add3A_251, %and3A_464] : memref<128x64xi32, #tpu.memory_space<vmem>>[vector<16xi32>, vector<16xi32>], vector<16xi32>,
        %gather3A_535 = arith.constant 0 : i32
        %gather3A_536 = arith.constant 0 : i32
        %gather3A_537 = tpu.memref_slice %arg9[%scan3A_296, %gather3A_535, %gather3A_536] : memref<3x128x64xi32, #tpu.memory_space<vmem>> -> memref<1x128x64xi32, #tpu.memory_space<vmem>>
        %gather3A_538 = tpu.memref_squeeze %gather3A_537 : memref<1x128x64xi32, #tpu.memory_space<vmem>> -> memref<128x64xi32, #tpu.memory_space<vmem>>
        %gather3A_539 = tpu.vector_load_idx %gather3A_538[%add3A_251, %and3A_464] : memref<128x64xi32, #tpu.memory_space<vmem>>[vector<16xi32>, vector<16xi32>], vector<16xi32>,
        %bitcast3A_540 = vector.bitcast %gather3A_534 : vector<16xi32> to vector<32xbf16>
        %bitcast3A_541 = vector.bitcast %gather3A_539 : vector<16xi32> to vector<32xbf16>
        %mul3A_542 = arith.mulf %bitcast3A_540, %bitcast3A_541 : vector<32xbf16>
        %unpack3A_543 = tpu.unpack_subelements %mul3A_542, 0 {pack_format = #tpu.pack_format<interleaved>} : vector<32xbf16> -> vector<16xf32>
        %unpack3A_544 = tpu.unpack_subelements %mul3A_542, 1 {pack_format = #tpu.pack_format<interleaved>} : vector<32xbf16> -> vector<16xf32>
        %add3A_545 = arith.addf %unpack3A_543, %unpack3A_544 : vector<16xf32>
        %add3A_546 = arith.addf %scan3A_451, %add3A_545 : vector<16xf32>
        %gather3A_547 = arith.constant 0 : i32
        %gather3A_548 = arith.constant 0 : i32
        %gather3A_549 = tpu.memref_slice %arg8[%scan3A_295, %gather3A_547, %gather3A_548] : memref<3x128x64xi32, #tpu.memory_space<vmem>> -> memref<1x128x64xi32, #tpu.memory_space<vmem>>
        %gather3A_550 = tpu.memref_squeeze %gather3A_549 : memref<1x128x64xi32, #tpu.memory_space<vmem>> -> memref<128x64xi32, #tpu.memory_space<vmem>>
        %gather3A_551 = tpu.vector_load_idx %gather3A_550[%add3A_254, %and3A_464] : memref<128x64xi32, #tpu.memory_space<vmem>>[vector<16xi32>, vector<16xi32>], vector<16xi32>,
        %gather3A_552 = arith.constant 0 : i32
        %gather3A_553 = arith.constant 0 : i32
        %gather3A_554 = tpu.memref_slice %arg9[%scan3A_296, %gather3A_552, %gather3A_553] : memref<3x128x64xi32, #tpu.memory_space<vmem>> -> memref<1x128x64xi32, #tpu.memory_space<vmem>>
        %gather3A_555 = tpu.memref_squeeze %gather3A_554 : memref<1x128x64xi32, #tpu.memory_space<vmem>> -> memref<128x64xi32, #tpu.memory_space<vmem>>
        %gather3A_556 = tpu.vector_load_idx %gather3A_555[%add3A_254, %and3A_464] : memref<128x64xi32, #tpu.memory_space<vmem>>[vector<16xi32>, vector<16xi32>], vector<16xi32>,
        %bitcast3A_557 = vector.bitcast %gather3A_551 : vector<16xi32> to vector<32xbf16>
        %bitcast3A_558 = vector.bitcast %gather3A_556 : vector<16xi32> to vector<32xbf16>
        %mul3A_559 = arith.mulf %bitcast3A_557, %bitcast3A_558 : vector<32xbf16>
        %unpack3A_560 = tpu.unpack_subelements %mul3A_559, 0 {pack_format = #tpu.pack_format<interleaved>} : vector<32xbf16> -> vector<16xf32>
        %unpack3A_561 = tpu.unpack_subelements %mul3A_559, 1 {pack_format = #tpu.pack_format<interleaved>} : vector<32xbf16> -> vector<16xf32>
        %add3A_562 = arith.addf %unpack3A_560, %unpack3A_561 : vector<16xf32>
        %add3A_563 = arith.addf %scan3A_452, %add3A_562 : vector<16xf32>
        %gather3A_564 = arith.constant 0 : i32
        %gather3A_565 = arith.constant 0 : i32
        %gather3A_566 = tpu.memref_slice %arg8[%scan3A_295, %gather3A_564, %gather3A_565] : memref<3x128x64xi32, #tpu.memory_space<vmem>> -> memref<1x128x64xi32, #tpu.memory_space<vmem>>
        %gather3A_567 = tpu.memref_squeeze %gather3A_566 : memref<1x128x64xi32, #tpu.memory_space<vmem>> -> memref<128x64xi32, #tpu.memory_space<vmem>>
        %gather3A_568 = tpu.vector_load_idx %gather3A_567[%add3A_257, %and3A_464] : memref<128x64xi32, #tpu.memory_space<vmem>>[vector<16xi32>, vector<16xi32>], vector<16xi32>,
        %gather3A_569 = arith.constant 0 : i32
        %gather3A_570 = arith.constant 0 : i32
        %gather3A_571 = tpu.memref_slice %arg9[%scan3A_296, %gather3A_569, %gather3A_570] : memref<3x128x64xi32, #tpu.memory_space<vmem>> -> memref<1x128x64xi32, #tpu.memory_space<vmem>>
        %gather3A_572 = tpu.memref_squeeze %gather3A_571 : memref<1x128x64xi32, #tpu.memory_space<vmem>> -> memref<128x64xi32, #tpu.memory_space<vmem>>
        %gather3A_573 = tpu.vector_load_idx %gather3A_572[%add3A_257, %and3A_464] : memref<128x64xi32, #tpu.memory_space<vmem>>[vector<16xi32>, vector<16xi32>], vector<16xi32>,
        %bitcast3A_574 = vector.bitcast %gather3A_568 : vector<16xi32> to vector<32xbf16>
        %bitcast3A_575 = vector.bitcast %gather3A_573 : vector<16xi32> to vector<32xbf16>
        %mul3A_576 = arith.mulf %bitcast3A_574, %bitcast3A_575 : vector<32xbf16>
        %unpack3A_577 = tpu.unpack_subelements %mul3A_576, 0 {pack_format = #tpu.pack_format<interleaved>} : vector<32xbf16> -> vector<16xf32>
        %unpack3A_578 = tpu.unpack_subelements %mul3A_576, 1 {pack_format = #tpu.pack_format<interleaved>} : vector<32xbf16> -> vector<16xf32>
        %add3A_579 = arith.addf %unpack3A_577, %unpack3A_578 : vector<16xf32>
        %add3A_580 = arith.addf %scan3A_453, %add3A_579 : vector<16xf32>
        %gather3A_581 = arith.constant 0 : i32
        %gather3A_582 = arith.constant 0 : i32
        %gather3A_583 = tpu.memref_slice %arg8[%scan3A_295, %gather3A_581, %gather3A_582] : memref<3x128x64xi32, #tpu.memory_space<vmem>> -> memref<1x128x64xi32, #tpu.memory_space<vmem>>
        %gather3A_584 = tpu.memref_squeeze %gather3A_583 : memref<1x128x64xi32, #tpu.memory_space<vmem>> -> memref<128x64xi32, #tpu.memory_space<vmem>>
        %gather3A_585 = tpu.vector_load_idx %gather3A_584[%add3A_260, %and3A_464] : memref<128x64xi32, #tpu.memory_space<vmem>>[vector<16xi32>, vector<16xi32>], vector<16xi32>,
        %gather3A_586 = arith.constant 0 : i32
        %gather3A_587 = arith.constant 0 : i32
        %gather3A_588 = tpu.memref_slice %arg9[%scan3A_296, %gather3A_586, %gather3A_587] : memref<3x128x64xi32, #tpu.memory_space<vmem>> -> memref<1x128x64xi32, #tpu.memory_space<vmem>>
        %gather3A_589 = tpu.memref_squeeze %gather3A_588 : memref<1x128x64xi32, #tpu.memory_space<vmem>> -> memref<128x64xi32, #tpu.memory_space<vmem>>
        %gather3A_590 = tpu.vector_load_idx %gather3A_589[%add3A_260, %and3A_464] : memref<128x64xi32, #tpu.memory_space<vmem>>[vector<16xi32>, vector<16xi32>], vector<16xi32>,
        %bitcast3A_591 = vector.bitcast %gather3A_585 : vector<16xi32> to vector<32xbf16>
        %bitcast3A_592 = vector.bitcast %gather3A_590 : vector<16xi32> to vector<32xbf16>
        %mul3A_593 = arith.mulf %bitcast3A_591, %bitcast3A_592 : vector<32xbf16>
        %unpack3A_594 = tpu.unpack_subelements %mul3A_593, 0 {pack_format = #tpu.pack_format<interleaved>} : vector<32xbf16> -> vector<16xf32>
        %unpack3A_595 = tpu.unpack_subelements %mul3A_593, 1 {pack_format = #tpu.pack_format<interleaved>} : vector<32xbf16> -> vector<16xf32>
        %add3A_596 = arith.addf %unpack3A_594, %unpack3A_595 : vector<16xf32>
        %add3A_597 = arith.addf %scan3A_454, %add3A_596 : vector<16xf32>
        %add3A_598 = vector.broadcast %add3A_458 : i32 to vector<16xi32>
        %add3A_599 = arith.addi %iota3A, %add3A_598 : vector<16xi32>
        %and3A_600 = arith.constant 63 : i32
        %and3A_601 = vector.broadcast %and3A_600 : i32 to vector<16xi32>
        %and3A_602 = arith.andi %add3A_599, %and3A_601 : vector<16xi32>
        %gather3A_603 = arith.constant 0 : i32
        %gather3A_604 = arith.constant 0 : i32
        %gather3A_605 = tpu.memref_slice %arg8[%scan3A_295, %gather3A_603, %gather3A_604] : memref<3x128x64xi32, #tpu.memory_space<vmem>> -> memref<1x128x64xi32, #tpu.memory_space<vmem>>
        %gather3A_606 = tpu.memref_squeeze %gather3A_605 : memref<1x128x64xi32, #tpu.memory_space<vmem>> -> memref<128x64xi32, #tpu.memory_space<vmem>>
        %gather3A_607 = tpu.vector_load_idx %gather3A_606[%add3A_239, %and3A_602] : memref<128x64xi32, #tpu.memory_space<vmem>>[vector<16xi32>, vector<16xi32>], vector<16xi32>,
        %gather3A_608 = arith.constant 0 : i32
        %gather3A_609 = arith.constant 0 : i32
        %gather3A_610 = tpu.memref_slice %arg9[%scan3A_296, %gather3A_608, %gather3A_609] : memref<3x128x64xi32, #tpu.memory_space<vmem>> -> memref<1x128x64xi32, #tpu.memory_space<vmem>>
        %gather3A_611 = tpu.memref_squeeze %gather3A_610 : memref<1x128x64xi32, #tpu.memory_space<vmem>> -> memref<128x64xi32, #tpu.memory_space<vmem>>
        %gather3A_612 = tpu.vector_load_idx %gather3A_611[%add3A_239, %and3A_602] : memref<128x64xi32, #tpu.memory_space<vmem>>[vector<16xi32>, vector<16xi32>], vector<16xi32>,
        %bitcast3A_613 = vector.bitcast %gather3A_607 : vector<16xi32> to vector<32xbf16>
        %bitcast3A_614 = vector.bitcast %gather3A_612 : vector<16xi32> to vector<32xbf16>
        %mul3A_615 = arith.mulf %bitcast3A_613, %bitcast3A_614 : vector<32xbf16>
        %unpack3A_616 = tpu.unpack_subelements %mul3A_615, 0 {pack_format = #tpu.pack_format<interleaved>} : vector<32xbf16> -> vector<16xf32>
        %unpack3A_617 = tpu.unpack_subelements %mul3A_615, 1 {pack_format = #tpu.pack_format<interleaved>} : vector<32xbf16> -> vector<16xf32>
        %add3A_618 = arith.addf %unpack3A_616, %unpack3A_617 : vector<16xf32>
        %add3A_619 = arith.addf %add3A_478, %add3A_618 : vector<16xf32>
        %gather3A_620 = arith.constant 0 : i32
        %gather3A_621 = arith.constant 0 : i32
        %gather3A_622 = tpu.memref_slice %arg8[%scan3A_295, %gather3A_620, %gather3A_621] : memref<3x128x64xi32, #tpu.memory_space<vmem>> -> memref<1x128x64xi32, #tpu.memory_space<vmem>>
        %gather3A_623 = tpu.memref_squeeze %gather3A_622 : memref<1x128x64xi32, #tpu.memory_space<vmem>> -> memref<128x64xi32, #tpu.memory_space<vmem>>
        %gather3A_624 = tpu.vector_load_idx %gather3A_623[%add3A_242, %and3A_602] : memref<128x64xi32, #tpu.memory_space<vmem>>[vector<16xi32>, vector<16xi32>], vector<16xi32>,
        %gather3A_625 = arith.constant 0 : i32
        %gather3A_626 = arith.constant 0 : i32
        %gather3A_627 = tpu.memref_slice %arg9[%scan3A_296, %gather3A_625, %gather3A_626] : memref<3x128x64xi32, #tpu.memory_space<vmem>> -> memref<1x128x64xi32, #tpu.memory_space<vmem>>
        %gather3A_628 = tpu.memref_squeeze %gather3A_627 : memref<1x128x64xi32, #tpu.memory_space<vmem>> -> memref<128x64xi32, #tpu.memory_space<vmem>>
        %gather3A_629 = tpu.vector_load_idx %gather3A_628[%add3A_242, %and3A_602] : memref<128x64xi32, #tpu.memory_space<vmem>>[vector<16xi32>, vector<16xi32>], vector<16xi32>,
        %bitcast3A_630 = vector.bitcast %gather3A_624 : vector<16xi32> to vector<32xbf16>
        %bitcast3A_631 = vector.bitcast %gather3A_629 : vector<16xi32> to vector<32xbf16>
        %mul3A_632 = arith.mulf %bitcast3A_630, %bitcast3A_631 : vector<32xbf16>
        %unpack3A_633 = tpu.unpack_subelements %mul3A_632, 0 {pack_format = #tpu.pack_format<interleaved>} : vector<32xbf16> -> vector<16xf32>
        %unpack3A_634 = tpu.unpack_subelements %mul3A_632, 1 {pack_format = #tpu.pack_format<interleaved>} : vector<32xbf16> -> vector<16xf32>
        %add3A_635 = arith.addf %unpack3A_633, %unpack3A_634 : vector<16xf32>
        %add3A_636 = arith.addf %add3A_495, %add3A_635 : vector<16xf32>
        %gather3A_637 = arith.constant 0 : i32
        %gather3A_638 = arith.constant 0 : i32
        %gather3A_639 = tpu.memref_slice %arg8[%scan3A_295, %gather3A_637, %gather3A_638] : memref<3x128x64xi32, #tpu.memory_space<vmem>> -> memref<1x128x64xi32, #tpu.memory_space<vmem>>
        %gather3A_640 = tpu.memref_squeeze %gather3A_639 : memref<1x128x64xi32, #tpu.memory_space<vmem>> -> memref<128x64xi32, #tpu.memory_space<vmem>>
        %gather3A_641 = tpu.vector_load_idx %gather3A_640[%add3A_245, %and3A_602] : memref<128x64xi32, #tpu.memory_space<vmem>>[vector<16xi32>, vector<16xi32>], vector<16xi32>,
        %gather3A_642 = arith.constant 0 : i32
        %gather3A_643 = arith.constant 0 : i32
        %gather3A_644 = tpu.memref_slice %arg9[%scan3A_296, %gather3A_642, %gather3A_643] : memref<3x128x64xi32, #tpu.memory_space<vmem>> -> memref<1x128x64xi32, #tpu.memory_space<vmem>>
        %gather3A_645 = tpu.memref_squeeze %gather3A_644 : memref<1x128x64xi32, #tpu.memory_space<vmem>> -> memref<128x64xi32, #tpu.memory_space<vmem>>
        %gather3A_646 = tpu.vector_load_idx %gather3A_645[%add3A_245, %and3A_602] : memref<128x64xi32, #tpu.memory_space<vmem>>[vector<16xi32>, vector<16xi32>], vector<16xi32>,
        %bitcast3A_647 = vector.bitcast %gather3A_641 : vector<16xi32> to vector<32xbf16>
        %bitcast3A_648 = vector.bitcast %gather3A_646 : vector<16xi32> to vector<32xbf16>
        %mul3A_649 = arith.mulf %bitcast3A_647, %bitcast3A_648 : vector<32xbf16>
        %unpack3A_650 = tpu.unpack_subelements %mul3A_649, 0 {pack_format = #tpu.pack_format<interleaved>} : vector<32xbf16> -> vector<16xf32>
        %unpack3A_651 = tpu.unpack_subelements %mul3A_649, 1 {pack_format = #tpu.pack_format<interleaved>} : vector<32xbf16> -> vector<16xf32>
        %add3A_652 = arith.addf %unpack3A_650, %unpack3A_651 : vector<16xf32>
        %add3A_653 = arith.addf %add3A_512, %add3A_652 : vector<16xf32>
        %gather3A_654 = arith.constant 0 : i32
        %gather3A_655 = arith.constant 0 : i32
        %gather3A_656 = tpu.memref_slice %arg8[%scan3A_295, %gather3A_654, %gather3A_655] : memref<3x128x64xi32, #tpu.memory_space<vmem>> -> memref<1x128x64xi32, #tpu.memory_space<vmem>>
        %gather3A_657 = tpu.memref_squeeze %gather3A_656 : memref<1x128x64xi32, #tpu.memory_space<vmem>> -> memref<128x64xi32, #tpu.memory_space<vmem>>
        %gather3A_658 = tpu.vector_load_idx %gather3A_657[%add3A_248, %and3A_602] : memref<128x64xi32, #tpu.memory_space<vmem>>[vector<16xi32>, vector<16xi32>], vector<16xi32>,
        %gather3A_659 = arith.constant 0 : i32
        %gather3A_660 = arith.constant 0 : i32
        %gather3A_661 = tpu.memref_slice %arg9[%scan3A_296, %gather3A_659, %gather3A_660] : memref<3x128x64xi32, #tpu.memory_space<vmem>> -> memref<1x128x64xi32, #tpu.memory_space<vmem>>
        %gather3A_662 = tpu.memref_squeeze %gather3A_661 : memref<1x128x64xi32, #tpu.memory_space<vmem>> -> memref<128x64xi32, #tpu.memory_space<vmem>>
        %gather3A_663 = tpu.vector_load_idx %gather3A_662[%add3A_248, %and3A_602] : memref<128x64xi32, #tpu.memory_space<vmem>>[vector<16xi32>, vector<16xi32>], vector<16xi32>,
        %bitcast3A_664 = vector.bitcast %gather3A_658 : vector<16xi32> to vector<32xbf16>
        %bitcast3A_665 = vector.bitcast %gather3A_663 : vector<16xi32> to vector<32xbf16>
        %mul3A_666 = arith.mulf %bitcast3A_664, %bitcast3A_665 : vector<32xbf16>
        %unpack3A_667 = tpu.unpack_subelements %mul3A_666, 0 {pack_format = #tpu.pack_format<interleaved>} : vector<32xbf16> -> vector<16xf32>
        %unpack3A_668 = tpu.unpack_subelements %mul3A_666, 1 {pack_format = #tpu.pack_format<interleaved>} : vector<32xbf16> -> vector<16xf32>
        %add3A_669 = arith.addf %unpack3A_667, %unpack3A_668 : vector<16xf32>
        %add3A_670 = arith.addf %add3A_529, %add3A_669 : vector<16xf32>
        %gather3A_671 = arith.constant 0 : i32
        %gather3A_672 = arith.constant 0 : i32
        %gather3A_673 = tpu.memref_slice %arg8[%scan3A_295, %gather3A_671, %gather3A_672] : memref<3x128x64xi32, #tpu.memory_space<vmem>> -> memref<1x128x64xi32, #tpu.memory_space<vmem>>
        %gather3A_674 = tpu.memref_squeeze %gather3A_673 : memref<1x128x64xi32, #tpu.memory_space<vmem>> -> memref<128x64xi32, #tpu.memory_space<vmem>>
        %gather3A_675 = tpu.vector_load_idx %gather3A_674[%add3A_251, %and3A_602] : memref<128x64xi32, #tpu.memory_space<vmem>>[vector<16xi32>, vector<16xi32>], vector<16xi32>,
        %gather3A_676 = arith.constant 0 : i32
        %gather3A_677 = arith.constant 0 : i32
        %gather3A_678 = tpu.memref_slice %arg9[%scan3A_296, %gather3A_676, %gather3A_677] : memref<3x128x64xi32, #tpu.memory_space<vmem>> -> memref<1x128x64xi32, #tpu.memory_space<vmem>>
        %gather3A_679 = tpu.memref_squeeze %gather3A_678 : memref<1x128x64xi32, #tpu.memory_space<vmem>> -> memref<128x64xi32, #tpu.memory_space<vmem>>
        %gather3A_680 = tpu.vector_load_idx %gather3A_679[%add3A_251, %and3A_602] : memref<128x64xi32, #tpu.memory_space<vmem>>[vector<16xi32>, vector<16xi32>], vector<16xi32>,
        %bitcast3A_681 = vector.bitcast %gather3A_675 : vector<16xi32> to vector<32xbf16>
        %bitcast3A_682 = vector.bitcast %gather3A_680 : vector<16xi32> to vector<32xbf16>
        %mul3A_683 = arith.mulf %bitcast3A_681, %bitcast3A_682 : vector<32xbf16>
        %unpack3A_684 = tpu.unpack_subelements %mul3A_683, 0 {pack_format = #tpu.pack_format<interleaved>} : vector<32xbf16> -> vector<16xf32>
        %unpack3A_685 = tpu.unpack_subelements %mul3A_683, 1 {pack_format = #tpu.pack_format<interleaved>} : vector<32xbf16> -> vector<16xf32>
        %add3A_686 = arith.addf %unpack3A_684, %unpack3A_685 : vector<16xf32>
        %add3A_687 = arith.addf %add3A_546, %add3A_686 : vector<16xf32>
        %gather3A_688 = arith.constant 0 : i32
        %gather3A_689 = arith.constant 0 : i32
        %gather3A_690 = tpu.memref_slice %arg8[%scan3A_295, %gather3A_688, %gather3A_689] : memref<3x128x64xi32, #tpu.memory_space<vmem>> -> memref<1x128x64xi32, #tpu.memory_space<vmem>>
        %gather3A_691 = tpu.memref_squeeze %gather3A_690 : memref<1x128x64xi32, #tpu.memory_space<vmem>> -> memref<128x64xi32, #tpu.memory_space<vmem>>
        %gather3A_692 = tpu.vector_load_idx %gather3A_691[%add3A_254, %and3A_602] : memref<128x64xi32, #tpu.memory_space<vmem>>[vector<16xi32>, vector<16xi32>], vector<16xi32>,
        %gather3A_693 = arith.constant 0 : i32
        %gather3A_694 = arith.constant 0 : i32
        %gather3A_695 = tpu.memref_slice %arg9[%scan3A_296, %gather3A_693, %gather3A_694] : memref<3x128x64xi32, #tpu.memory_space<vmem>> -> memref<1x128x64xi32, #tpu.memory_space<vmem>>
        %gather3A_696 = tpu.memref_squeeze %gather3A_695 : memref<1x128x64xi32, #tpu.memory_space<vmem>> -> memref<128x64xi32, #tpu.memory_space<vmem>>
        %gather3A_697 = tpu.vector_load_idx %gather3A_696[%add3A_254, %and3A_602] : memref<128x64xi32, #tpu.memory_space<vmem>>[vector<16xi32>, vector<16xi32>], vector<16xi32>,
        %bitcast3A_698 = vector.bitcast %gather3A_692 : vector<16xi32> to vector<32xbf16>
        %bitcast3A_699 = vector.bitcast %gather3A_697 : vector<16xi32> to vector<32xbf16>
        %mul3A_700 = arith.mulf %bitcast3A_698, %bitcast3A_699 : vector<32xbf16>
        %unpack3A_701 = tpu.unpack_subelements %mul3A_700, 0 {pack_format = #tpu.pack_format<interleaved>} : vector<32xbf16> -> vector<16xf32>
        %unpack3A_702 = tpu.unpack_subelements %mul3A_700, 1 {pack_format = #tpu.pack_format<interleaved>} : vector<32xbf16> -> vector<16xf32>
        %add3A_703 = arith.addf %unpack3A_701, %unpack3A_702 : vector<16xf32>
        %add3A_704 = arith.addf %add3A_563, %add3A_703 : vector<16xf32>
        %gather3A_705 = arith.constant 0 : i32
        %gather3A_706 = arith.constant 0 : i32
        %gather3A_707 = tpu.memref_slice %arg8[%scan3A_295, %gather3A_705, %gather3A_706] : memref<3x128x64xi32, #tpu.memory_space<vmem>> -> memref<1x128x64xi32, #tpu.memory_space<vmem>>
        %gather3A_708 = tpu.memref_squeeze %gather3A_707 : memref<1x128x64xi32, #tpu.memory_space<vmem>> -> memref<128x64xi32, #tpu.memory_space<vmem>>
        %gather3A_709 = tpu.vector_load_idx %gather3A_708[%add3A_257, %and3A_602] : memref<128x64xi32, #tpu.memory_space<vmem>>[vector<16xi32>, vector<16xi32>], vector<16xi32>,
        %gather3A_710 = arith.constant 0 : i32
        %gather3A_711 = arith.constant 0 : i32
        %gather3A_712 = tpu.memref_slice %arg9[%scan3A_296, %gather3A_710, %gather3A_711] : memref<3x128x64xi32, #tpu.memory_space<vmem>> -> memref<1x128x64xi32, #tpu.memory_space<vmem>>
        %gather3A_713 = tpu.memref_squeeze %gather3A_712 : memref<1x128x64xi32, #tpu.memory_space<vmem>> -> memref<128x64xi32, #tpu.memory_space<vmem>>
        %gather3A_714 = tpu.vector_load_idx %gather3A_713[%add3A_257, %and3A_602] : memref<128x64xi32, #tpu.memory_space<vmem>>[vector<16xi32>, vector<16xi32>], vector<16xi32>,
        %bitcast3A_715 = vector.bitcast %gather3A_709 : vector<16xi32> to vector<32xbf16>
        %bitcast3A_716 = vector.bitcast %gather3A_714 : vector<16xi32> to vector<32xbf16>
        %mul3A_717 = arith.mulf %bitcast3A_715, %bitcast3A_716 : vector<32xbf16>
        %unpack3A_718 = tpu.unpack_subelements %mul3A_717, 0 {pack_format = #tpu.pack_format<interleaved>} : vector<32xbf16> -> vector<16xf32>
        %unpack3A_719 = tpu.unpack_subelements %mul3A_717, 1 {pack_format = #tpu.pack_format<interleaved>} : vector<32xbf16> -> vector<16xf32>
        %add3A_720 = arith.addf %unpack3A_718, %unpack3A_719 : vector<16xf32>
        %add3A_721 = arith.addf %add3A_580, %add3A_720 : vector<16xf32>
        %gather3A_722 = arith.constant 0 : i32
        %gather3A_723 = arith.constant 0 : i32
        %gather3A_724 = tpu.memref_slice %arg8[%scan3A_295, %gather3A_722, %gather3A_723] : memref<3x128x64xi32, #tpu.memory_space<vmem>> -> memref<1x128x64xi32, #tpu.memory_space<vmem>>
        %gather3A_725 = tpu.memref_squeeze %gather3A_724 : memref<1x128x64xi32, #tpu.memory_space<vmem>> -> memref<128x64xi32, #tpu.memory_space<vmem>>
        %gather3A_726 = tpu.vector_load_idx %gather3A_725[%add3A_260, %and3A_602] : memref<128x64xi32, #tpu.memory_space<vmem>>[vector<16xi32>, vector<16xi32>], vector<16xi32>,
        %gather3A_727 = arith.constant 0 : i32
        %gather3A_728 = arith.constant 0 : i32
        %gather3A_729 = tpu.memref_slice %arg9[%scan3A_296, %gather3A_727, %gather3A_728] : memref<3x128x64xi32, #tpu.memory_space<vmem>> -> memref<1x128x64xi32, #tpu.memory_space<vmem>>
        %gather3A_730 = tpu.memref_squeeze %gather3A_729 : memref<1x128x64xi32, #tpu.memory_space<vmem>> -> memref<128x64xi32, #tpu.memory_space<vmem>>
        %gather3A_731 = tpu.vector_load_idx %gather3A_730[%add3A_260, %and3A_602] : memref<128x64xi32, #tpu.memory_space<vmem>>[vector<16xi32>, vector<16xi32>], vector<16xi32>,
        %bitcast3A_732 = vector.bitcast %gather3A_726 : vector<16xi32> to vector<32xbf16>
        %bitcast3A_733 = vector.bitcast %gather3A_731 : vector<16xi32> to vector<32xbf16>
        %mul3A_734 = arith.mulf %bitcast3A_732, %bitcast3A_733 : vector<32xbf16>
        %unpack3A_735 = tpu.unpack_subelements %mul3A_734, 0 {pack_format = #tpu.pack_format<interleaved>} : vector<32xbf16> -> vector<16xf32>
        %unpack3A_736 = tpu.unpack_subelements %mul3A_734, 1 {pack_format = #tpu.pack_format<interleaved>} : vector<32xbf16> -> vector<16xf32>
        %add3A_737 = arith.addf %unpack3A_735, %unpack3A_736 : vector<16xf32>
        %add3A_738 = arith.addf %add3A_597, %add3A_737 : vector<16xf32>
        scf.yield %add3A_619, %add3A_636, %add3A_653, %add3A_670, %add3A_687, %add3A_704, %add3A_721, %add3A_738 : vector<16xf32>, vector<16xf32>, vector<16xf32>, vector<16xf32>, vector<16xf32>, vector<16xf32>, vector<16xf32>, vector<16xf32>
      }
      %scan3A_302 = arith.constant 32 : i32
      %add3A_303 = arith.constant 0 : i32
      %add3A_304 = arith.addi %mul3A_236, %add3A_303 : i32
      %swap3A_305 = arith.index_cast %add3A_304 : i32 to index
      %swap3A_306 = tpu.vector_load %arg10[%swap3A_305] {strides = array<i32>} : memref<20000xf32, #tpu.memory_space<vmem>>, vector<16xf32>,
      tpu.vector_store %arg10[%swap3A_305], %scan3A_301#0 {strides = array<i32>} : memref<20000xf32, #tpu.memory_space<vmem>>, vector<16xf32>,
      %add3A_307 = arith.constant 16 : i32
      %add3A_308 = arith.addi %mul3A_236, %add3A_307 : i32
      %swap3A_309 = arith.index_cast %add3A_308 : i32 to index
      %swap3A_310 = tpu.vector_load %arg10[%swap3A_309] {strides = array<i32>} : memref<20000xf32, #tpu.memory_space<vmem>>, vector<16xf32>,
      tpu.vector_store %arg10[%swap3A_309], %scan3A_301#1 {strides = array<i32>} : memref<20000xf32, #tpu.memory_space<vmem>>, vector<16xf32>,
      %add3A_311 = arith.constant 32 : i32
      %add3A_312 = arith.addi %mul3A_236, %add3A_311 : i32
      %swap3A_313 = arith.index_cast %add3A_312 : i32 to index
      %swap3A_314 = tpu.vector_load %arg10[%swap3A_313] {strides = array<i32>} : memref<20000xf32, #tpu.memory_space<vmem>>, vector<16xf32>,
      tpu.vector_store %arg10[%swap3A_313], %scan3A_301#2 {strides = array<i32>} : memref<20000xf32, #tpu.memory_space<vmem>>, vector<16xf32>,
      %add3A_315 = arith.constant 48 : i32
      %add3A_316 = arith.addi %mul3A_236, %add3A_315 : i32
      %swap3A_317 = arith.index_cast %add3A_316 : i32 to index
      %swap3A_318 = tpu.vector_load %arg10[%swap3A_317] {strides = array<i32>} : memref<20000xf32, #tpu.memory_space<vmem>>, vector<16xf32>,
      tpu.vector_store %arg10[%swap3A_317], %scan3A_301#3 {strides = array<i32>} : memref<20000xf32, #tpu.memory_space<vmem>>, vector<16xf32>,
      %add3A_319 = arith.constant 64 : i32
      %add3A_320 = arith.addi %mul3A_236, %add3A_319 : i32
      %swap3A_321 = arith.index_cast %add3A_320 : i32 to index
      %swap3A_322 = tpu.vector_load %arg10[%swap3A_321] {strides = array<i32>} : memref<20000xf32, #tpu.memory_space<vmem>>, vector<16xf32>,
      tpu.vector_store %arg10[%swap3A_321], %scan3A_301#4 {strides = array<i32>} : memref<20000xf32, #tpu.memory_space<vmem>>, vector<16xf32>,
      %add3A_323 = arith.constant 80 : i32
      %add3A_324 = arith.addi %mul3A_236, %add3A_323 : i32
      %swap3A_325 = arith.index_cast %add3A_324 : i32 to index
      %swap3A_326 = tpu.vector_load %arg10[%swap3A_325] {strides = array<i32>} : memref<20000xf32, #tpu.memory_space<vmem>>, vector<16xf32>,
      tpu.vector_store %arg10[%swap3A_325], %scan3A_301#5 {strides = array<i32>} : memref<20000xf32, #tpu.memory_space<vmem>>, vector<16xf32>,
      %add3A_327 = arith.constant 96 : i32
      %add3A_328 = arith.addi %mul3A_236, %add3A_327 : i32
      %swap3A_329 = arith.index_cast %add3A_328 : i32 to index
      %swap3A_330 = tpu.vector_load %arg10[%swap3A_329] {strides = array<i32>} : memref<20000xf32, #tpu.memory_space<vmem>>, vector<16xf32>,
      tpu.vector_store %arg10[%swap3A_329], %scan3A_301#6 {strides = array<i32>} : memref<20000xf32, #tpu.memory_space<vmem>>, vector<16xf32>,
      %add3A_331 = arith.constant 112 : i32
      %add3A_332 = arith.addi %mul3A_236, %add3A_331 : i32
      %swap3A_333 = arith.index_cast %add3A_332 : i32 to index
      %swap3A_334 = tpu.vector_load %arg10[%swap3A_333] {strides = array<i32>} : memref<20000xf32, #tpu.memory_space<vmem>>, vector<16xf32>,
      tpu.vector_store %arg10[%swap3A_333], %scan3A_301#7 {strides = array<i32>} : memref<20000xf32, #tpu.memory_space<vmem>>, vector<16xf32>,
      %mul3A_335 = arith.constant 3 : i32
      %mul3A_336 = arith.muli %mul3A_335, %scan3A_113 : i32
      %add3A_337 = arith.constant 2 : i32
      %add3A_338 = arith.addi %mul3A_336, %add3A_337 : i32
      %add3A_339 = arith.constant 2 : i32
      %add3A_340 = arith.addi %add3A_338, %add3A_339 : i32
      %lt3A_341 = arith.constant 156 : i32
      %lt3A_342 = arith.cmpi slt, %add3A_340, %lt3A_341 : i32
      %convert_element_type3A_343 = arith.extui %lt3A_342 : i1 to i32
      %cond3A_344 = arith.constant 0 : i32
      %cond3A_345 = arith.cmpi ne, %convert_element_type3A_343, %cond3A_344 : i32
      scf.if %cond3A_345 {
        %add3A_446 = arith.constant 2 : i32
        %add3A_447 = arith.addi %add3A_338, %add3A_446 : i32
        %mul3A_448 = arith.constant 128 : i32
        %mul3A_449 = arith.muli %add3A_447, %mul3A_448 : i32
        %dma_start3A_450 = arith.constant 1 : i32
        %dma_start3A_451 = arith.constant 0 : i32
        %dma_start3A_452 = arith.constant 0 : i32
        %dma_start3A_453 = tpu.memref_slice %arg8[%dma_start3A_450, %dma_start3A_451, %dma_start3A_452] : memref<3x128x64xi32, #tpu.memory_space<vmem>> -> memref<1x128x64xi32, #tpu.memory_space<vmem>>
        %dma_start3A_454 = tpu.memref_squeeze %dma_start3A_453 : memref<1x128x64xi32, #tpu.memory_space<vmem>> -> memref<128x64xi32, #tpu.memory_space<vmem>>
        %dma_start3A_455 = tpu.memref_slice %arg6[%mul3A_449] : memref<20000xi32, #tpu.memory_space<vmem>> -> memref<128xi32, #tpu.memory_space<vmem>>
        %dma_start3A_456 = arith.constant 0 : i32
        %dma_start3A_457 = arith.constant 0 : i32
        %dma_start3A_458 = tpu.memref_slice %arg2[%dma_start3A_456, %dma_start3A_457] : memref<10000x64xi32, #tpu.memory_space<hbm>> -> memref<10000x64xi32, #tpu.memory_space<hbm>>
        tpu.enqueue_indirect_dma source(%dma_start3A_458 : memref<10000x64xi32, #tpu.memory_space<hbm>>) target(%dma_start3A_454 : memref<128x64xi32, #tpu.memory_space<vmem>>) offsets(%dma_start3A_455 : memref<128xi32, #tpu.memory_space<vmem>>) semaphore(%arg13 : memref<!tpu.dma_semaphore, #tpu.memory_space<semaphore_mem>>)
        %dma_start3A_459 = arith.constant 1 : i32
        %dma_start3A_460 = arith.constant 0 : i32
        %dma_start3A_461 = arith.constant 0 : i32
        %dma_start3A_462 = tpu.memref_slice %arg9[%dma_start3A_459, %dma_start3A_460, %dma_start3A_461] : memref<3x128x64xi32, #tpu.memory_space<vmem>> -> memref<1x128x64xi32, #tpu.memory_space<vmem>>
        %dma_start3A_463 = tpu.memref_squeeze %dma_start3A_462 : memref<1x128x64xi32, #tpu.memory_space<vmem>> -> memref<128x64xi32, #tpu.memory_space<vmem>>
        %dma_start3A_464 = tpu.memref_slice %arg7[%mul3A_449] : memref<20000xi32, #tpu.memory_space<vmem>> -> memref<128xi32, #tpu.memory_space<vmem>>
        %dma_start3A_465 = arith.constant 0 : i32
        %dma_start3A_466 = arith.constant 0 : i32
        %dma_start3A_467 = tpu.memref_slice %arg2[%dma_start3A_465, %dma_start3A_466] : memref<10000x64xi32, #tpu.memory_space<hbm>> -> memref<10000x64xi32, #tpu.memory_space<hbm>>
        tpu.enqueue_indirect_dma source(%dma_start3A_467 : memref<10000x64xi32, #tpu.memory_space<hbm>>) target(%dma_start3A_463 : memref<128x64xi32, #tpu.memory_space<vmem>>) offsets(%dma_start3A_464 : memref<128xi32, #tpu.memory_space<vmem>>) semaphore(%arg14 : memref<!tpu.dma_semaphore, #tpu.memory_space<semaphore_mem>>)
      } else {
      }
      %mul3A_346 = arith.constant 128 : i32
      %mul3A_347 = arith.muli %add3A_338, %mul3A_346 : i32
      %add3A_348 = arith.constant 0 : i32
      %add3A_349 = vector.broadcast %add3A_348 : i32 to vector<16xi32>
      %add3A_350 = arith.addi %iota3A, %add3A_349 : vector<16xi32>
      %add3A_351 = arith.constant 16 : i32
      %add3A_352 = vector.broadcast %add3A_351 : i32 to vector<16xi32>
      %add3A_353 = arith.addi %iota3A, %add3A_352 : vector<16xi32>
      %add3A_354 = arith.constant 32 : i32
      %add3A_355 = vector.broadcast %add3A_354 : i32 to vector<16xi32>
      %add3A_356 = arith.addi %iota3A, %add3A_355 : vector<16xi32>
      %add3A_357 = arith.constant 48 : i32
      %add3A_358 = vector.broadcast %add3A_357 : i32 to vector<16xi32>
      %add3A_359 = arith.addi %iota3A, %add3A_358 : vector<16xi32>
      %add3A_360 = arith.constant 64 : i32
      %add3A_361 = vector.broadcast %add3A_360 : i32 to vector<16xi32>
      %add3A_362 = arith.addi %iota3A, %add3A_361 : vector<16xi32>
      %add3A_363 = arith.constant 80 : i32
      %add3A_364 = vector.broadcast %add3A_363 : i32 to vector<16xi32>
      %add3A_365 = arith.addi %iota3A, %add3A_364 : vector<16xi32>
      %add3A_366 = arith.constant 96 : i32
      %add3A_367 = vector.broadcast %add3A_366 : i32 to vector<16xi32>
      %add3A_368 = arith.addi %iota3A, %add3A_367 : vector<16xi32>
      %add3A_369 = arith.constant 112 : i32
      %add3A_370 = vector.broadcast %add3A_369 : i32 to vector<16xi32>
      %add3A_371 = arith.addi %iota3A, %add3A_370 : vector<16xi32>
      %dma_wait3A_372 = arith.constant 2 : i32
      %dma_wait3A_373 = arith.constant 0 : i32
      %dma_wait3A_374 = arith.constant 0 : i32
      %dma_wait3A_375 = tpu.memref_slice %arg8[%dma_wait3A_372, %dma_wait3A_373, %dma_wait3A_374] : memref<3x128x64xi32, #tpu.memory_space<vmem>> -> memref<1x128x64xi32, #tpu.memory_space<vmem>>
      %dma_wait3A_376 = tpu.memref_squeeze %dma_wait3A_375 : memref<1x128x64xi32, #tpu.memory_space<vmem>> -> memref<128x64xi32, #tpu.memory_space<vmem>>
      %dma_wait3A_377 = tpu.memref_slice %arg6[%mul3A_347] : memref<20000xi32, #tpu.memory_space<vmem>> -> memref<128xi32, #tpu.memory_space<vmem>>
      %dma_wait3A_378 = arith.constant 0 : i32
      %dma_wait3A_379 = arith.constant 0 : i32
      %dma_wait3A_380 = tpu.memref_slice %arg2[%dma_wait3A_378, %dma_wait3A_379] : memref<10000x64xi32, #tpu.memory_space<hbm>> -> memref<10000x64xi32, #tpu.memory_space<hbm>>
      tpu.wait_indirect_dma semaphore(%arg15 : memref<!tpu.dma_semaphore, #tpu.memory_space<semaphore_mem>>) src(%dma_wait3A_380 : memref<10000x64xi32, #tpu.memory_space<hbm>>) dst(%dma_wait3A_376 : memref<128x64xi32, #tpu.memory_space<vmem>>)
      %dma_wait3A_381 = arith.constant 2 : i32
      %dma_wait3A_382 = arith.constant 0 : i32
      %dma_wait3A_383 = arith.constant 0 : i32
      %dma_wait3A_384 = tpu.memref_slice %arg9[%dma_wait3A_381, %dma_wait3A_382, %dma_wait3A_383] : memref<3x128x64xi32, #tpu.memory_space<vmem>> -> memref<1x128x64xi32, #tpu.memory_space<vmem>>
      %dma_wait3A_385 = tpu.memref_squeeze %dma_wait3A_384 : memref<1x128x64xi32, #tpu.memory_space<vmem>> -> memref<128x64xi32, #tpu.memory_space<vmem>>
      %dma_wait3A_386 = tpu.memref_slice %arg7[%mul3A_347] : memref<20000xi32, #tpu.memory_space<vmem>> -> memref<128xi32, #tpu.memory_space<vmem>>
      %dma_wait3A_387 = arith.constant 0 : i32
      %dma_wait3A_388 = arith.constant 0 : i32
      %dma_wait3A_389 = tpu.memref_slice %arg2[%dma_wait3A_387, %dma_wait3A_388] : memref<10000x64xi32, #tpu.memory_space<hbm>> -> memref<10000x64xi32, #tpu.memory_space<hbm>>
      tpu.wait_indirect_dma semaphore(%arg16 : memref<!tpu.dma_semaphore, #tpu.memory_space<semaphore_mem>>) src(%dma_wait3A_389 : memref<10000x64xi32, #tpu.memory_space<hbm>>) dst(%dma_wait3A_385 : memref<128x64xi32, #tpu.memory_space<vmem>>)
      %broadcast_in_dim3A_390 = arith.constant 0.000000e+00 : f32
      %broadcast_in_dim3A_391 = vector.broadcast %broadcast_in_dim3A_390 : f32 to vector<16xf32>
      %broadcast_in_dim3A_392 = arith.constant 0.000000e+00 : f32
      %broadcast_in_dim3A_393 = vector.broadcast %broadcast_in_dim3A_392 : f32 to vector<16xf32>
      %broadcast_in_dim3A_394 = arith.constant 0.000000e+00 : f32
      %broadcast_in_dim3A_395 = vector.broadcast %broadcast_in_dim3A_394 : f32 to vector<16xf32>
      %broadcast_in_dim3A_396 = arith.constant 0.000000e+00 : f32
      %broadcast_in_dim3A_397 = vector.broadcast %broadcast_in_dim3A_396 : f32 to vector<16xf32>
      %broadcast_in_dim3A_398 = arith.constant 0.000000e+00 : f32
      %broadcast_in_dim3A_399 = vector.broadcast %broadcast_in_dim3A_398 : f32 to vector<16xf32>
      %broadcast_in_dim3A_400 = arith.constant 0.000000e+00 : f32
      %broadcast_in_dim3A_401 = vector.broadcast %broadcast_in_dim3A_400 : f32 to vector<16xf32>
      %broadcast_in_dim3A_402 = arith.constant 0.000000e+00 : f32
      %broadcast_in_dim3A_403 = vector.broadcast %broadcast_in_dim3A_402 : f32 to vector<16xf32>
      %broadcast_in_dim3A_404 = arith.constant 0.000000e+00 : f32
      %broadcast_in_dim3A_405 = vector.broadcast %broadcast_in_dim3A_404 : f32 to vector<16xf32>
      %scan3A_406 = arith.constant 2 : i32
      %scan3A_407 = arith.constant 2 : i32
      %scan3A_408 = arith.constant 0 : i32
      %scan3A_409 = arith.constant 32 : i32
      %scan3A_410 = arith.addi %scan3A_408, %scan3A_409 : i32
      %scan3A_411 = arith.constant 1 : i32
      %scan3A_412:8 = scf.for %scan3A_446 = %scan3A_408 to %scan3A_410 step %scan3A_411 iter_args(%scan3A_447 = %broadcast_in_dim3A_391, %scan3A_448 = %broadcast_in_dim3A_393, %scan3A_449 = %broadcast_in_dim3A_395, %scan3A_450 = %broadcast_in_dim3A_397, %scan3A_451 = %broadcast_in_dim3A_399, %scan3A_452 = %broadcast_in_dim3A_401, %scan3A_453 = %broadcast_in_dim3A_403, %scan3A_454 = %broadcast_in_dim3A_405) -> (vector<16xf32>, vector<16xf32>, vector<16xf32>, vector<16xf32>, vector<16xf32>, vector<16xf32>, vector<16xf32>, vector<16xf32>)  : i32 {
        %mul3A_455 = arith.constant 2 : i32
        %mul3A_456 = arith.muli %mul3A_455, %scan3A_446 : i32
        %add3A_457 = arith.constant 1 : i32
        %add3A_458 = arith.addi %mul3A_456, %add3A_457 : i32
        %mul3A_459 = arith.constant 2 : i32
        %mul3A_460 = arith.muli %mul3A_459, %scan3A_446 : i32
        %add3A_461 = vector.broadcast %mul3A_460 : i32 to vector<16xi32>
        %add3A_462 = arith.addi %iota3A, %add3A_461 : vector<16xi32>
        %and3A = arith.constant 63 : i32
        %and3A_463 = vector.broadcast %and3A : i32 to vector<16xi32>
        %and3A_464 = arith.andi %add3A_462, %and3A_463 : vector<16xi32>
        %gather3A = arith.constant 0 : i32
        %gather3A_465 = arith.constant 0 : i32
        %gather3A_466 = tpu.memref_slice %arg8[%scan3A_406, %gather3A, %gather3A_465] : memref<3x128x64xi32, #tpu.memory_space<vmem>> -> memref<1x128x64xi32, #tpu.memory_space<vmem>>
        %gather3A_467 = tpu.memref_squeeze %gather3A_466 : memref<1x128x64xi32, #tpu.memory_space<vmem>> -> memref<128x64xi32, #tpu.memory_space<vmem>>
        %gather3A_468 = tpu.vector_load_idx %gather3A_467[%add3A_350, %and3A_464] : memref<128x64xi32, #tpu.memory_space<vmem>>[vector<16xi32>, vector<16xi32>], vector<16xi32>,
        %gather3A_469 = arith.constant 0 : i32
        %gather3A_470 = arith.constant 0 : i32
        %gather3A_471 = tpu.memref_slice %arg9[%scan3A_407, %gather3A_469, %gather3A_470] : memref<3x128x64xi32, #tpu.memory_space<vmem>> -> memref<1x128x64xi32, #tpu.memory_space<vmem>>
        %gather3A_472 = tpu.memref_squeeze %gather3A_471 : memref<1x128x64xi32, #tpu.memory_space<vmem>> -> memref<128x64xi32, #tpu.memory_space<vmem>>
        %gather3A_473 = tpu.vector_load_idx %gather3A_472[%add3A_350, %and3A_464] : memref<128x64xi32, #tpu.memory_space<vmem>>[vector<16xi32>, vector<16xi32>], vector<16xi32>,
        %bitcast3A = vector.bitcast %gather3A_468 : vector<16xi32> to vector<32xbf16>
        %bitcast3A_474 = vector.bitcast %gather3A_473 : vector<16xi32> to vector<32xbf16>
        %mul3A_475 = arith.mulf %bitcast3A, %bitcast3A_474 : vector<32xbf16>
        %unpack3A = tpu.unpack_subelements %mul3A_475, 0 {pack_format = #tpu.pack_format<interleaved>} : vector<32xbf16> -> vector<16xf32>
        %unpack3A_476 = tpu.unpack_subelements %mul3A_475, 1 {pack_format = #tpu.pack_format<interleaved>} : vector<32xbf16> -> vector<16xf32>
        %add3A_477 = arith.addf %unpack3A, %unpack3A_476 : vector<16xf32>
        %add3A_478 = arith.addf %scan3A_447, %add3A_477 : vector<16xf32>
        %gather3A_479 = arith.constant 0 : i32
        %gather3A_480 = arith.constant 0 : i32
        %gather3A_481 = tpu.memref_slice %arg8[%scan3A_406, %gather3A_479, %gather3A_480] : memref<3x128x64xi32, #tpu.memory_space<vmem>> -> memref<1x128x64xi32, #tpu.memory_space<vmem>>
        %gather3A_482 = tpu.memref_squeeze %gather3A_481 : memref<1x128x64xi32, #tpu.memory_space<vmem>> -> memref<128x64xi32, #tpu.memory_space<vmem>>
        %gather3A_483 = tpu.vector_load_idx %gather3A_482[%add3A_353, %and3A_464] : memref<128x64xi32, #tpu.memory_space<vmem>>[vector<16xi32>, vector<16xi32>], vector<16xi32>,
        %gather3A_484 = arith.constant 0 : i32
        %gather3A_485 = arith.constant 0 : i32
        %gather3A_486 = tpu.memref_slice %arg9[%scan3A_407, %gather3A_484, %gather3A_485] : memref<3x128x64xi32, #tpu.memory_space<vmem>> -> memref<1x128x64xi32, #tpu.memory_space<vmem>>
        %gather3A_487 = tpu.memref_squeeze %gather3A_486 : memref<1x128x64xi32, #tpu.memory_space<vmem>> -> memref<128x64xi32, #tpu.memory_space<vmem>>
        %gather3A_488 = tpu.vector_load_idx %gather3A_487[%add3A_353, %and3A_464] : memref<128x64xi32, #tpu.memory_space<vmem>>[vector<16xi32>, vector<16xi32>], vector<16xi32>,
        %bitcast3A_489 = vector.bitcast %gather3A_483 : vector<16xi32> to vector<32xbf16>
        %bitcast3A_490 = vector.bitcast %gather3A_488 : vector<16xi32> to vector<32xbf16>
        %mul3A_491 = arith.mulf %bitcast3A_489, %bitcast3A_490 : vector<32xbf16>
        %unpack3A_492 = tpu.unpack_subelements %mul3A_491, 0 {pack_format = #tpu.pack_format<interleaved>} : vector<32xbf16> -> vector<16xf32>
        %unpack3A_493 = tpu.unpack_subelements %mul3A_491, 1 {pack_format = #tpu.pack_format<interleaved>} : vector<32xbf16> -> vector<16xf32>
        %add3A_494 = arith.addf %unpack3A_492, %unpack3A_493 : vector<16xf32>
        %add3A_495 = arith.addf %scan3A_448, %add3A_494 : vector<16xf32>
        %gather3A_496 = arith.constant 0 : i32
        %gather3A_497 = arith.constant 0 : i32
        %gather3A_498 = tpu.memref_slice %arg8[%scan3A_406, %gather3A_496, %gather3A_497] : memref<3x128x64xi32, #tpu.memory_space<vmem>> -> memref<1x128x64xi32, #tpu.memory_space<vmem>>
        %gather3A_499 = tpu.memref_squeeze %gather3A_498 : memref<1x128x64xi32, #tpu.memory_space<vmem>> -> memref<128x64xi32, #tpu.memory_space<vmem>>
        %gather3A_500 = tpu.vector_load_idx %gather3A_499[%add3A_356, %and3A_464] : memref<128x64xi32, #tpu.memory_space<vmem>>[vector<16xi32>, vector<16xi32>], vector<16xi32>,
        %gather3A_501 = arith.constant 0 : i32
        %gather3A_502 = arith.constant 0 : i32
        %gather3A_503 = tpu.memref_slice %arg9[%scan3A_407, %gather3A_501, %gather3A_502] : memref<3x128x64xi32, #tpu.memory_space<vmem>> -> memref<1x128x64xi32, #tpu.memory_space<vmem>>
        %gather3A_504 = tpu.memref_squeeze %gather3A_503 : memref<1x128x64xi32, #tpu.memory_space<vmem>> -> memref<128x64xi32, #tpu.memory_space<vmem>>
        %gather3A_505 = tpu.vector_load_idx %gather3A_504[%add3A_356, %and3A_464] : memref<128x64xi32, #tpu.memory_space<vmem>>[vector<16xi32>, vector<16xi32>], vector<16xi32>,
        %bitcast3A_506 = vector.bitcast %gather3A_500 : vector<16xi32> to vector<32xbf16>
        %bitcast3A_507 = vector.bitcast %gather3A_505 : vector<16xi32> to vector<32xbf16>
        %mul3A_508 = arith.mulf %bitcast3A_506, %bitcast3A_507 : vector<32xbf16>
        %unpack3A_509 = tpu.unpack_subelements %mul3A_508, 0 {pack_format = #tpu.pack_format<interleaved>} : vector<32xbf16> -> vector<16xf32>
        %unpack3A_510 = tpu.unpack_subelements %mul3A_508, 1 {pack_format = #tpu.pack_format<interleaved>} : vector<32xbf16> -> vector<16xf32>
        %add3A_511 = arith.addf %unpack3A_509, %unpack3A_510 : vector<16xf32>
        %add3A_512 = arith.addf %scan3A_449, %add3A_511 : vector<16xf32>
        %gather3A_513 = arith.constant 0 : i32
        %gather3A_514 = arith.constant 0 : i32
        %gather3A_515 = tpu.memref_slice %arg8[%scan3A_406, %gather3A_513, %gather3A_514] : memref<3x128x64xi32, #tpu.memory_space<vmem>> -> memref<1x128x64xi32, #tpu.memory_space<vmem>>
        %gather3A_516 = tpu.memref_squeeze %gather3A_515 : memref<1x128x64xi32, #tpu.memory_space<vmem>> -> memref<128x64xi32, #tpu.memory_space<vmem>>
        %gather3A_517 = tpu.vector_load_idx %gather3A_516[%add3A_359, %and3A_464] : memref<128x64xi32, #tpu.memory_space<vmem>>[vector<16xi32>, vector<16xi32>], vector<16xi32>,
        %gather3A_518 = arith.constant 0 : i32
        %gather3A_519 = arith.constant 0 : i32
        %gather3A_520 = tpu.memref_slice %arg9[%scan3A_407, %gather3A_518, %gather3A_519] : memref<3x128x64xi32, #tpu.memory_space<vmem>> -> memref<1x128x64xi32, #tpu.memory_space<vmem>>
        %gather3A_521 = tpu.memref_squeeze %gather3A_520 : memref<1x128x64xi32, #tpu.memory_space<vmem>> -> memref<128x64xi32, #tpu.memory_space<vmem>>
        %gather3A_522 = tpu.vector_load_idx %gather3A_521[%add3A_359, %and3A_464] : memref<128x64xi32, #tpu.memory_space<vmem>>[vector<16xi32>, vector<16xi32>], vector<16xi32>,
        %bitcast3A_523 = vector.bitcast %gather3A_517 : vector<16xi32> to vector<32xbf16>
        %bitcast3A_524 = vector.bitcast %gather3A_522 : vector<16xi32> to vector<32xbf16>
        %mul3A_525 = arith.mulf %bitcast3A_523, %bitcast3A_524 : vector<32xbf16>
        %unpack3A_526 = tpu.unpack_subelements %mul3A_525, 0 {pack_format = #tpu.pack_format<interleaved>} : vector<32xbf16> -> vector<16xf32>
        %unpack3A_527 = tpu.unpack_subelements %mul3A_525, 1 {pack_format = #tpu.pack_format<interleaved>} : vector<32xbf16> -> vector<16xf32>
        %add3A_528 = arith.addf %unpack3A_526, %unpack3A_527 : vector<16xf32>
        %add3A_529 = arith.addf %scan3A_450, %add3A_528 : vector<16xf32>
        %gather3A_530 = arith.constant 0 : i32
        %gather3A_531 = arith.constant 0 : i32
        %gather3A_532 = tpu.memref_slice %arg8[%scan3A_406, %gather3A_530, %gather3A_531] : memref<3x128x64xi32, #tpu.memory_space<vmem>> -> memref<1x128x64xi32, #tpu.memory_space<vmem>>
        %gather3A_533 = tpu.memref_squeeze %gather3A_532 : memref<1x128x64xi32, #tpu.memory_space<vmem>> -> memref<128x64xi32, #tpu.memory_space<vmem>>
        %gather3A_534 = tpu.vector_load_idx %gather3A_533[%add3A_362, %and3A_464] : memref<128x64xi32, #tpu.memory_space<vmem>>[vector<16xi32>, vector<16xi32>], vector<16xi32>,
        %gather3A_535 = arith.constant 0 : i32
        %gather3A_536 = arith.constant 0 : i32
        %gather3A_537 = tpu.memref_slice %arg9[%scan3A_407, %gather3A_535, %gather3A_536] : memref<3x128x64xi32, #tpu.memory_space<vmem>> -> memref<1x128x64xi32, #tpu.memory_space<vmem>>
        %gather3A_538 = tpu.memref_squeeze %gather3A_537 : memref<1x128x64xi32, #tpu.memory_space<vmem>> -> memref<128x64xi32, #tpu.memory_space<vmem>>
        %gather3A_539 = tpu.vector_load_idx %gather3A_538[%add3A_362, %and3A_464] : memref<128x64xi32, #tpu.memory_space<vmem>>[vector<16xi32>, vector<16xi32>], vector<16xi32>,
        %bitcast3A_540 = vector.bitcast %gather3A_534 : vector<16xi32> to vector<32xbf16>
        %bitcast3A_541 = vector.bitcast %gather3A_539 : vector<16xi32> to vector<32xbf16>
        %mul3A_542 = arith.mulf %bitcast3A_540, %bitcast3A_541 : vector<32xbf16>
        %unpack3A_543 = tpu.unpack_subelements %mul3A_542, 0 {pack_format = #tpu.pack_format<interleaved>} : vector<32xbf16> -> vector<16xf32>
        %unpack3A_544 = tpu.unpack_subelements %mul3A_542, 1 {pack_format = #tpu.pack_format<interleaved>} : vector<32xbf16> -> vector<16xf32>
        %add3A_545 = arith.addf %unpack3A_543, %unpack3A_544 : vector<16xf32>
        %add3A_546 = arith.addf %scan3A_451, %add3A_545 : vector<16xf32>
        %gather3A_547 = arith.constant 0 : i32
        %gather3A_548 = arith.constant 0 : i32
        %gather3A_549 = tpu.memref_slice %arg8[%scan3A_406, %gather3A_547, %gather3A_548] : memref<3x128x64xi32, #tpu.memory_space<vmem>> -> memref<1x128x64xi32, #tpu.memory_space<vmem>>
        %gather3A_550 = tpu.memref_squeeze %gather3A_549 : memref<1x128x64xi32, #tpu.memory_space<vmem>> -> memref<128x64xi32, #tpu.memory_space<vmem>>
        %gather3A_551 = tpu.vector_load_idx %gather3A_550[%add3A_365, %and3A_464] : memref<128x64xi32, #tpu.memory_space<vmem>>[vector<16xi32>, vector<16xi32>], vector<16xi32>,
        %gather3A_552 = arith.constant 0 : i32
        %gather3A_553 = arith.constant 0 : i32
        %gather3A_554 = tpu.memref_slice %arg9[%scan3A_407, %gather3A_552, %gather3A_553] : memref<3x128x64xi32, #tpu.memory_space<vmem>> -> memref<1x128x64xi32, #tpu.memory_space<vmem>>
        %gather3A_555 = tpu.memref_squeeze %gather3A_554 : memref<1x128x64xi32, #tpu.memory_space<vmem>> -> memref<128x64xi32, #tpu.memory_space<vmem>>
        %gather3A_556 = tpu.vector_load_idx %gather3A_555[%add3A_365, %and3A_464] : memref<128x64xi32, #tpu.memory_space<vmem>>[vector<16xi32>, vector<16xi32>], vector<16xi32>,
        %bitcast3A_557 = vector.bitcast %gather3A_551 : vector<16xi32> to vector<32xbf16>
        %bitcast3A_558 = vector.bitcast %gather3A_556 : vector<16xi32> to vector<32xbf16>
        %mul3A_559 = arith.mulf %bitcast3A_557, %bitcast3A_558 : vector<32xbf16>
        %unpack3A_560 = tpu.unpack_subelements %mul3A_559, 0 {pack_format = #tpu.pack_format<interleaved>} : vector<32xbf16> -> vector<16xf32>
        %unpack3A_561 = tpu.unpack_subelements %mul3A_559, 1 {pack_format = #tpu.pack_format<interleaved>} : vector<32xbf16> -> vector<16xf32>
        %add3A_562 = arith.addf %unpack3A_560, %unpack3A_561 : vector<16xf32>
        %add3A_563 = arith.addf %scan3A_452, %add3A_562 : vector<16xf32>
        %gather3A_564 = arith.constant 0 : i32
        %gather3A_565 = arith.constant 0 : i32
        %gather3A_566 = tpu.memref_slice %arg8[%scan3A_406, %gather3A_564, %gather3A_565] : memref<3x128x64xi32, #tpu.memory_space<vmem>> -> memref<1x128x64xi32, #tpu.memory_space<vmem>>
        %gather3A_567 = tpu.memref_squeeze %gather3A_566 : memref<1x128x64xi32, #tpu.memory_space<vmem>> -> memref<128x64xi32, #tpu.memory_space<vmem>>
        %gather3A_568 = tpu.vector_load_idx %gather3A_567[%add3A_368, %and3A_464] : memref<128x64xi32, #tpu.memory_space<vmem>>[vector<16xi32>, vector<16xi32>], vector<16xi32>,
        %gather3A_569 = arith.constant 0 : i32
        %gather3A_570 = arith.constant 0 : i32
        %gather3A_571 = tpu.memref_slice %arg9[%scan3A_407, %gather3A_569, %gather3A_570] : memref<3x128x64xi32, #tpu.memory_space<vmem>> -> memref<1x128x64xi32, #tpu.memory_space<vmem>>
        %gather3A_572 = tpu.memref_squeeze %gather3A_571 : memref<1x128x64xi32, #tpu.memory_space<vmem>> -> memref<128x64xi32, #tpu.memory_space<vmem>>
        %gather3A_573 = tpu.vector_load_idx %gather3A_572[%add3A_368, %and3A_464] : memref<128x64xi32, #tpu.memory_space<vmem>>[vector<16xi32>, vector<16xi32>], vector<16xi32>,
        %bitcast3A_574 = vector.bitcast %gather3A_568 : vector<16xi32> to vector<32xbf16>
        %bitcast3A_575 = vector.bitcast %gather3A_573 : vector<16xi32> to vector<32xbf16>
        %mul3A_576 = arith.mulf %bitcast3A_574, %bitcast3A_575 : vector<32xbf16>
        %unpack3A_577 = tpu.unpack_subelements %mul3A_576, 0 {pack_format = #tpu.pack_format<interleaved>} : vector<32xbf16> -> vector<16xf32>
        %unpack3A_578 = tpu.unpack_subelements %mul3A_576, 1 {pack_format = #tpu.pack_format<interleaved>} : vector<32xbf16> -> vector<16xf32>
        %add3A_579 = arith.addf %unpack3A_577, %unpack3A_578 : vector<16xf32>
        %add3A_580 = arith.addf %scan3A_453, %add3A_579 : vector<16xf32>
        %gather3A_581 = arith.constant 0 : i32
        %gather3A_582 = arith.constant 0 : i32
        %gather3A_583 = tpu.memref_slice %arg8[%scan3A_406, %gather3A_581, %gather3A_582] : memref<3x128x64xi32, #tpu.memory_space<vmem>> -> memref<1x128x64xi32, #tpu.memory_space<vmem>>
        %gather3A_584 = tpu.memref_squeeze %gather3A_583 : memref<1x128x64xi32, #tpu.memory_space<vmem>> -> memref<128x64xi32, #tpu.memory_space<vmem>>
        %gather3A_585 = tpu.vector_load_idx %gather3A_584[%add3A_371, %and3A_464] : memref<128x64xi32, #tpu.memory_space<vmem>>[vector<16xi32>, vector<16xi32>], vector<16xi32>,
        %gather3A_586 = arith.constant 0 : i32
        %gather3A_587 = arith.constant 0 : i32
        %gather3A_588 = tpu.memref_slice %arg9[%scan3A_407, %gather3A_586, %gather3A_587] : memref<3x128x64xi32, #tpu.memory_space<vmem>> -> memref<1x128x64xi32, #tpu.memory_space<vmem>>
        %gather3A_589 = tpu.memref_squeeze %gather3A_588 : memref<1x128x64xi32, #tpu.memory_space<vmem>> -> memref<128x64xi32, #tpu.memory_space<vmem>>
        %gather3A_590 = tpu.vector_load_idx %gather3A_589[%add3A_371, %and3A_464] : memref<128x64xi32, #tpu.memory_space<vmem>>[vector<16xi32>, vector<16xi32>], vector<16xi32>,
        %bitcast3A_591 = vector.bitcast %gather3A_585 : vector<16xi32> to vector<32xbf16>
        %bitcast3A_592 = vector.bitcast %gather3A_590 : vector<16xi32> to vector<32xbf16>
        %mul3A_593 = arith.mulf %bitcast3A_591, %bitcast3A_592 : vector<32xbf16>
        %unpack3A_594 = tpu.unpack_subelements %mul3A_593, 0 {pack_format = #tpu.pack_format<interleaved>} : vector<32xbf16> -> vector<16xf32>
        %unpack3A_595 = tpu.unpack_subelements %mul3A_593, 1 {pack_format = #tpu.pack_format<interleaved>} : vector<32xbf16> -> vector<16xf32>
        %add3A_596 = arith.addf %unpack3A_594, %unpack3A_595 : vector<16xf32>
        %add3A_597 = arith.addf %scan3A_454, %add3A_596 : vector<16xf32>
        %add3A_598 = vector.broadcast %add3A_458 : i32 to vector<16xi32>
        %add3A_599 = arith.addi %iota3A, %add3A_598 : vector<16xi32>
        %and3A_600 = arith.constant 63 : i32
        %and3A_601 = vector.broadcast %and3A_600 : i32 to vector<16xi32>
        %and3A_602 = arith.andi %add3A_599, %and3A_601 : vector<16xi32>
        %gather3A_603 = arith.constant 0 : i32
        %gather3A_604 = arith.constant 0 : i32
        %gather3A_605 = tpu.memref_slice %arg8[%scan3A_406, %gather3A_603, %gather3A_604] : memref<3x128x64xi32, #tpu.memory_space<vmem>> -> memref<1x128x64xi32, #tpu.memory_space<vmem>>
        %gather3A_606 = tpu.memref_squeeze %gather3A_605 : memref<1x128x64xi32, #tpu.memory_space<vmem>> -> memref<128x64xi32, #tpu.memory_space<vmem>>
        %gather3A_607 = tpu.vector_load_idx %gather3A_606[%add3A_350, %and3A_602] : memref<128x64xi32, #tpu.memory_space<vmem>>[vector<16xi32>, vector<16xi32>], vector<16xi32>,
        %gather3A_608 = arith.constant 0 : i32
        %gather3A_609 = arith.constant 0 : i32
        %gather3A_610 = tpu.memref_slice %arg9[%scan3A_407, %gather3A_608, %gather3A_609] : memref<3x128x64xi32, #tpu.memory_space<vmem>> -> memref<1x128x64xi32, #tpu.memory_space<vmem>>
        %gather3A_611 = tpu.memref_squeeze %gather3A_610 : memref<1x128x64xi32, #tpu.memory_space<vmem>> -> memref<128x64xi32, #tpu.memory_space<vmem>>
        %gather3A_612 = tpu.vector_load_idx %gather3A_611[%add3A_350, %and3A_602] : memref<128x64xi32, #tpu.memory_space<vmem>>[vector<16xi32>, vector<16xi32>], vector<16xi32>,
        %bitcast3A_613 = vector.bitcast %gather3A_607 : vector<16xi32> to vector<32xbf16>
        %bitcast3A_614 = vector.bitcast %gather3A_612 : vector<16xi32> to vector<32xbf16>
        %mul3A_615 = arith.mulf %bitcast3A_613, %bitcast3A_614 : vector<32xbf16>
        %unpack3A_616 = tpu.unpack_subelements %mul3A_615, 0 {pack_format = #tpu.pack_format<interleaved>} : vector<32xbf16> -> vector<16xf32>
        %unpack3A_617 = tpu.unpack_subelements %mul3A_615, 1 {pack_format = #tpu.pack_format<interleaved>} : vector<32xbf16> -> vector<16xf32>
        %add3A_618 = arith.addf %unpack3A_616, %unpack3A_617 : vector<16xf32>
        %add3A_619 = arith.addf %add3A_478, %add3A_618 : vector<16xf32>
        %gather3A_620 = arith.constant 0 : i32
        %gather3A_621 = arith.constant 0 : i32
        %gather3A_622 = tpu.memref_slice %arg8[%scan3A_406, %gather3A_620, %gather3A_621] : memref<3x128x64xi32, #tpu.memory_space<vmem>> -> memref<1x128x64xi32, #tpu.memory_space<vmem>>
        %gather3A_623 = tpu.memref_squeeze %gather3A_622 : memref<1x128x64xi32, #tpu.memory_space<vmem>> -> memref<128x64xi32, #tpu.memory_space<vmem>>
        %gather3A_624 = tpu.vector_load_idx %gather3A_623[%add3A_353, %and3A_602] : memref<128x64xi32, #tpu.memory_space<vmem>>[vector<16xi32>, vector<16xi32>], vector<16xi32>,
        %gather3A_625 = arith.constant 0 : i32
        %gather3A_626 = arith.constant 0 : i32
        %gather3A_627 = tpu.memref_slice %arg9[%scan3A_407, %gather3A_625, %gather3A_626] : memref<3x128x64xi32, #tpu.memory_space<vmem>> -> memref<1x128x64xi32, #tpu.memory_space<vmem>>
        %gather3A_628 = tpu.memref_squeeze %gather3A_627 : memref<1x128x64xi32, #tpu.memory_space<vmem>> -> memref<128x64xi32, #tpu.memory_space<vmem>>
        %gather3A_629 = tpu.vector_load_idx %gather3A_628[%add3A_353, %and3A_602] : memref<128x64xi32, #tpu.memory_space<vmem>>[vector<16xi32>, vector<16xi32>], vector<16xi32>,
        %bitcast3A_630 = vector.bitcast %gather3A_624 : vector<16xi32> to vector<32xbf16>
        %bitcast3A_631 = vector.bitcast %gather3A_629 : vector<16xi32> to vector<32xbf16>
        %mul3A_632 = arith.mulf %bitcast3A_630, %bitcast3A_631 : vector<32xbf16>
        %unpack3A_633 = tpu.unpack_subelements %mul3A_632, 0 {pack_format = #tpu.pack_format<interleaved>} : vector<32xbf16> -> vector<16xf32>
        %unpack3A_634 = tpu.unpack_subelements %mul3A_632, 1 {pack_format = #tpu.pack_format<interleaved>} : vector<32xbf16> -> vector<16xf32>
        %add3A_635 = arith.addf %unpack3A_633, %unpack3A_634 : vector<16xf32>
        %add3A_636 = arith.addf %add3A_495, %add3A_635 : vector<16xf32>
        %gather3A_637 = arith.constant 0 : i32
        %gather3A_638 = arith.constant 0 : i32
        %gather3A_639 = tpu.memref_slice %arg8[%scan3A_406, %gather3A_637, %gather3A_638] : memref<3x128x64xi32, #tpu.memory_space<vmem>> -> memref<1x128x64xi32, #tpu.memory_space<vmem>>
        %gather3A_640 = tpu.memref_squeeze %gather3A_639 : memref<1x128x64xi32, #tpu.memory_space<vmem>> -> memref<128x64xi32, #tpu.memory_space<vmem>>
        %gather3A_641 = tpu.vector_load_idx %gather3A_640[%add3A_356, %and3A_602] : memref<128x64xi32, #tpu.memory_space<vmem>>[vector<16xi32>, vector<16xi32>], vector<16xi32>,
        %gather3A_642 = arith.constant 0 : i32
        %gather3A_643 = arith.constant 0 : i32
        %gather3A_644 = tpu.memref_slice %arg9[%scan3A_407, %gather3A_642, %gather3A_643] : memref<3x128x64xi32, #tpu.memory_space<vmem>> -> memref<1x128x64xi32, #tpu.memory_space<vmem>>
        %gather3A_645 = tpu.memref_squeeze %gather3A_644 : memref<1x128x64xi32, #tpu.memory_space<vmem>> -> memref<128x64xi32, #tpu.memory_space<vmem>>
        %gather3A_646 = tpu.vector_load_idx %gather3A_645[%add3A_356, %and3A_602] : memref<128x64xi32, #tpu.memory_space<vmem>>[vector<16xi32>, vector<16xi32>], vector<16xi32>,
        %bitcast3A_647 = vector.bitcast %gather3A_641 : vector<16xi32> to vector<32xbf16>
        %bitcast3A_648 = vector.bitcast %gather3A_646 : vector<16xi32> to vector<32xbf16>
        %mul3A_649 = arith.mulf %bitcast3A_647, %bitcast3A_648 : vector<32xbf16>
        %unpack3A_650 = tpu.unpack_subelements %mul3A_649, 0 {pack_format = #tpu.pack_format<interleaved>} : vector<32xbf16> -> vector<16xf32>
        %unpack3A_651 = tpu.unpack_subelements %mul3A_649, 1 {pack_format = #tpu.pack_format<interleaved>} : vector<32xbf16> -> vector<16xf32>
        %add3A_652 = arith.addf %unpack3A_650, %unpack3A_651 : vector<16xf32>
        %add3A_653 = arith.addf %add3A_512, %add3A_652 : vector<16xf32>
        %gather3A_654 = arith.constant 0 : i32
        %gather3A_655 = arith.constant 0 : i32
        %gather3A_656 = tpu.memref_slice %arg8[%scan3A_406, %gather3A_654, %gather3A_655] : memref<3x128x64xi32, #tpu.memory_space<vmem>> -> memref<1x128x64xi32, #tpu.memory_space<vmem>>
        %gather3A_657 = tpu.memref_squeeze %gather3A_656 : memref<1x128x64xi32, #tpu.memory_space<vmem>> -> memref<128x64xi32, #tpu.memory_space<vmem>>
        %gather3A_658 = tpu.vector_load_idx %gather3A_657[%add3A_359, %and3A_602] : memref<128x64xi32, #tpu.memory_space<vmem>>[vector<16xi32>, vector<16xi32>], vector<16xi32>,
        %gather3A_659 = arith.constant 0 : i32
        %gather3A_660 = arith.constant 0 : i32
        %gather3A_661 = tpu.memref_slice %arg9[%scan3A_407, %gather3A_659, %gather3A_660] : memref<3x128x64xi32, #tpu.memory_space<vmem>> -> memref<1x128x64xi32, #tpu.memory_space<vmem>>
        %gather3A_662 = tpu.memref_squeeze %gather3A_661 : memref<1x128x64xi32, #tpu.memory_space<vmem>> -> memref<128x64xi32, #tpu.memory_space<vmem>>
        %gather3A_663 = tpu.vector_load_idx %gather3A_662[%add3A_359, %and3A_602] : memref<128x64xi32, #tpu.memory_space<vmem>>[vector<16xi32>, vector<16xi32>], vector<16xi32>,
        %bitcast3A_664 = vector.bitcast %gather3A_658 : vector<16xi32> to vector<32xbf16>
        %bitcast3A_665 = vector.bitcast %gather3A_663 : vector<16xi32> to vector<32xbf16>
        %mul3A_666 = arith.mulf %bitcast3A_664, %bitcast3A_665 : vector<32xbf16>
        %unpack3A_667 = tpu.unpack_subelements %mul3A_666, 0 {pack_format = #tpu.pack_format<interleaved>} : vector<32xbf16> -> vector<16xf32>
        %unpack3A_668 = tpu.unpack_subelements %mul3A_666, 1 {pack_format = #tpu.pack_format<interleaved>} : vector<32xbf16> -> vector<16xf32>
        %add3A_669 = arith.addf %unpack3A_667, %unpack3A_668 : vector<16xf32>
        %add3A_670 = arith.addf %add3A_529, %add3A_669 : vector<16xf32>
        %gather3A_671 = arith.constant 0 : i32
        %gather3A_672 = arith.constant 0 : i32
        %gather3A_673 = tpu.memref_slice %arg8[%scan3A_406, %gather3A_671, %gather3A_672] : memref<3x128x64xi32, #tpu.memory_space<vmem>> -> memref<1x128x64xi32, #tpu.memory_space<vmem>>
        %gather3A_674 = tpu.memref_squeeze %gather3A_673 : memref<1x128x64xi32, #tpu.memory_space<vmem>> -> memref<128x64xi32, #tpu.memory_space<vmem>>
        %gather3A_675 = tpu.vector_load_idx %gather3A_674[%add3A_362, %and3A_602] : memref<128x64xi32, #tpu.memory_space<vmem>>[vector<16xi32>, vector<16xi32>], vector<16xi32>,
        %gather3A_676 = arith.constant 0 : i32
        %gather3A_677 = arith.constant 0 : i32
        %gather3A_678 = tpu.memref_slice %arg9[%scan3A_407, %gather3A_676, %gather3A_677] : memref<3x128x64xi32, #tpu.memory_space<vmem>> -> memref<1x128x64xi32, #tpu.memory_space<vmem>>
        %gather3A_679 = tpu.memref_squeeze %gather3A_678 : memref<1x128x64xi32, #tpu.memory_space<vmem>> -> memref<128x64xi32, #tpu.memory_space<vmem>>
        %gather3A_680 = tpu.vector_load_idx %gather3A_679[%add3A_362, %and3A_602] : memref<128x64xi32, #tpu.memory_space<vmem>>[vector<16xi32>, vector<16xi32>], vector<16xi32>,
        %bitcast3A_681 = vector.bitcast %gather3A_675 : vector<16xi32> to vector<32xbf16>
        %bitcast3A_682 = vector.bitcast %gather3A_680 : vector<16xi32> to vector<32xbf16>
        %mul3A_683 = arith.mulf %bitcast3A_681, %bitcast3A_682 : vector<32xbf16>
        %unpack3A_684 = tpu.unpack_subelements %mul3A_683, 0 {pack_format = #tpu.pack_format<interleaved>} : vector<32xbf16> -> vector<16xf32>
        %unpack3A_685 = tpu.unpack_subelements %mul3A_683, 1 {pack_format = #tpu.pack_format<interleaved>} : vector<32xbf16> -> vector<16xf32>
        %add3A_686 = arith.addf %unpack3A_684, %unpack3A_685 : vector<16xf32>
        %add3A_687 = arith.addf %add3A_546, %add3A_686 : vector<16xf32>
        %gather3A_688 = arith.constant 0 : i32
        %gather3A_689 = arith.constant 0 : i32
        %gather3A_690 = tpu.memref_slice %arg8[%scan3A_406, %gather3A_688, %gather3A_689] : memref<3x128x64xi32, #tpu.memory_space<vmem>> -> memref<1x128x64xi32, #tpu.memory_space<vmem>>
        %gather3A_691 = tpu.memref_squeeze %gather3A_690 : memref<1x128x64xi32, #tpu.memory_space<vmem>> -> memref<128x64xi32, #tpu.memory_space<vmem>>
        %gather3A_692 = tpu.vector_load_idx %gather3A_691[%add3A_365, %and3A_602] : memref<128x64xi32, #tpu.memory_space<vmem>>[vector<16xi32>, vector<16xi32>], vector<16xi32>,
        %gather3A_693 = arith.constant 0 : i32
        %gather3A_694 = arith.constant 0 : i32
        %gather3A_695 = tpu.memref_slice %arg9[%scan3A_407, %gather3A_693, %gather3A_694] : memref<3x128x64xi32, #tpu.memory_space<vmem>> -> memref<1x128x64xi32, #tpu.memory_space<vmem>>
        %gather3A_696 = tpu.memref_squeeze %gather3A_695 : memref<1x128x64xi32, #tpu.memory_space<vmem>> -> memref<128x64xi32, #tpu.memory_space<vmem>>
        %gather3A_697 = tpu.vector_load_idx %gather3A_696[%add3A_365, %and3A_602] : memref<128x64xi32, #tpu.memory_space<vmem>>[vector<16xi32>, vector<16xi32>], vector<16xi32>,
        %bitcast3A_698 = vector.bitcast %gather3A_692 : vector<16xi32> to vector<32xbf16>
        %bitcast3A_699 = vector.bitcast %gather3A_697 : vector<16xi32> to vector<32xbf16>
        %mul3A_700 = arith.mulf %bitcast3A_698, %bitcast3A_699 : vector<32xbf16>
        %unpack3A_701 = tpu.unpack_subelements %mul3A_700, 0 {pack_format = #tpu.pack_format<interleaved>} : vector<32xbf16> -> vector<16xf32>
        %unpack3A_702 = tpu.unpack_subelements %mul3A_700, 1 {pack_format = #tpu.pack_format<interleaved>} : vector<32xbf16> -> vector<16xf32>
        %add3A_703 = arith.addf %unpack3A_701, %unpack3A_702 : vector<16xf32>
        %add3A_704 = arith.addf %add3A_563, %add3A_703 : vector<16xf32>
        %gather3A_705 = arith.constant 0 : i32
        %gather3A_706 = arith.constant 0 : i32
        %gather3A_707 = tpu.memref_slice %arg8[%scan3A_406, %gather3A_705, %gather3A_706] : memref<3x128x64xi32, #tpu.memory_space<vmem>> -> memref<1x128x64xi32, #tpu.memory_space<vmem>>
        %gather3A_708 = tpu.memref_squeeze %gather3A_707 : memref<1x128x64xi32, #tpu.memory_space<vmem>> -> memref<128x64xi32, #tpu.memory_space<vmem>>
        %gather3A_709 = tpu.vector_load_idx %gather3A_708[%add3A_368, %and3A_602] : memref<128x64xi32, #tpu.memory_space<vmem>>[vector<16xi32>, vector<16xi32>], vector<16xi32>,
        %gather3A_710 = arith.constant 0 : i32
        %gather3A_711 = arith.constant 0 : i32
        %gather3A_712 = tpu.memref_slice %arg9[%scan3A_407, %gather3A_710, %gather3A_711] : memref<3x128x64xi32, #tpu.memory_space<vmem>> -> memref<1x128x64xi32, #tpu.memory_space<vmem>>
        %gather3A_713 = tpu.memref_squeeze %gather3A_712 : memref<1x128x64xi32, #tpu.memory_space<vmem>> -> memref<128x64xi32, #tpu.memory_space<vmem>>
        %gather3A_714 = tpu.vector_load_idx %gather3A_713[%add3A_368, %and3A_602] : memref<128x64xi32, #tpu.memory_space<vmem>>[vector<16xi32>, vector<16xi32>], vector<16xi32>,
        %bitcast3A_715 = vector.bitcast %gather3A_709 : vector<16xi32> to vector<32xbf16>
        %bitcast3A_716 = vector.bitcast %gather3A_714 : vector<16xi32> to vector<32xbf16>
        %mul3A_717 = arith.mulf %bitcast3A_715, %bitcast3A_716 : vector<32xbf16>
        %unpack3A_718 = tpu.unpack_subelements %mul3A_717, 0 {pack_format = #tpu.pack_format<interleaved>} : vector<32xbf16> -> vector<16xf32>
        %unpack3A_719 = tpu.unpack_subelements %mul3A_717, 1 {pack_format = #tpu.pack_format<interleaved>} : vector<32xbf16> -> vector<16xf32>
        %add3A_720 = arith.addf %unpack3A_718, %unpack3A_719 : vector<16xf32>
        %add3A_721 = arith.addf %add3A_580, %add3A_720 : vector<16xf32>
        %gather3A_722 = arith.constant 0 : i32
        %gather3A_723 = arith.constant 0 : i32
        %gather3A_724 = tpu.memref_slice %arg8[%scan3A_406, %gather3A_722, %gather3A_723] : memref<3x128x64xi32, #tpu.memory_space<vmem>> -> memref<1x128x64xi32, #tpu.memory_space<vmem>>
        %gather3A_725 = tpu.memref_squeeze %gather3A_724 : memref<1x128x64xi32, #tpu.memory_space<vmem>> -> memref<128x64xi32, #tpu.memory_space<vmem>>
        %gather3A_726 = tpu.vector_load_idx %gather3A_725[%add3A_371, %and3A_602] : memref<128x64xi32, #tpu.memory_space<vmem>>[vector<16xi32>, vector<16xi32>], vector<16xi32>,
        %gather3A_727 = arith.constant 0 : i32
        %gather3A_728 = arith.constant 0 : i32
        %gather3A_729 = tpu.memref_slice %arg9[%scan3A_407, %gather3A_727, %gather3A_728] : memref<3x128x64xi32, #tpu.memory_space<vmem>> -> memref<1x128x64xi32, #tpu.memory_space<vmem>>
        %gather3A_730 = tpu.memref_squeeze %gather3A_729 : memref<1x128x64xi32, #tpu.memory_space<vmem>> -> memref<128x64xi32, #tpu.memory_space<vmem>>
        %gather3A_731 = tpu.vector_load_idx %gather3A_730[%add3A_371, %and3A_602] : memref<128x64xi32, #tpu.memory_space<vmem>>[vector<16xi32>, vector<16xi32>], vector<16xi32>,
        %bitcast3A_732 = vector.bitcast %gather3A_726 : vector<16xi32> to vector<32xbf16>
        %bitcast3A_733 = vector.bitcast %gather3A_731 : vector<16xi32> to vector<32xbf16>
        %mul3A_734 = arith.mulf %bitcast3A_732, %bitcast3A_733 : vector<32xbf16>
        %unpack3A_735 = tpu.unpack_subelements %mul3A_734, 0 {pack_format = #tpu.pack_format<interleaved>} : vector<32xbf16> -> vector<16xf32>
        %unpack3A_736 = tpu.unpack_subelements %mul3A_734, 1 {pack_format = #tpu.pack_format<interleaved>} : vector<32xbf16> -> vector<16xf32>
        %add3A_737 = arith.addf %unpack3A_735, %unpack3A_736 : vector<16xf32>
        %add3A_738 = arith.addf %add3A_597, %add3A_737 : vector<16xf32>
        scf.yield %add3A_619, %add3A_636, %add3A_653, %add3A_670, %add3A_687, %add3A_704, %add3A_721, %add3A_738 : vector<16xf32>, vector<16xf32>, vector<16xf32>, vector<16xf32>, vector<16xf32>, vector<16xf32>, vector<16xf32>, vector<16xf32>
      }
      %scan3A_413 = arith.constant 32 : i32
      %add3A_414 = arith.constant 0 : i32
      %add3A_415 = arith.addi %mul3A_347, %add3A_414 : i32
      %swap3A_416 = arith.index_cast %add3A_415 : i32 to index
      %swap3A_417 = tpu.vector_load %arg10[%swap3A_416] {strides = array<i32>} : memref<20000xf32, #tpu.memory_space<vmem>>, vector<16xf32>,
      tpu.vector_store %arg10[%swap3A_416], %scan3A_412#0 {strides = array<i32>} : memref<20000xf32, #tpu.memory_space<vmem>>, vector<16xf32>,
      %add3A_418 = arith.constant 16 : i32
      %add3A_419 = arith.addi %mul3A_347, %add3A_418 : i32
      %swap3A_420 = arith.index_cast %add3A_419 : i32 to index
      %swap3A_421 = tpu.vector_load %arg10[%swap3A_420] {strides = array<i32>} : memref<20000xf32, #tpu.memory_space<vmem>>, vector<16xf32>,
      tpu.vector_store %arg10[%swap3A_420], %scan3A_412#1 {strides = array<i32>} : memref<20000xf32, #tpu.memory_space<vmem>>, vector<16xf32>,
      %add3A_422 = arith.constant 32 : i32
      %add3A_423 = arith.addi %mul3A_347, %add3A_422 : i32
      %swap3A_424 = arith.index_cast %add3A_423 : i32 to index
      %swap3A_425 = tpu.vector_load %arg10[%swap3A_424] {strides = array<i32>} : memref<20000xf32, #tpu.memory_space<vmem>>, vector<16xf32>,
      tpu.vector_store %arg10[%swap3A_424], %scan3A_412#2 {strides = array<i32>} : memref<20000xf32, #tpu.memory_space<vmem>>, vector<16xf32>,
      %add3A_426 = arith.constant 48 : i32
      %add3A_427 = arith.addi %mul3A_347, %add3A_426 : i32
      %swap3A_428 = arith.index_cast %add3A_427 : i32 to index
      %swap3A_429 = tpu.vector_load %arg10[%swap3A_428] {strides = array<i32>} : memref<20000xf32, #tpu.memory_space<vmem>>, vector<16xf32>,
      tpu.vector_store %arg10[%swap3A_428], %scan3A_412#3 {strides = array<i32>} : memref<20000xf32, #tpu.memory_space<vmem>>, vector<16xf32>,
      %add3A_430 = arith.constant 64 : i32
      %add3A_431 = arith.addi %mul3A_347, %add3A_430 : i32
      %swap3A_432 = arith.index_cast %add3A_431 : i32 to index
      %swap3A_433 = tpu.vector_load %arg10[%swap3A_432] {strides = array<i32>} : memref<20000xf32, #tpu.memory_space<vmem>>, vector<16xf32>,
      tpu.vector_store %arg10[%swap3A_432], %scan3A_412#4 {strides = array<i32>} : memref<20000xf32, #tpu.memory_space<vmem>>, vector<16xf32>,
      %add3A_434 = arith.constant 80 : i32
      %add3A_435 = arith.addi %mul3A_347, %add3A_434 : i32
      %swap3A_436 = arith.index_cast %add3A_435 : i32 to index
      %swap3A_437 = tpu.vector_load %arg10[%swap3A_436] {strides = array<i32>} : memref<20000xf32, #tpu.memory_space<vmem>>, vector<16xf32>,
      tpu.vector_store %arg10[%swap3A_436], %scan3A_412#5 {strides = array<i32>} : memref<20000xf32, #tpu.memory_space<vmem>>, vector<16xf32>,
      %add3A_438 = arith.constant 96 : i32
      %add3A_439 = arith.addi %mul3A_347, %add3A_438 : i32
      %swap3A_440 = arith.index_cast %add3A_439 : i32 to index
      %swap3A_441 = tpu.vector_load %arg10[%swap3A_440] {strides = array<i32>} : memref<20000xf32, #tpu.memory_space<vmem>>, vector<16xf32>,
      tpu.vector_store %arg10[%swap3A_440], %scan3A_412#6 {strides = array<i32>} : memref<20000xf32, #tpu.memory_space<vmem>>, vector<16xf32>,
      %add3A_442 = arith.constant 112 : i32
      %add3A_443 = arith.addi %mul3A_347, %add3A_442 : i32
      %swap3A_444 = arith.index_cast %add3A_443 : i32 to index
      %swap3A_445 = tpu.vector_load %arg10[%swap3A_444] {strides = array<i32>} : memref<20000xf32, #tpu.memory_space<vmem>>, vector<16xf32>,
      tpu.vector_store %arg10[%swap3A_444], %scan3A_412#7 {strides = array<i32>} : memref<20000xf32, #tpu.memory_space<vmem>>, vector<16xf32>,
    }
    %scan3A_53 = arith.constant 52 : i32
    %dma_start3A_54 = arith.constant 0 : i32
    %dma_start3A_55 = arith.constant 0 : i32
    %dma_start3A_56 = arith.constant 0 : i32
    %dma_start3A_57 = tpu.memref_slice %arg8[%dma_start3A_54, %dma_start3A_55, %dma_start3A_56] : memref<3x128x64xi32, #tpu.memory_space<vmem>> -> memref<1x32x64xi32, #tpu.memory_space<vmem>>
    %dma_start3A_58 = tpu.memref_squeeze %dma_start3A_57 : memref<1x32x64xi32, #tpu.memory_space<vmem>> -> memref<32x64xi32, #tpu.memory_space<vmem>>
    %dma_start3A_59 = arith.constant 19968 : i32
    %dma_start3A_60 = tpu.memref_slice %arg6[%dma_start3A_59] : memref<20000xi32, #tpu.memory_space<vmem>> -> memref<32xi32, #tpu.memory_space<vmem>>
    %dma_start3A_61 = arith.constant 0 : i32
    %dma_start3A_62 = arith.constant 0 : i32
    %dma_start3A_63 = tpu.memref_slice %arg2[%dma_start3A_61, %dma_start3A_62] : memref<10000x64xi32, #tpu.memory_space<hbm>> -> memref<10000x64xi32, #tpu.memory_space<hbm>>
    tpu.enqueue_indirect_dma source(%dma_start3A_63 : memref<10000x64xi32, #tpu.memory_space<hbm>>) target(%dma_start3A_58 : memref<32x64xi32, #tpu.memory_space<vmem>>) offsets(%dma_start3A_60 : memref<32xi32, #tpu.memory_space<vmem>>) semaphore(%arg11 : memref<!tpu.dma_semaphore, #tpu.memory_space<semaphore_mem>>)
    %dma_start3A_64 = arith.constant 0 : i32
    %dma_start3A_65 = arith.constant 0 : i32
    %dma_start3A_66 = arith.constant 0 : i32
    %dma_start3A_67 = tpu.memref_slice %arg9[%dma_start3A_64, %dma_start3A_65, %dma_start3A_66] : memref<3x128x64xi32, #tpu.memory_space<vmem>> -> memref<1x32x64xi32, #tpu.memory_space<vmem>>
    %dma_start3A_68 = tpu.memref_squeeze %dma_start3A_67 : memref<1x32x64xi32, #tpu.memory_space<vmem>> -> memref<32x64xi32, #tpu.memory_space<vmem>>
    %dma_start3A_69 = arith.constant 19968 : i32
    %dma_start3A_70 = tpu.memref_slice %arg7[%dma_start3A_69] : memref<20000xi32, #tpu.memory_space<vmem>> -> memref<32xi32, #tpu.memory_space<vmem>>
    %dma_start3A_71 = arith.constant 0 : i32
    %dma_start3A_72 = arith.constant 0 : i32
    %dma_start3A_73 = tpu.memref_slice %arg2[%dma_start3A_71, %dma_start3A_72] : memref<10000x64xi32, #tpu.memory_space<hbm>> -> memref<10000x64xi32, #tpu.memory_space<hbm>>
    tpu.enqueue_indirect_dma source(%dma_start3A_73 : memref<10000x64xi32, #tpu.memory_space<hbm>>) target(%dma_start3A_68 : memref<32x64xi32, #tpu.memory_space<vmem>>) offsets(%dma_start3A_70 : memref<32xi32, #tpu.memory_space<vmem>>) semaphore(%arg12 : memref<!tpu.dma_semaphore, #tpu.memory_space<semaphore_mem>>)
    %add3A_74 = arith.constant 0 : i32
    %add3A_75 = vector.broadcast %add3A_74 : i32 to vector<16xi32>
    %add3A_76 = arith.addi %iota3A, %add3A_75 : vector<16xi32>
    %add3A_77 = arith.constant 16 : i32
    %add3A_78 = vector.broadcast %add3A_77 : i32 to vector<16xi32>
    %add3A_79 = arith.addi %iota3A, %add3A_78 : vector<16xi32>
    %dma_wait3A = arith.constant 0 : i32
    %dma_wait3A_80 = arith.constant 0 : i32
    %dma_wait3A_81 = arith.constant 0 : i32
    %dma_wait3A_82 = tpu.memref_slice %arg8[%dma_wait3A, %dma_wait3A_80, %dma_wait3A_81] : memref<3x128x64xi32, #tpu.memory_space<vmem>> -> memref<1x32x64xi32, #tpu.memory_space<vmem>>
    %dma_wait3A_83 = tpu.memref_squeeze %dma_wait3A_82 : memref<1x32x64xi32, #tpu.memory_space<vmem>> -> memref<32x64xi32, #tpu.memory_space<vmem>>
    %dma_wait3A_84 = arith.constant 19968 : i32
    %dma_wait3A_85 = tpu.memref_slice %arg6[%dma_wait3A_84] : memref<20000xi32, #tpu.memory_space<vmem>> -> memref<32xi32, #tpu.memory_space<vmem>>
    %dma_wait3A_86 = arith.constant 0 : i32
    %dma_wait3A_87 = arith.constant 0 : i32
    %dma_wait3A_88 = tpu.memref_slice %arg2[%dma_wait3A_86, %dma_wait3A_87] : memref<10000x64xi32, #tpu.memory_space<hbm>> -> memref<10000x64xi32, #tpu.memory_space<hbm>>
    tpu.wait_indirect_dma semaphore(%arg11 : memref<!tpu.dma_semaphore, #tpu.memory_space<semaphore_mem>>) src(%dma_wait3A_88 : memref<10000x64xi32, #tpu.memory_space<hbm>>) dst(%dma_wait3A_83 : memref<32x64xi32, #tpu.memory_space<vmem>>)
    %dma_wait3A_89 = arith.constant 0 : i32
    %dma_wait3A_90 = arith.constant 0 : i32
    %dma_wait3A_91 = arith.constant 0 : i32
    %dma_wait3A_92 = tpu.memref_slice %arg9[%dma_wait3A_89, %dma_wait3A_90, %dma_wait3A_91] : memref<3x128x64xi32, #tpu.memory_space<vmem>> -> memref<1x32x64xi32, #tpu.memory_space<vmem>>
    %dma_wait3A_93 = tpu.memref_squeeze %dma_wait3A_92 : memref<1x32x64xi32, #tpu.memory_space<vmem>> -> memref<32x64xi32, #tpu.memory_space<vmem>>
    %dma_wait3A_94 = arith.constant 19968 : i32
    %dma_wait3A_95 = tpu.memref_slice %arg7[%dma_wait3A_94] : memref<20000xi32, #tpu.memory_space<vmem>> -> memref<32xi32, #tpu.memory_space<vmem>>
    %dma_wait3A_96 = arith.constant 0 : i32
    %dma_wait3A_97 = arith.constant 0 : i32
    %dma_wait3A_98 = tpu.memref_slice %arg2[%dma_wait3A_96, %dma_wait3A_97] : memref<10000x64xi32, #tpu.memory_space<hbm>> -> memref<10000x64xi32, #tpu.memory_space<hbm>>
    tpu.wait_indirect_dma semaphore(%arg12 : memref<!tpu.dma_semaphore, #tpu.memory_space<semaphore_mem>>) src(%dma_wait3A_98 : memref<10000x64xi32, #tpu.memory_space<hbm>>) dst(%dma_wait3A_93 : memref<32x64xi32, #tpu.memory_space<vmem>>)
    %broadcast_in_dim3A = arith.constant 0.000000e+00 : f32
    %broadcast_in_dim3A_99 = vector.broadcast %broadcast_in_dim3A : f32 to vector<16xf32>
    %broadcast_in_dim3A_100 = arith.constant 0.000000e+00 : f32
    %broadcast_in_dim3A_101 = vector.broadcast %broadcast_in_dim3A_100 : f32 to vector<16xf32>
    %scan3A_102 = arith.constant 0 : i32
    %scan3A_103 = arith.constant 0 : i32
    %scan3A_104 = arith.constant 0 : i32
    %scan3A_105 = arith.constant 32 : i32
    %scan3A_106 = arith.addi %scan3A_104, %scan3A_105 : i32
    %scan3A_107 = arith.constant 1 : i32
    %scan3A_108:2 = scf.for %scan3A_113 = %scan3A_104 to %scan3A_106 step %scan3A_107 iter_args(%scan3A_114 = %broadcast_in_dim3A_99, %scan3A_115 = %broadcast_in_dim3A_101) -> (vector<16xf32>, vector<16xf32>)  : i32 {
      %mul3A_116 = arith.constant 2 : i32
      %mul3A_117 = arith.muli %mul3A_116, %scan3A_113 : i32
      %add3A_118 = arith.constant 1 : i32
      %add3A_119 = arith.addi %mul3A_117, %add3A_118 : i32
      %mul3A_120 = arith.constant 2 : i32
      %mul3A_121 = arith.muli %mul3A_120, %scan3A_113 : i32
      %add3A_122 = vector.broadcast %mul3A_121 : i32 to vector<16xi32>
      %add3A_123 = arith.addi %iota3A, %add3A_122 : vector<16xi32>
      %and3A = arith.constant 63 : i32
      %and3A_124 = vector.broadcast %and3A : i32 to vector<16xi32>
      %and3A_125 = arith.andi %add3A_123, %and3A_124 : vector<16xi32>
      %gather3A = arith.constant 0 : i32
      %gather3A_126 = arith.constant 0 : i32
      %gather3A_127 = tpu.memref_slice %arg8[%scan3A_102, %gather3A, %gather3A_126] : memref<3x128x64xi32, #tpu.memory_space<vmem>> -> memref<1x128x64xi32, #tpu.memory_space<vmem>>
      %gather3A_128 = tpu.memref_squeeze %gather3A_127 : memref<1x128x64xi32, #tpu.memory_space<vmem>> -> memref<128x64xi32, #tpu.memory_space<vmem>>
      %gather3A_129 = tpu.vector_load_idx %gather3A_128[%add3A_76, %and3A_125] : memref<128x64xi32, #tpu.memory_space<vmem>>[vector<16xi32>, vector<16xi32>], vector<16xi32>,
      %gather3A_130 = arith.constant 0 : i32
      %gather3A_131 = arith.constant 0 : i32
      %gather3A_132 = tpu.memref_slice %arg9[%scan3A_103, %gather3A_130, %gather3A_131] : memref<3x128x64xi32, #tpu.memory_space<vmem>> -> memref<1x128x64xi32, #tpu.memory_space<vmem>>
      %gather3A_133 = tpu.memref_squeeze %gather3A_132 : memref<1x128x64xi32, #tpu.memory_space<vmem>> -> memref<128x64xi32, #tpu.memory_space<vmem>>
      %gather3A_134 = tpu.vector_load_idx %gather3A_133[%add3A_76, %and3A_125] : memref<128x64xi32, #tpu.memory_space<vmem>>[vector<16xi32>, vector<16xi32>], vector<16xi32>,
      %bitcast3A = vector.bitcast %gather3A_129 : vector<16xi32> to vector<32xbf16>
      %bitcast3A_135 = vector.bitcast %gather3A_134 : vector<16xi32> to vector<32xbf16>
      %mul3A_136 = arith.mulf %bitcast3A, %bitcast3A_135 : vector<32xbf16>
      %unpack3A = tpu.unpack_subelements %mul3A_136, 0 {pack_format = #tpu.pack_format<interleaved>} : vector<32xbf16> -> vector<16xf32>
      %unpack3A_137 = tpu.unpack_subelements %mul3A_136, 1 {pack_format = #tpu.pack_format<interleaved>} : vector<32xbf16> -> vector<16xf32>
      %add3A_138 = arith.addf %unpack3A, %unpack3A_137 : vector<16xf32>
      %add3A_139 = arith.addf %scan3A_114, %add3A_138 : vector<16xf32>
      %gather3A_140 = arith.constant 0 : i32
      %gather3A_141 = arith.constant 0 : i32
      %gather3A_142 = tpu.memref_slice %arg8[%scan3A_102, %gather3A_140, %gather3A_141] : memref<3x128x64xi32, #tpu.memory_space<vmem>> -> memref<1x128x64xi32, #tpu.memory_space<vmem>>
      %gather3A_143 = tpu.memref_squeeze %gather3A_142 : memref<1x128x64xi32, #tpu.memory_space<vmem>> -> memref<128x64xi32, #tpu.memory_space<vmem>>
      %gather3A_144 = tpu.vector_load_idx %gather3A_143[%add3A_79, %and3A_125] : memref<128x64xi32, #tpu.memory_space<vmem>>[vector<16xi32>, vector<16xi32>], vector<16xi32>,
      %gather3A_145 = arith.constant 0 : i32
      %gather3A_146 = arith.constant 0 : i32
      %gather3A_147 = tpu.memref_slice %arg9[%scan3A_103, %gather3A_145, %gather3A_146] : memref<3x128x64xi32, #tpu.memory_space<vmem>> -> memref<1x128x64xi32, #tpu.memory_space<vmem>>
      %gather3A_148 = tpu.memref_squeeze %gather3A_147 : memref<1x128x64xi32, #tpu.memory_space<vmem>> -> memref<128x64xi32, #tpu.memory_space<vmem>>
      %gather3A_149 = tpu.vector_load_idx %gather3A_148[%add3A_79, %and3A_125] : memref<128x64xi32, #tpu.memory_space<vmem>>[vector<16xi32>, vector<16xi32>], vector<16xi32>,
      %bitcast3A_150 = vector.bitcast %gather3A_144 : vector<16xi32> to vector<32xbf16>
      %bitcast3A_151 = vector.bitcast %gather3A_149 : vector<16xi32> to vector<32xbf16>
      %mul3A_152 = arith.mulf %bitcast3A_150, %bitcast3A_151 : vector<32xbf16>
      %unpack3A_153 = tpu.unpack_subelements %mul3A_152, 0 {pack_format = #tpu.pack_format<interleaved>} : vector<32xbf16> -> vector<16xf32>
      %unpack3A_154 = tpu.unpack_subelements %mul3A_152, 1 {pack_format = #tpu.pack_format<interleaved>} : vector<32xbf16> -> vector<16xf32>
      %add3A_155 = arith.addf %unpack3A_153, %unpack3A_154 : vector<16xf32>
      %add3A_156 = arith.addf %scan3A_115, %add3A_155 : vector<16xf32>
      %add3A_157 = vector.broadcast %add3A_119 : i32 to vector<16xi32>
      %add3A_158 = arith.addi %iota3A, %add3A_157 : vector<16xi32>
      %and3A_159 = arith.constant 63 : i32
      %and3A_160 = vector.broadcast %and3A_159 : i32 to vector<16xi32>
      %and3A_161 = arith.andi %add3A_158, %and3A_160 : vector<16xi32>
      %gather3A_162 = arith.constant 0 : i32
      %gather3A_163 = arith.constant 0 : i32
      %gather3A_164 = tpu.memref_slice %arg8[%scan3A_102, %gather3A_162, %gather3A_163] : memref<3x128x64xi32, #tpu.memory_space<vmem>> -> memref<1x128x64xi32, #tpu.memory_space<vmem>>
      %gather3A_165 = tpu.memref_squeeze %gather3A_164 : memref<1x128x64xi32, #tpu.memory_space<vmem>> -> memref<128x64xi32, #tpu.memory_space<vmem>>
      %gather3A_166 = tpu.vector_load_idx %gather3A_165[%add3A_76, %and3A_161] : memref<128x64xi32, #tpu.memory_space<vmem>>[vector<16xi32>, vector<16xi32>], vector<16xi32>,
      %gather3A_167 = arith.constant 0 : i32
      %gather3A_168 = arith.constant 0 : i32
      %gather3A_169 = tpu.memref_slice %arg9[%scan3A_103, %gather3A_167, %gather3A_168] : memref<3x128x64xi32, #tpu.memory_space<vmem>> -> memref<1x128x64xi32, #tpu.memory_space<vmem>>
      %gather3A_170 = tpu.memref_squeeze %gather3A_169 : memref<1x128x64xi32, #tpu.memory_space<vmem>> -> memref<128x64xi32, #tpu.memory_space<vmem>>
      %gather3A_171 = tpu.vector_load_idx %gather3A_170[%add3A_76, %and3A_161] : memref<128x64xi32, #tpu.memory_space<vmem>>[vector<16xi32>, vector<16xi32>], vector<16xi32>,
      %bitcast3A_172 = vector.bitcast %gather3A_166 : vector<16xi32> to vector<32xbf16>
      %bitcast3A_173 = vector.bitcast %gather3A_171 : vector<16xi32> to vector<32xbf16>
      %mul3A_174 = arith.mulf %bitcast3A_172, %bitcast3A_173 : vector<32xbf16>
      %unpack3A_175 = tpu.unpack_subelements %mul3A_174, 0 {pack_format = #tpu.pack_format<interleaved>} : vector<32xbf16> -> vector<16xf32>
      %unpack3A_176 = tpu.unpack_subelements %mul3A_174, 1 {pack_format = #tpu.pack_format<interleaved>} : vector<32xbf16> -> vector<16xf32>
      %add3A_177 = arith.addf %unpack3A_175, %unpack3A_176 : vector<16xf32>
      %add3A_178 = arith.addf %add3A_139, %add3A_177 : vector<16xf32>
      %gather3A_179 = arith.constant 0 : i32
      %gather3A_180 = arith.constant 0 : i32
      %gather3A_181 = tpu.memref_slice %arg8[%scan3A_102, %gather3A_179, %gather3A_180] : memref<3x128x64xi32, #tpu.memory_space<vmem>> -> memref<1x128x64xi32, #tpu.memory_space<vmem>>
      %gather3A_182 = tpu.memref_squeeze %gather3A_181 : memref<1x128x64xi32, #tpu.memory_space<vmem>> -> memref<128x64xi32, #tpu.memory_space<vmem>>
      %gather3A_183 = tpu.vector_load_idx %gather3A_182[%add3A_79, %and3A_161] : memref<128x64xi32, #tpu.memory_space<vmem>>[vector<16xi32>, vector<16xi32>], vector<16xi32>,
      %gather3A_184 = arith.constant 0 : i32
      %gather3A_185 = arith.constant 0 : i32
      %gather3A_186 = tpu.memref_slice %arg9[%scan3A_103, %gather3A_184, %gather3A_185] : memref<3x128x64xi32, #tpu.memory_space<vmem>> -> memref<1x128x64xi32, #tpu.memory_space<vmem>>
      %gather3A_187 = tpu.memref_squeeze %gather3A_186 : memref<1x128x64xi32, #tpu.memory_space<vmem>> -> memref<128x64xi32, #tpu.memory_space<vmem>>
      %gather3A_188 = tpu.vector_load_idx %gather3A_187[%add3A_79, %and3A_161] : memref<128x64xi32, #tpu.memory_space<vmem>>[vector<16xi32>, vector<16xi32>], vector<16xi32>,
      %bitcast3A_189 = vector.bitcast %gather3A_183 : vector<16xi32> to vector<32xbf16>
      %bitcast3A_190 = vector.bitcast %gather3A_188 : vector<16xi32> to vector<32xbf16>
      %mul3A_191 = arith.mulf %bitcast3A_189, %bitcast3A_190 : vector<32xbf16>
      %unpack3A_192 = tpu.unpack_subelements %mul3A_191, 0 {pack_format = #tpu.pack_format<interleaved>} : vector<32xbf16> -> vector<16xf32>
      %unpack3A_193 = tpu.unpack_subelements %mul3A_191, 1 {pack_format = #tpu.pack_format<interleaved>} : vector<32xbf16> -> vector<16xf32>
      %add3A_194 = arith.addf %unpack3A_192, %unpack3A_193 : vector<16xf32>
      %add3A_195 = arith.addf %add3A_156, %add3A_194 : vector<16xf32>
      scf.yield %add3A_178, %add3A_195 : vector<16xf32>, vector<16xf32>
    }
    %scan3A_109 = arith.constant 32 : i32
    %swap3A = arith.constant 19968 : index
    %swap3A_110 = tpu.vector_load %arg10[%swap3A] {strides = array<i32>} : memref<20000xf32, #tpu.memory_space<vmem>>, vector<16xf32>,
    tpu.vector_store %arg10[%swap3A], %scan3A_108#0 {strides = array<i32>} : memref<20000xf32, #tpu.memory_space<vmem>>, vector<16xf32>,
    %swap3A_111 = arith.constant 19984 : index
    %swap3A_112 = tpu.vector_load %arg10[%swap3A_111] {strides = array<i32>} : memref<20000xf32, #tpu.memory_space<vmem>>, vector<16xf32>,
    tpu.vector_store %arg10[%swap3A_111], %scan3A_108#1 {strides = array<i32>} : memref<20000xf32, #tpu.memory_space<vmem>>, vector<16xf32>,
    "tpu.region"() ({
      %run_scoped3A = tpu.sem_alloc : memref<!tpu.dma_semaphore, #tpu.memory_space<semaphore_mem>>
      %dma_start3A_113 = tpu.memref_slice %arg5[%add3A] : memref<640000xf32, #tpu.memory_space<hbm>> -> memref<20000xf32, #tpu.memory_space<hbm>>
      %dma_start3A_114 = tpu.memref_slice %arg5[%add3A] : memref<640000xf32, #tpu.memory_space<hbm>> -> memref<20000xf32, #tpu.memory_space<hbm>>
      tpu.enqueue_dma source(%arg10 : memref<20000xf32, #tpu.memory_space<vmem>>) target(%dma_start3A_114 : memref<20000xf32, #tpu.memory_space<hbm>>) target_semaphore(%run_scoped3A : memref<!tpu.dma_semaphore, #tpu.memory_space<semaphore_mem>>)
      %dma_wait3A_115 = tpu.memref_slice %arg5[%add3A] : memref<640000xf32, #tpu.memory_space<hbm>> -> memref<20000xf32, #tpu.memory_space<hbm>>
      %dma_wait3A_116 = tpu.memref_slice %arg5[%add3A] : memref<640000xf32, #tpu.memory_space<hbm>> -> memref<20000xf32, #tpu.memory_space<hbm>>
      tpu.wait_dma2 semaphore(%run_scoped3A : memref<!tpu.dma_semaphore, #tpu.memory_space<semaphore_mem>>) src(%arg10 : memref<20000xf32, #tpu.memory_space<vmem>>) dst(%dma_wait3A_116 : memref<20000xf32, #tpu.memory_space<hbm>>)
      tpu.yield
    }) : () -> ()
    return
  }
}

module attributes {stable_mosaic.version = 14 : i64} {
  func.func @body(%arg0: memref<10000x128xf32, #tpu.memory_space<vmem>>, %arg1: memref<10000x64xi32, #tpu.memory_space<vmem>>) attributes {dimension_semantics = [], scalar_prefetch = 0 : i64, scratch_operands = 0 : i64, tpu.core_type = #tpu.core_type<tc>} {
    %get3A = arith.constant 0 : index
    %get3A_0 = arith.constant 0 : index
    %get3A_1 = vector.load %arg0[%get3A, %get3A_0] : memref<10000x128xf32, #tpu.memory_space<vmem>>, vector<10000x128xf32>
    %convert_element_type3A = arith.truncf %get3A_1 : vector<10000x128xf32> to vector<10000x128xbf16>
    %bitcast_convert_type3A = tpu.bitcast %convert_element_type3A : vector<10000x128xbf16> -> vector<10000x128xi16>
    %slice3A = vector.extract_strided_slice %bitcast_convert_type3A {offsets = [0, 0], sizes = [10000, 64], strides = [1, 1]} : vector<10000x128xi16> to vector<10000x64xi16>
    %convert_element_type3A_2 = arith.extui %slice3A : vector<10000x64xi16> to vector<10000x64xi32>
    %slice3A_3 = vector.extract_strided_slice %bitcast_convert_type3A {offsets = [0, 64], sizes = [10000, 64], strides = [1, 1]} : vector<10000x128xi16> to vector<10000x64xi16>
    %convert_element_type3A_4 = arith.extui %slice3A_3 : vector<10000x64xi16> to vector<10000x64xi32>
    %shift_left3A = arith.constant 16 : i32
    %shift_left3A_5 = vector.broadcast %shift_left3A : i32 to vector<10000x64xi32>
    %shift_left3A_6 = arith.shli %convert_element_type3A_4, %shift_left3A_5 : vector<10000x64xi32>
    %or3A = arith.ori %convert_element_type3A_2, %shift_left3A_6 : vector<10000x64xi32>
    %bitcast_convert_type3A_7 = tpu.bitcast %or3A : vector<10000x64xi32> -> vector<10000x64xi32>
    %swap3A = arith.constant 0 : index
    %swap3A_8 = arith.constant 0 : index
    %swap3A_9 = vector.load %arg1[%swap3A, %swap3A_8] : memref<10000x64xi32, #tpu.memory_space<vmem>>, vector<10000x64xi32>
    tpu.vector_store %arg1[%swap3A, %swap3A_8], %bitcast_convert_type3A_7 {strides = array<i32>} : memref<10000x64xi32, #tpu.memory_space<vmem>>, vector<10000x64xi32>,
    return
  }
}

module attributes {stable_mosaic.version = 14 : i64} {
  func.func @body(%arg0: memref<5000x128xf32, #tpu.memory_space<vmem>>, %arg1: memref<1x1xf32, #tpu.memory_space<smem>>) attributes {dimension_semantics = [], scalar_prefetch = 0 : i64, scratch_operands = 0 : i64, tpu.core_type = #tpu.core_type<tc>} {
    %get3A = arith.constant 0 : index
    %get3A_0 = arith.constant 0 : index
    %get3A_1 = vector.load %arg0[%get3A, %get3A_0] : memref<5000x128xf32, #tpu.memory_space<vmem>>, vector<5000x128xf32>
    %slice3A = vector.extract_strided_slice %get3A_1 {offsets = [0, 0], sizes = [2500, 128], strides = [1, 1]} : vector<5000x128xf32> to vector<2500x128xf32>
    %logistic3A = arith.negf %slice3A : vector<2500x128xf32>
    %logistic3A_2 = math.exp %logistic3A : vector<2500x128xf32>
    %logistic3A_3 = arith.constant 1.000000e+00 : f32
    %logistic3A_4 = vector.broadcast %logistic3A_3 : f32 to vector<2500x128xf32>
    %logistic3A_5 = arith.addf %logistic3A_4, %logistic3A_2 : vector<2500x128xf32>
    %logistic3A_6 = arith.divf %logistic3A_4, %logistic3A_5 : vector<2500x128xf32>
    %slice3A_7 = vector.extract_strided_slice %get3A_1 {offsets = [2500, 0], sizes = [2500, 128], strides = [1, 1]} : vector<5000x128xf32> to vector<2500x128xf32>
    %logistic3A_8 = arith.negf %slice3A_7 : vector<2500x128xf32>
    %logistic3A_9 = math.exp %logistic3A_8 : vector<2500x128xf32>
    %logistic3A_10 = arith.constant 1.000000e+00 : f32
    %logistic3A_11 = vector.broadcast %logistic3A_10 : f32 to vector<2500x128xf32>
    %logistic3A_12 = arith.addf %logistic3A_11, %logistic3A_9 : vector<2500x128xf32>
    %logistic3A_13 = arith.divf %logistic3A_11, %logistic3A_12 : vector<2500x128xf32>
    %add3A = arith.constant 1.000000e-15 : f32
    %add3A_14 = vector.broadcast %add3A : f32 to vector<2500x128xf32>
    %add3A_15 = arith.addf %logistic3A_6, %add3A_14 : vector<2500x128xf32>
    %log3A = math.log %add3A_15 : vector<2500x128xf32>
    %neg3A = arith.constant 0.000000e+00 : f32
    %neg3A_16 = vector.broadcast %neg3A : f32 to vector<2500x128xf32>
    %neg3A_17 = arith.subf %neg3A_16, %log3A : vector<2500x128xf32>
    %sub3A = arith.constant 1.000000e+00 : f32
    %sub3A_18 = vector.broadcast %sub3A : f32 to vector<2500x128xf32>
    %sub3A_19 = arith.subf %sub3A_18, %logistic3A_13 : vector<2500x128xf32>
    %max3A = arith.constant 0.000000e+00 : f32
    %max3A_20 = vector.broadcast %max3A : f32 to vector<2500x128xf32>
    %max3A_21 = arith.maximumf %sub3A_19, %max3A_20 : vector<2500x128xf32>
    %log3A_22 = math.log %max3A_21 : vector<2500x128xf32>
    %neg3A_23 = arith.constant 0.000000e+00 : f32
    %neg3A_24 = vector.broadcast %neg3A_23 : f32 to vector<2500x128xf32>
    %neg3A_25 = arith.subf %neg3A_24, %log3A_22 : vector<2500x128xf32>
    %reduce_sum3A = vector.shape_cast %neg3A_17 : vector<2500x128xf32> to vector<1x2500x128xf32>
    %reduce_sum3A_26 = arith.constant dense<0.000000e+00> : vector<1xf32>
    %reduce_sum3A_27 = vector.multi_reduction <add>, %reduce_sum3A, %reduce_sum3A_26 [1, 2] : vector<1x2500x128xf32> to vector<1xf32>
    %reduce_sum3A_28 = vector.shape_cast %reduce_sum3A_27 : vector<1xf32> to vector<1x1x1xf32>
    %reduce_sum3A_29 = vector.extract %reduce_sum3A_28[0, 0, 0] : f32 from vector<1x1x1xf32>
    %div3A = arith.constant 3.200000e+05 : f32
    %div3A_30 = arith.divf %reduce_sum3A_29, %div3A : f32
    %reduce_sum3A_31 = vector.shape_cast %neg3A_25 : vector<2500x128xf32> to vector<1x2500x128xf32>
    %reduce_sum3A_32 = arith.constant dense<0.000000e+00> : vector<1xf32>
    %reduce_sum3A_33 = vector.multi_reduction <add>, %reduce_sum3A_31, %reduce_sum3A_32 [1, 2] : vector<1x2500x128xf32> to vector<1xf32>
    %reduce_sum3A_34 = vector.shape_cast %reduce_sum3A_33 : vector<1xf32> to vector<1x1x1xf32>
    %reduce_sum3A_35 = vector.extract %reduce_sum3A_34[0, 0, 0] : f32 from vector<1x1x1xf32>
    %div3A_36 = arith.constant 3.200000e+05 : f32
    %div3A_37 = arith.divf %reduce_sum3A_35, %div3A_36 : f32
    %add3A_38 = arith.addf %div3A_30, %div3A_37 : f32
    %swap3A = arith.constant 0 : index
    %swap3A_39 = arith.constant 0 : index
    %swap3A_40 = memref.load %arg1[%swap3A, %swap3A_39] : memref<1x1xf32, #tpu.memory_space<smem>>
    memref.store %add3A_38, %arg1[%swap3A, %swap3A_39] : memref<1x1xf32, #tpu.memory_space<smem>>
    return
  }
}

</mosaic_0001>

<sc_bundles>
// kernel: kernel.5.cloned.1.call-start
scs
__scs_entry_jumppad:
0x0: {  	(pc) =	sbr.rel $0x88, $3  }
0x1: {  	(tag) =	ssettag $0x0;
	lr =	simm.s32 $0x1  }
0x2: {  	[smem:$0x3F9E] =	sst lr;
	_ =	strace $0xD0000000  }
0x3: {  	_ = 	snop  }
0x4: {  	_ = 	snop  }
0x5: {  	_ = 	snop  }
0x6: {  	_ = 	snop  }
0x7: {  	_ = 	snop  }
__scs_overlays_trampoline_lowered:
0x8: {  	[smem:$0x3FAD] =	sst s0  }
0x9: {  	[smem:$0x3FAE] =	sst s1  }
0xa: {  	[smem:$0x3FAF] =	sst s2  }
0xb: {  	[smem:$0x3FB0] =	sst s3  }
0xc: {  	[smem:$0x3FB1] =	sst s4  }
0xd: {  	[smem:$0x3FB2] =	sst s5  }
0xe: {  	[smem:$0x3FB3] =	sst s6  }
0xf: {  	[smem:$0x3FB4] =	sst s7  }
0x10: {  	[smem:$0x3FB5] =	sst s8  }
0x11: {  	[smem:$0x3FB6] =	sst s9;
	s0 =	simm.s32 @!p0 $0x0  }
0x12: {  	s1 =	sld [smem:$0x3F9C];
	s0 =	simm.s32 @p0 $0x1  }
0x13: {  	[smem:$0x3FB7] =	sst s0;
	s0 =	simm.s32 @!p1 $0x0  }
0x14: {  	s2 =	sld [smem:$0x3F9B];
	s0 =	simm.s32 @p1 $0x1  }
0x15: {  	[smem:$0x3FB8] =	sst s0;
	s0 =	simm.s32 @!p2 $0x0  }
0x16: {  	s3 =	sld [smem:$0x3FDB];
	s0 =	simm.s32 @p2 $0x1  }
0x17: {  	s4 =	simm.s32 $0x1BF5;
	[smem:$0x3FBA] =	sst s0  }
0x18: {  	s0 =	sld [smem:$0x3F9D];
	_ =	swait.ge [sflag:s4], $0x0  }
0x19: {  	s7 =	sld [smem:$0x3F9E]  }
0x1a: {  	s8 =	sadd.s32 $0xFFFFE003, lr  }
0x1b: {  	s9 =	sadd.s32 $0xFFFFFEF7, lr;
	s5 =	simm.s32 $0xFFFFFFFF;
	p2 =	slt.u32 s8, $0xFFFFF086  }
0x1c: {  	p1 =	slt.u32 s9, $0xF7A;
	s5 =	simm.s32 @!p2 $0x0  }
0x1d: {  	s5 =	simm.s32 @p1 $0x1;
	p0 =	seq.s32 s7, s2  }
0x1e: {  	s7 =	smul.u32 @!p0 $0xF7A, s2;
	p2 =	seq.s32 @!p0 s5, $0x0  }
0x1f: {  	s9 =	smul.u32 $0xF7A, s1;
	s8 =	simm.s32 @!p0 $0x1BF5;
	p2 =	por !p2, p0  }
0x20: {  	[sflag:s8] =	ssyncset.s32 @!p0 $0xFFFFF086;
	s6 =	sadd.s32 @!p0 s3, s7;
	s7 =	simm.s32 @!p0 $0x108  }
0x21: {  	s3 =	sadd.s32 s3, s9;
	s6 =	sadd.s32 @!p0 $0x88, s6;
	s7 =	simm.s32 @p2 $0x1082  }
0x22: {  	[simem:s7], [sflag:s8] =	dma.local @!p0 [hbm:s6], $0xF7A  }
0x23: {  	s9 =	sor.u32 $0xD0000000, s2;
	s6 =	simm.s32 $0x108;
	_ =	swait.ge @!p0 [sflag:s8], $0x0  }
0x24: {  	s3 =	sadd.s32 $0x88, s3;
	s6 =	simm.s32 @!p1 $0x1082;
	[sflag:s4] =	ssyncset.s32 $0xFFFFF086  }
0x25: {  	[simem:s6], [sflag:s4] =	dma.local [hbm:s3], $0xF7A  }
0x26: {  	[smem:$0x3F9E] =	sst s1;
	(tag) =	ssettag s2;
	_ =	strace s9  }
0x27: {  	s1 =	sld [smem:$0x3FAE]  }
0x28: {  	s2 =	sld [smem:$0x3FAF]  }
0x29: {  	s4 =	sld [smem:$0x3FB1]  }
0x2a: {  	p0 =	seq.s32 s5, $0x0;
	s5 =	sld [smem:$0x3FB2]  }
0x2b: {  	s6 =	sld [smem:$0x3FB3]  }
0x2c: {  	s7 =	sld [smem:$0x3FB4]  }
0x2d: {  	s3 =	simm.s32 $0x108;
	s8 =	sld [smem:$0x3FB5]  }
0x2e: {  	s3 =	simm.s32 @!p0 $0x1082;
	s9 =	sld [smem:$0x3FB6]  }
0x2f: {  	lr =	sadd.s32 s0, s3;
	s0 =	sld [smem:$0x3FAD]  }
0x30: {  	s3 =	sld [smem:$0x3FB0]  }
0x31: {  	[smem:$0x3FB9] =	sst s10  }
0x32: {  	s10 =	sld [smem:$0x3FB7];
	_ =	sdelay $0x3  }
0x33: {  	p0 =	seq.s32 s10, $0x1;
	s10 =	sld [smem:$0x3FB9];
	_ =	sdelay $0x3  }
0x34: {  	[smem:$0x3FB9] =	sst s10  }
0x35: {  	s10 =	sld [smem:$0x3FB8];
	_ =	sdelay $0x3  }
0x36: {  	p1 =	seq.s32 s10, $0x1;
	s10 =	sld [smem:$0x3FB9];
	_ =	sdelay $0x3  }
0x37: {  	[smem:$0x3FB9] =	sst s10  }
0x38: {  	s10 =	sld [smem:$0x3FBA]  }
0x39: {  	_ = 	snop;
	(pc) =	sbr.ind lr, $3  }
0x3a: {  	_ = 	snop  }
0x3b: {  	_ = 	snop  }
0x3c: {  	p2 =	seq.s32 s10, $0x1;
	s10 =	sld [smem:$0x3FB9]  }
0x3d: {  	_ =	shalt  }
0x3e: {  	_ =	shalt  }
0x3f: {  	_ =	shalt  }
0x40: {  	_ =	shalt  }
0x41: {  	_ =	shalt  }
0x42: {  	_ =	shalt  }
0x43: {  	_ =	shalt  }
0x44: {  	_ =	shalt  }
0x45: {  	_ =	shalt  }
0x46: {  	_ =	shalt  }
0x47: {  	_ =	shalt  }
0x48: {  	_ =	shalt  }
0x49: {  	_ =	shalt  }
0x4a: {  	_ =	shalt  }
0x4b: {  	_ =	shalt  }
0x4c: {  	_ =	shalt  }
0x4d: {  	_ =	shalt  }
0x4e: {  	_ =	shalt  }
0x4f: {  	_ =	shalt  }
0x50: {  	_ =	shalt  }
0x51: {  	_ =	shalt  }
0x52: {  	_ =	shalt  }
0x53: {  	_ =	shalt  }
0x54: {  	_ =	shalt  }
0x55: {  	_ =	shalt  }
0x56: {  	_ =	shalt  }
0x57: {  	_ =	shalt  }
0x58: {  	_ =	shalt  }
0x59: {  	_ =	shalt  }
0x5a: {  	_ =	shalt  }
0x5b: {  	_ =	shalt  }
0x5c: {  	_ =	shalt  }
0x5d: {  	_ =	shalt  }
0x5e: {  	_ =	shalt  }
0x5f: {  	_ =	shalt  }
0x60: {  	_ =	shalt  }
0x61: {  	_ =	shalt  }
0x62: {  	_ =	shalt  }
0x63: {  	_ =	shalt  }
0x64: {  	_ =	shalt  }
0x65: {  	_ =	shalt  }
0x66: {  	_ =	shalt  }
0x67: {  	_ =	shalt  }
0x68: {  	_ =	shalt  }
0x69: {  	_ =	shalt  }
0x6a: {  	_ =	shalt  }
0x6b: {  	_ =	shalt  }
0x6c: {  	_ =	shalt  }
0x6d: {  	_ =	shalt  }
0x6e: {  	_ =	shalt  }
0x6f: {  	_ =	shalt  }
0x70: {  	_ =	shalt  }
0x71: {  	_ =	shalt  }
0x72: {  	_ =	shalt  }
0x73: {  	_ =	shalt  }
0x74: {  	_ =	shalt  }
0x75: {  	_ =	shalt  }
0x76: {  	_ =	shalt  }
0x77: {  	_ =	shalt  }
0x78: {  	_ =	shalt  }
0x79: {  	_ =	shalt  }
0x7a: {  	_ =	shalt  }
0x7b: {  	_ =	shalt  }
0x7c: {  	_ =	shalt  }
0x7d: {  	_ =	shalt  }
0x7e: {  	_ =	shalt  }
0x7f: {  	_ =	shalt  }
0x80: {  	_ =	shalt  }
0x81: {  	_ =	shalt  }
0x82: {  	_ =	shalt  }
0x83: {  	_ =	shalt  }
0x84: {  	_ =	shalt  }
0x85: {  	_ =	shalt  }
0x86: {  	_ =	shalt  }
0x87: {  	_ =	shalt  }
.Lfunc_end0:
.L_simem_size_0:
called_computation_lowered:
.L_overlay_start_0:
0x88: {  	s2 =	sld [smem:$0x3FD9]  }
0x89: {  	s3 =	sld [smem:$0x3FFE];
	_ =	sdelay $0x1  }
0x8a: {  	s1 =	srdreg.scid  }
0x8b: {  	s0 =	sand.u32 $0x1, s1  }
0x8c: {  	s16 =	sshll.u32 s0, $0xA;
	s2 =	sadd.s32 s3, s2  }
0x8d: {  	s2 =	sadd.s32 s2, s16  }
0x8e: {  	[smem:$0x3FC5] =	sst s2  }
0x8f: {  	_ = 	snop  }
0x90: {  	(tm) =	ssettm $0x1  }
0x91: {  	s17 =	sld [smem:$0x3FFB];
	_ =	sdelay $0x3  }
0x92: {  	_ =	strace s17  }
0x93: {  	s2 =	sld [smem:$0x3FFC];
	_ =	sdelay $0x3  }
0x94: {  	_ =	strace s2  }
0x95: {  	s2 =	sld [smem:$0x3FFD];
	_ =	sdelay $0x3  }
0x96: {  	_ =	strace s2  }
0x97: {  	_ =	strace $0x8FFFFFFF  }
0x98: {  	s18 =	sld [smem:$0x3FDB];
	_ =	sdelay $0x1  }
0x99: {  	s19 =	simm.s32 $_scs_section_size  }
0x9a: {  	s4 =	simm.s32 $_size__tile_overlayer_lowered;
	s5 =	simm.s32 $_tile_overlayer_lowered  }
0x9b: {  	s22 =	simm.s32 $0x1BFF;
	s21 =	sshll.u32 s5, $0x1;
	s2 =	sadd.s32 s19, s18  }
0x9c: {  	s6 =	simm.s32 $0x0;
	s20 =	sshll.u32 s4, $0x1;
	s4 =	sadd.s32 s21, s2  }
0x9d: {  	[timem:s6], [sflag:s22] =	dma.local [hbm:s4], s20  }
0x9e: {  	_ =	swait.ge [sflag:s22], s20  }
0x9f: {  	s3 =	ssub.s32 $0x0, s20;
	[sflag:s22] =	ssyncset.done $0x0  }
0xa0: {  	[sflag:s22] =	ssyncadd.s32 s3;
	_ =	sdelay $0x1  }
0xa1: {  	s23 =	simm.s32 $0x1B8B  }
0xa2: {  	_ =	swait.ge [sflag:s23], $0x1  }
0xa3: {  	[sflag:s23] =	ssyncset.done $0x0  }
0xa4: {  	s25 =	simm.s32 $0x1B8E;
	s24 =	sld [smem:$0x3FFE];
	[sflag:s23] =	ssyncadd.s32 $0xFFFFFFFF  }
0xa5: {  	s26 =	simm.s32 $execute0_lowered;
	[smem:$0x3FD2] =	sst s25  }
0xa6: {  	s4 =	sshll.u32 s26, $0x1;
	_ =	strace $0x80000046;
	[dreg:$0x1] =	wrdreg $0xFFFFFFFF  }
0xa7: {  	s28 =	simm.s32 $_size_execute0_lowered;
	s2 =	sadd.s32 s2, s4;
	[dreg:$0x0] =	wrdreg $0x0  }
0xa8: {  	s4 =	sshll.u32 s28, $0x1;
	[dreg:$0x2] =	wrdreg s2  }
0xa9: {  	[dreg:$0x3] =	wrdreg s4  }
0xaa: {  	[dreg:$0x4] =	wrdreg $0xC0  }
0xab: {  	_ =	task [dreg:s6], $0x5FFFF  }
0xac: {  	[dreg:$0x1] =	wrdreg $0xFFFFFFFF  }
0xad: {  	[dreg:$0x0] =	wrdreg $0x60  }
0xae: {  	[dreg:$0x2] =	wrdreg s24  }
0xaf: {  	[dreg:$0x3] =	wrdreg $0x9  }
0xb0: {  	_ =	task.clear_ibuf [dreg:s6], $0x4FFFF;
	_ =	strace $0x90000046  }
0xb1: {  	s29 =	simm.s32 $0x9;
	_ =	strace $0x80000048  }
0xb2: {  	_ =	swait.ge [sflag:s29], $0x1  }
0xb3: {  	[sflag:s29] =	ssyncadd.s32 $0xFFFFFFFF  }
0xb4: {  	_ =	strace $0x90000048  }
0xb5: {  	_ =	sfence  }
0xb6: {  	s30 =	sld [smem:$0x0];
	_ =	sdelay $0x2  }
0xb7: {  	s31 =	sshll.u32 s1, $0xD;
	s1 =	sshrl.u32 s1, $0x2  }
0xb8: {  	s3 =	sand.u32 $0x4000, s31;
	s1 =	sadd.s32 s1, s30  }
0xb9: {  	s0 =	sor.u32 s3, s0;
	s1 =	sshll.u32 s1, $0x11  }
0xba: {  	s0 =	sor.u32 s1, s0  }
0xbb: {  	s0 =	sadd.s32 $0x8F2B, s0  }
0xbc: {  	[sflag:s0] =	ssyncadd.remote.s32 $0x1  }
0xbd: {  	_ =	sfence.sel $0xFFFF  }
0xbe: {  	[dreg:$0x0] =	wrdreg $0xFFFFFFFF;
	(pc) =	sbr.abs _section_cstart, $3  }
0xbf: {  	[dreg:$0x1] =	wrdreg $0xFFFFFFFF  }
0xc0: {  	_ =	task.clear_ibuf [dreg:s6], $0x2FFFF;
	_ =	strace $0x9FFFFFFF  }
0xc1: {  	(tm) =	ssettm $0x7FFFFFFF  }
tec
execute0_lowered:
.L_overlay_start_1:
0x0: {  	(tag) =	ssettag $0x1  }
0x1: {  	s0 =	rddreg [dreg:$0x0];
	s1 =	srdreg.scid  }
0x2: {  	s3 =	stileid.u32;
	s2 =	simm.s32 $0x0;
	s6 =	simm.s32 $0x14600  }
0x3: {  	s8 =	simm.s32 $0x7;
	s9 =	simm.s32 $0x4E20;
	s10 =	simm.s32 $0x80  }
0x4: {  	s11 =	simm.s32 $0x9C40;
	s12 =	simm.s32 $0xFC40;
	s13 =	simm.s32 $0xBC40  }
0x5: {  	s15 =	simm.s32 $0x11C40;
	s16 =	simm.s32 $0xDC40;
	s17 =	simm.s32 $0x13C40  }
0x6: {  	s18 =	simm.s32 $0x1;
	s19 =	simm.s32 $0x2;
	s20 =	simm.s32 $0x3  }
0x7: {  	s21 =	simm.s32 $0x4;
	s22 =	simm.s32 $0x5;
	s23 =	simm.s32 $0x6  }
0x8: {  	s24 =	simm.s32 $0x20;
	s28 =	simm.s32 $0x15C40;
	s29 =	simm.s32 $0x0  }
0x9: {  	s26 =	simm.s32 $0x1;
	s1 =	sand.u32 $0x1, s1;
	s4 =	smul.u32 $0x4E20, s3  }
0xa: {  	v0 =	vlaneseq.u32;
	[smem:$0x7FF] =	sst s2;
	s3 =	sadd.s32 $0xC00, s0;
	s5 =	smul.u32 $0x4E200, s1  }
0xb: {  	v1 =	vmul.u32 $0x40, v0;
	_ =	strace $0x80000047;
	p0 =	seq.s32 s1, $0x1;
	s1 =	ssub.s32 $0x2, s1  }
0xc: {  	s6 =	simm.s32 @!p0 $0x28000;
	s7 =	sshrl.u32 s1, $0x1;
	s5 =	sadd.s32 s4, s5  }
0xd: {  	v2 =	vor.u32 $0x400, v1;
	s4 =	sshrl.u32 s4, $0x3;
	s6 =	sadd.s32 s6, s0;
	s5 =	sshrl.u32 s5, $0x3  }
0xe: {  	v3 =	vor.u32 $0x800, v1;
	v4 =	vor.u32 $0xC00, v1;
	v5 =	vor.u32 $0x1000, v1;
	s1 =	ssub.s32 s1, s7;
	s4 =	sadd.s32 s6, s4;
	s0 =	sadd.s32 s5, s0  }
0xf: {  	v6 =	vor.u32 $0x1400, v1;
	v7 =	vor.u32 $0x1800, v1;
	v8 =	vor.u32 $0x1C00, v1;
	s6 =	smax.u32 s1, $0x1;
	s7 =	sadd.s32 $0x9C40, s4;
	s5 =	sadd.s32 $0x3BA00, s0  }
.LBB2_1:
0x10: {  	[tilespmem:s2], [sflag:$0x7] =	stream.linear.gather [hbm4b:s4+s2], $0x4E20, $0x38;
	[tilespmem:$0x1AA60] =	vst v63  }
0x11: {  	_ =	swait.ge [sflag:s8], $0x4E20  }
0x12: {  	[sflag:s8] =	ssyncset.done $0x0  }
0x13: {  	[sflag:s8] =	ssyncadd.s32 $0xFFFFB1E0  }
0x14: {  	[tilespmem:s9], [sflag:$0x7] =	stream.linear.gather [hbm4b:s7+s2], $0x4E20, $0x38;
	[tilespmem:$0x1AA60] =	vst v63  }
0x15: {  	_ =	swait.ge [sflag:s8], $0x4E20  }
0x16: {  	[sflag:s8] =	ssyncset.done $0x0  }
0x17: {  	[sflag:s8] =	ssyncadd.s32 $0xFFFFB1E0  }
0x18: {  	[tilespmem:s11], [sflag:$0x1] =	stream.indirect.gather [hbm4b:s3+s10], $0x40, s2, s10, $0xb8;
	[tilespmem:$0x1AA60] =	vst v63  }
0x19: {  	_ = 	snop  }
0x1a: {  	[tilespmem:s12], [sflag:$0x2] =	stream.indirect.gather [hbm4b:s3+s10], $0x40, s9, s10, $0xb8;
	[tilespmem:$0x1AA60] =	vst v63  }
0x1b: {  	_ = 	snop  }
0x1c: {  	[tilespmem:s13], [sflag:$0x3] =	stream.indirect.gather [hbm4b:s3+s10], $0x40, s10, s10, $0xb8;
	[tilespmem:$0x1AA60] =	vst v63  }
0x1d: {  	s0 =	simm.s32 $0x4EA0;
	s30 =	simm.s32 $0x0  }
0x1e: {  	[tilespmem:s15], [sflag:$0x4] =	stream.indirect.gather [hbm4b:s3+s10], $0x40, s0, s10, $0xb8;
	[tilespmem:$0x1AA60] =	vst v63  }
.LBB2_2:
0x1f: {  	s0 =	smul.u32 $0x180, s30;
	_ =	sdelay $0x1  }
0x20: {  	s31 =	sadd.s32 $0x100, s0  }
0x21: {  	[tilespmem:s16], [sflag:$0x5] =	stream.indirect.gather [hbm4b:s3+s10], $0x40, s31, s10, $0xb8;
	[tilespmem:$0x1AA60] =	vst v63  }
0x22: {  	s14 =	simm.s32 $0x1;
	s1 =	sadd.s32 $0x4F20, s0  }
0x23: {  	v9 =	vadd.s32 s14, v0;
	[tilespmem:s17], [sflag:$0x6] =	stream.indirect.gather [hbm4b:s3+s10], $0x40, s1, s10, $0xb8;
	[tilespmem:$0x1AA60] =	vst v63  }
0x24: {  	v10 =	vand.u32 $0x3F, v9;
	_ =	swait.ge [sflag:s18], $0x2000  }
0x25: {  	v9 =	vor.u32 v8, v10;
	[sflag:s18] =	ssyncset.done $0x0  }
0x26: {  	[sflag:s18] =	ssyncadd.s32 $0xFFFFE000  }
0x27: {  	v11 =	vor.u32 v1, v10;
	_ =	swait.ge [sflag:s19], $0x2000  }
0x28: {  	v12 =	vor.u32 v4, v10;
	[sflag:s19] =	ssyncset.done $0x0  }
0x29: {  	[sflag:s19] =	ssyncadd.s32 $0xFFFFE000  }
0x2a: {  	v13 =	vor.u32 v2, v10;
	v14 =	vld.idx.msk [tilespmem:v9+s11+$0x0], $0xffff  }
0x2b: {  	v9 =	vld.idx.msk [tilespmem:v9+s12+$0x0], $0xffff  }
0x2c: {  	s25 =	simm.s32 $0x0;
	v15 =	vor.u32 v3, v10;
	v17 =	vld.idx.msk [tilespmem:v11+s11+$0x0], $0xffff  }
0x2d: {  	v16 =	vadd.s32 s25, v0;
	v28 =	vld.idx.msk [tilespmem:v12+s11+$0x0], $0xffff  }
0x2e: {  	v18 =	vand.u32 $0x3F, v16;
	v12 =	vld.idx.msk [tilespmem:v12+s12+$0x0], $0xffff  }
0x2f: {  	v30 =	vor.u32 v1, v18;
	v19 =	vld.idx.msk [tilespmem:v13+s11+$0x0], $0xffff  }
0x30: {  	v37 =	vor.u32 v4, v18;
	v13 =	vld.idx.msk [tilespmem:v13+s12+$0x0], $0xffff  }
0x31: {  	v22 =	vor.u32 v2, v18;
	v20 =	vld.idx.msk [tilespmem:v15+s12+$0x0], $0xffff  }
0x32: {  	v38 =	vor.u32 v3, v18;
	v11 =	vld.idx.msk [tilespmem:v11+s12+$0x0], $0xffff  }
0x33: {  	v15 =	vld.idx.msk [tilespmem:v15+s11+$0x0], $0xffff  }
0x34: {  	v24 =	vor.u32 v8, v18;
	v21 =	vld.idx.msk [tilespmem:v30+s11+$0x0], $0xffff  }
0x35: {  	v26 =	vld.idx.msk [tilespmem:v37+s11+$0x0], $0xffff  }
0x36: {  	v32 =	vor.u32 v7, v18;
	v16 =	vld.idx.msk [tilespmem:v22+s12+$0x0], $0xffff  }
0x37: {  	v34 =	vor.u32 v7, v10;
	v25 =	vor.u32 v5, v18;
	v29 =	vld.idx.msk [tilespmem:v38+s11+$0x0], $0xffff  }
0x38: {  	v35 =	vor.u32 v5, v10;
	v36 =	vld.idx.msk [tilespmem:v30+s12+$0x0], $0xffff;
	v30 =	vimm.f32 $0.0e+00;
	v14 =	vmul.bf16 v9, v14  }
0x39: {  	v40 =	vld.idx.msk [tilespmem:v24+s11+$0x0], $0xffff;
	v9 =	vimm.f32 $0.0e+00;
	v11 =	vmul.bf16 v11, v17;
	v23 =	vmul.bf16 v13, v19  }
0x3a: {  	v17 =	vld.idx.msk [tilespmem:v24+s12+$0x0], $0xffff;
	v15 =	vmul.bf16 v20, v15;
	v24 =	vor.u32 v6, v18;
	v20 =	vor.u32 v6, v10  }
0x3b: {  	v27 =	vld.idx.msk [tilespmem:v32+s12+$0x0], $0xffff;
	v39 =	vmul.bf16 v12, v28;
	v12 =	vimm.f32 $0.0e+00;
	v10 =	vimm.f32 $0.0e+00  }
0x3c: {  	v22 =	vld.idx.msk [tilespmem:v22+s11+$0x0], $0xffff;
	v13 =	vunpack.i.u.bf16.f32 v14;
	v14 =	vunpack.i.l.bf16.f32 v14;
	v19 =	vunpack.i.u.bf16.f32 v11  }
0x3d: {  	v33 =	vld.idx.msk [tilespmem:v34+s11+$0x0], $0xffff;
	v11 =	vunpack.i.l.bf16.f32 v11;
	v31 =	vunpack.i.u.bf16.f32 v23;
	v18 =	vadd.f32 v14, v13  }
0x3e: {  	v34 =	vld.idx.msk [tilespmem:v34+s12+$0x0], $0xffff;
	v19 =	vadd.f32 v11, v19;
	v11 =	vunpack.i.u.bf16.f32 v15;
	v13 =	vunpack.i.l.bf16.f32 v15  }
0x3f: {  	v37 =	vld.idx.msk [tilespmem:v37+s12+$0x0], $0xffff;
	v14 =	vimm.f32 $0.0e+00;
	v15 =	vimm.f32 $0.0e+00;
	v11 =	vadd.f32 v13, v11  }
0x40: {  	s1 =	simm.s32 $0x2;
	v38 =	vld.idx.msk [tilespmem:v38+s12+$0x0], $0xffff;
	v13 =	vimm.f32 $0.0e+00;
	v28 =	vmul.bf16 v17, v40;
	v17 =	vimm.f32 $0.0e+00  }
.LBB2_3:
0x41: {  	s25 =	sadd.s32 $0x1, s1  }
0x42: {  	p0 =	sne.s32 s1, $0x3E;
	v40 =	vld.idx.msk [tilespmem:v25+s12+$0x0], $0xffff;
	v41 =	vunpack.i.l.bf16.f32 v39;
	s14 =	smov.u32 s1;
	s1 =	sadd.s32 $0x2, s1  }
0x43: {  	v42 =	vadd.s32 s25, v0;
	v32 =	vld.idx.msk [tilespmem:v32+s11+$0x0], $0xffff;
	v43 =	vunpack.i.u.bf16.f32 v28;
	v44 =	vunpack.i.l.bf16.f32 v28  }
0x44: {  	v39 =	vunpack.i.u.bf16.f32 v39;
	v28 =	vand.u32 $0x3F, v42;
	v42 =	vld.idx.msk [tilespmem:v24+s11+$0x0], $0xffff;
	v43 =	vadd.f32 v44, v43  }
0x45: {  	v44 =	vor.u32 v1, v28;
	v45 =	vor.u32 v2, v28;
	v46 =	vor.u32 v8, v28;
	v25 =	vld.idx.msk [tilespmem:v25+s11+$0x0], $0xffff  }
0x46: {  	v47 =	vor.u32 v4, v28;
	v26 =	vmul.bf16 v37, v26;
	v9 =	vadd.f32 v43, v9;
	v37 =	vld.idx.msk [tilespmem:v35+s12+$0x0], $0xffff  }
0x47: {  	v43 =	vor.u32 v3, v28;
	v29 =	vmul.bf16 v38, v29;
	v38 =	vadd.f32 v41, v39;
	v24 =	vld.idx.msk [tilespmem:v24+s12+$0x0], $0xffff  }
0x48: {  	v23 =	vunpack.i.l.bf16.f32 v23;
	v39 =	vunpack.i.u.bf16.f32 v26;
	v26 =	vunpack.i.l.bf16.f32 v26;
	v35 =	vld.idx.msk [tilespmem:v35+s11+$0x0], $0xffff  }
0x49: {  	v21 =	vmul.bf16 v36, v21;
	v27 =	vmul.bf16 v27, v32;
	v9 =	vadd.f32 v18, v9  }
0x4a: {  	v41 =	vadd.f32 v23, v31;
	v32 =	vunpack.i.u.bf16.f32 v29;
	v29 =	vunpack.i.l.bf16.f32 v29;
	v18 =	vld.idx.msk [tilespmem:v46+s11+$0x0], $0xffff  }
0x4b: {  	v33 =	vmul.bf16 v34, v33;
	v31 =	vunpack.i.u.bf16.f32 v21;
	v21 =	vunpack.i.l.bf16.f32 v21;
	v23 =	vld.idx.msk [tilespmem:v46+s12+$0x0], $0xffff  }
0x4c: {  	v36 =	vadd.f32 v26, v39;
	v26 =	vunpack.i.u.bf16.f32 v27;
	v27 =	vunpack.i.l.bf16.f32 v27;
	v34 =	vld.idx.msk [tilespmem:v44+s11+$0x0], $0xffff  }
0x4d: {  	v21 =	vadd.f32 v21, v31;
	v31 =	vmul.bf16 v40, v25;
	v40 =	vmul.bf16 v24, v42;
	v39 =	vld.idx.msk [tilespmem:v47+s11+$0x0], $0xffff  }
0x4e: {  	v29 =	vadd.f32 v29, v32;
	v24 =	vadd.f32 v27, v26;
	v25 =	vmul.bf16 v37, v35;
	v42 =	vld.idx.msk [tilespmem:v47+s12+$0x0], $0xffff  }
0x4f: {  	v16 =	vmul.bf16 v16, v22;
	v14 =	vadd.f32 v21, v14;
	v22 =	vunpack.i.u.bf16.f32 v31;
	v26 =	vld.idx.msk [tilespmem:v45+s11+$0x0], $0xffff  }
0x50: {  	v21 =	vadd.s32 s14, v0;
	v30 =	vadd.f32 v24, v30;
	v24 =	vunpack.i.l.bf16.f32 v25;
	v27 =	vld.idx.msk [tilespmem:v45+s12+$0x0], $0xffff  }
0x51: {  	v14 =	vadd.f32 v19, v14;
	v35 =	vand.u32 $0x3F, v21;
	v19 =	vunpack.i.u.bf16.f32 v25;
	v37 =	vld.idx.msk [tilespmem:v43+s12+$0x0], $0xffff  }
0x52: {  	v46 =	vor.u32 v2, v35;
	v45 =	vor.u32 v1, v35;
	v47 =	vadd.f32 v24, v19;
	v19 =	vld.idx.msk [tilespmem:v20+s12+$0x0], $0xffff  }
0x53: {  	v50 =	vunpack.i.l.bf16.f32 v33;
	v48 =	vor.u32 v3, v35;
	v49 =	vor.u32 v4, v35;
	v44 =	vld.idx.msk [tilespmem:v44+s12+$0x0], $0xffff  }
0x54: {  	v51 =	vunpack.i.l.bf16.f32 v31;
	v25 =	vor.u32 v5, v35;
	v24 =	vor.u32 v6, v35;
	v20 =	vld.idx.msk [tilespmem:v20+s11+$0x0], $0xffff  }
0x55: {  	v31 =	vunpack.i.l.bf16.f32 v16;
	v52 =	vunpack.i.l.bf16.f32 v40;
	v18 =	vmul.bf16 v23, v18  }
0x56: {  	v32 =	vor.u32 v7, v35;
	v40 =	vunpack.i.u.bf16.f32 v40;
	v23 =	vmul.bf16 v27, v26;
	v43 =	vld.idx.msk [tilespmem:v43+s11+$0x0], $0xffff  }
0x57: {  	v53 =	vunpack.i.u.bf16.f32 v16;
	v35 =	vor.u32 v8, v35;
	v27 =	vunpack.i.u.bf16.f32 v33;
	v21 =	vld.idx.msk [tilespmem:v45+s11+$0x0], $0xffff  }
0x58: {  	v17 =	vadd.f32 v36, v17;
	v15 =	vadd.f32 v29, v15;
	v33 =	vunpack.i.u.bf16.f32 v18;
	v26 =	vld.idx.msk [tilespmem:v49+s11+$0x0], $0xffff  }
0x59: {  	v18 =	vunpack.i.l.bf16.f32 v18;
	v34 =	vmul.bf16 v44, v34;
	v44 =	vadd.f32 v50, v27;
	v16 =	vld.idx.msk [tilespmem:v46+s12+$0x0], $0xffff  }
0x5a: {  	v36 =	vor.u32 v7, v28;
	v18 =	vadd.f32 v18, v33;
	v50 =	vmul.bf16 v19, v20;
	v29 =	vld.idx.msk [tilespmem:v48+s11+$0x0], $0xffff  }
0x5b: {  	v19 =	vunpack.i.u.bf16.f32 v34;
	v20 =	vunpack.i.l.bf16.f32 v34;
	v34 =	vadd.f32 v31, v53;
	v27 =	vld.idx.msk [tilespmem:v32+s12+$0x0], $0xffff  }
0x5c: {  	v40 =	vadd.f32 v52, v40;
	v31 =	vunpack.i.u.bf16.f32 v23;
	v19 =	vadd.f32 v20, v19;
	v53 =	vld.idx.msk [tilespmem:v35+s12+$0x0], $0xffff  }
0x5d: {  	v51 =	vadd.f32 v51, v22;
	v15 =	vadd.f32 v11, v15;
	v52 =	vld.idx.msk [tilespmem:v35+s11+$0x0], $0xffff;
	v35 =	vor.u32 v5, v28  }
0x5e: {  	v17 =	vadd.f32 v38, v17;
	v11 =	vmul.bf16 v37, v43;
	v37 =	vunpack.i.l.bf16.f32 v50;
	v22 =	vld.idx.msk [tilespmem:v46+s11+$0x0], $0xffff  }
.Ltmp0:
0x5f: {  	v13 =	vadd.f32 v51, v13;
	v20 =	vor.u32 v6, v28;
	v12 =	vadd.f32 v34, v12;
	v33 =	vld.idx.msk [tilespmem:v36+s11+$0x0], $0xffff;
	(pc) =	sbr.rel @p0 .LBB2_3-.Ltmp0, $4  }
0x60: {  	v10 =	vadd.f32 v40, v10;
	v38 =	vunpack.i.u.bf16.f32 v50;
	v28 =	vunpack.i.u.bf16.f32 v11;
	v34 =	vld.idx.msk [tilespmem:v36+s12+$0x0], $0xffff  }
0x61: {  	v40 =	vadd.f32 v37, v38;
	v11 =	vunpack.i.l.bf16.f32 v11;
	v12 =	vadd.f32 v41, v12;
	v36 =	vld.idx.msk [tilespmem:v45+s12+$0x0], $0xffff  }
0x62: {  	v39 =	vmul.bf16 v42, v39;
	v30 =	vadd.f32 v44, v30;
	v11 =	vadd.f32 v11, v28;
	v37 =	vld.idx.msk [tilespmem:v49+s12+$0x0], $0xffff  }
0x63: {  	v13 =	vadd.f32 v47, v13;
	v10 =	vadd.f32 v40, v10;
	v28 =	vmul.bf16 v53, v52;
	v38 =	vld.idx.msk [tilespmem:v48+s12+$0x0], $0xffff  }
0x64: {  	_ =	sdelay $0x3  }
0x65: {  	v40 =	vld.idx.msk [tilespmem:v25+s12+$0x0], $0xffff  }
0x66: {  	v32 =	vld.idx.msk [tilespmem:v32+s11+$0x0], $0xffff  }
0x67: {  	v41 =	vunpack.i.l.bf16.f32 v39;
	v25 =	vld.idx.msk [tilespmem:v25+s11+$0x0], $0xffff;
	v54 =	vunpack.i.u.bf16.f32 v39;
	v23 =	vunpack.i.l.bf16.f32 v23  }
0x68: {  	v55 =	vld.idx.msk [tilespmem:v35+s12+$0x0], $0xffff;
	v16 =	vmul.bf16 v16, v22;
	v43 =	vunpack.i.u.bf16.f32 v28;
	v28 =	vunpack.i.l.bf16.f32 v28  }
0x69: {  	v57 =	vld.idx.msk [tilespmem:v35+s11+$0x0], $0xffff;
	v23 =	vadd.f32 v23, v31;
	v33 =	vmul.bf16 v34, v33;
	v21 =	vmul.bf16 v36, v21  }
0x6a: {  	v28 =	vadd.f32 v28, v43;
	v26 =	vmul.bf16 v37, v26;
	v37 =	vadd.f32 v41, v54  }
0x6b: {  	v42 =	vld.idx.msk [tilespmem:v24+s11+$0x0], $0xffff;
	v29 =	vmul.bf16 v38, v29;
	v31 =	vunpack.i.u.bf16.f32 v21;
	v21 =	vunpack.i.l.bf16.f32 v21  }
0x6c: {  	v24 =	vld.idx.msk [tilespmem:v24+s12+$0x0], $0xffff;
	v9 =	vadd.f32 v28, v9;
	v56 =	vunpack.i.u.bf16.f32 v26;
	v26 =	vunpack.i.l.bf16.f32 v26  }
0x6d: {  	v27 =	vmul.bf16 v27, v32;
	v21 =	vadd.f32 v21, v31;
	v25 =	vmul.bf16 v40, v25  }
0x6e: {  	v31 =	vmul.bf16 v55, v57;
	v58 =	vunpack.i.u.bf16.f32 v29;
	v26 =	vadd.f32 v26, v56  }
0x6f: {  	v9 =	vadd.f32 v18, v9;
	v59 =	vunpack.i.u.bf16.f32 v27;
	v27 =	vunpack.i.l.bf16.f32 v27  }
0x70: {  	v29 =	vunpack.i.l.bf16.f32 v29;
	v14 =	vadd.f32 v21, v14;
	v27 =	vadd.f32 v27, v59  }
0x71: {  	v24 =	vmul.bf16 v24, v42;
	v21 =	vadd.f32 v29, v58;
	v29 =	vld.idx.msk [tilespmem:v20+s12+$0x0], $0xffff;
	v17 =	vadd.f32 v26, v17  }
0x72: {  	v14 =	vadd.f32 v19, v14;
	v19 =	vld.idx.msk [tilespmem:v20+s11+$0x0], $0xffff;
	v20 =	vunpack.i.u.bf16.f32 v31;
	v27 =	vadd.f32 v27, v30  }
0x73: {  	v30 =	vunpack.i.l.bf16.f32 v31;
	v31 =	vunpack.i.l.bf16.f32 v16;
	v16 =	vunpack.i.u.bf16.f32 v16  }
0x74: {  	v22 =	vunpack.i.u.bf16.f32 v25;
	v15 =	vadd.f32 v21, v15;
	v16 =	vadd.f32 v31, v16  }
0x75: {  	v21 =	vunpack.i.l.bf16.f32 v25;
	v17 =	vadd.f32 v37, v17;
	v20 =	vadd.f32 v30, v20  }
0x76: {  	v30 =	vunpack.i.l.bf16.f32 v24;
	v24 =	vunpack.i.u.bf16.f32 v24;
	v12 =	vadd.f32 v16, v12  }
0x77: {  	v11 =	vadd.f32 v11, v15;
	v16 =	vmul.bf16 v29, v19;
	v19 =	vadd.f32 v21, v22  }
0x78: {  	[tilespmem:s0+$0x15CB0] =	vst v9;
	v15 =	vunpack.i.l.bf16.f32 v33;
	v24 =	vadd.f32 v30, v24;
	v12 =	vadd.f32 v23, v12  }
0x79: {  	[tilespmem:s0+$0x15C40] =	vst v14;
	v21 =	vunpack.i.l.bf16.f32 v16;
	v13 =	vadd.f32 v19, v13;
	v16 =	vunpack.i.u.bf16.f32 v16  }
0x7a: {  	v14 =	vunpack.i.u.bf16.f32 v33;
	[tilespmem:s0+$0x15C70] =	vst v17;
	v10 =	vadd.f32 v24, v10;
	v16 =	vadd.f32 v21, v16  }
0x7b: {  	[tilespmem:s0+$0x15C50] =	vst v12;
	v12 =	vadd.f32 v15, v14;
	v13 =	vadd.f32 v20, v13  }
0x7c: {  	[tilespmem:s0+$0x15C60] =	vst v11;
	v10 =	vadd.f32 v16, v10  }
0x7d: {  	v11 =	vadd.f32 v12, v27;
	[tilespmem:s0+$0x15C80] =	vst v13  }
0x7e: {  	p0 =	seq.s32 s30, $0x33;
	[tilespmem:s0+$0x15C90] =	vst v10  }
0x7f: {  	s1 =	sadd.s32 @!p0 $0x180, s0;
	s14 =	simm.s32 @!p0 $0x80;
	s25 =	simm.s32 @!p0 $0x9C40;
	[tilespmem:s0+$0x15CA0] =	vst v11  }
0x80: {  	[tilespmem:s25], [sflag:$0x1] =	stream.indirect.gather @!p0 [hbm4b:s3+s14], $0x40, s1, s14, $0xb8;
	[tilespmem:$0x1AA60] =	vst v63  }
0x81: {  	s1 =	sadd.s32 @!p0 $0x4FA0, s0;
	s25 =	simm.s32 @!p0 $0xFC40  }
0x82: {  	v9 =	vadd.s32 s26, v0;
	[tilespmem:s25], [sflag:$0x2] =	stream.indirect.gather @!p0 [hbm4b:s3+s14], $0x40, s1, s14, $0xb8;
	[tilespmem:$0x1AA60] =	vst v63  }
0x83: {  	v10 =	vand.u32 $0x3F, v9;
	_ =	swait.ge [sflag:s20], $0x2000  }
0x84: {  	v9 =	vor.u32 v8, v10;
	[sflag:s20] =	ssyncset.done $0x0  }
0x85: {  	[sflag:s20] =	ssyncadd.s32 $0xFFFFE000  }
0x86: {  	v11 =	vor.u32 v1, v10;
	_ =	swait.ge [sflag:s21], $0x2000  }
0x87: {  	v12 =	vor.u32 v4, v10;
	[sflag:s21] =	ssyncset.done $0x0  }
0x88: {  	[sflag:s21] =	ssyncadd.s32 $0xFFFFE000  }
0x89: {  	v13 =	vor.u32 v2, v10;
	v14 =	vld.idx.msk [tilespmem:v9+s13+$0x0], $0xffff  }
0x8a: {  	v9 =	vld.idx.msk [tilespmem:v9+s15+$0x0], $0xffff  }
0x8b: {  	v15 =	vor.u32 v3, v10;
	v17 =	vld.idx.msk [tilespmem:v11+s13+$0x0], $0xffff  }
0x8c: {  	v28 =	vld.idx.msk [tilespmem:v12+s13+$0x0], $0xffff  }
0x8d: {  	s25 =	simm.s32 $0x0;
	v12 =	vld.idx.msk [tilespmem:v12+s15+$0x0], $0xffff  }
0x8e: {  	v62 =	vor.u32 v7, v10;
	v16 =	vadd.s32 s25, v0;
	v19 =	vld.idx.msk [tilespmem:v13+s13+$0x0], $0xffff  }
0x8f: {  	v18 =	vand.u32 $0x3F, v16;
	v13 =	vld.idx.msk [tilespmem:v13+s15+$0x0], $0xffff  }
0x90: {  	v30 =	vor.u32 v1, v18;
	v20 =	vld.idx.msk [tilespmem:v15+s15+$0x0], $0xffff  }
0x91: {  	v60 =	vor.u32 v4, v18;
	v11 =	vld.idx.msk [tilespmem:v11+s15+$0x0], $0xffff  }
0x92: {  	v15 =	vld.idx.msk [tilespmem:v15+s13+$0x0], $0xffff  }
0x93: {  	v24 =	vor.u32 v8, v18;
	v33 =	vld.idx.msk [tilespmem:v62+s13+$0x0], $0xffff  }
0x94: {  	v34 =	vld.idx.msk [tilespmem:v62+s15+$0x0], $0xffff  }
0x95: {  	v22 =	vor.u32 v2, v18;
	v21 =	vld.idx.msk [tilespmem:v30+s13+$0x0], $0xffff  }
0x96: {  	v35 =	vor.u32 v5, v10;
	v61 =	vor.u32 v3, v18;
	v32 =	vor.u32 v7, v18;
	v26 =	vld.idx.msk [tilespmem:v60+s13+$0x0], $0xffff  }
0x97: {  	v25 =	vor.u32 v5, v18;
	v36 =	vld.idx.msk [tilespmem:v30+s15+$0x0], $0xffff;
	v30 =	vimm.f32 $0.0e+00;
	v14 =	vmul.bf16 v9, v14  }
0x98: {  	v63 =	vld.idx.msk [tilespmem:v24+s13+$0x0], $0xffff;
	v9 =	vimm.f32 $0.0e+00;
	v11 =	vmul.bf16 v11, v17;
	v23 =	vmul.bf16 v13, v19  }
0x99: {  	v17 =	vld.idx.msk [tilespmem:v24+s15+$0x0], $0xffff;
	v15 =	vmul.bf16 v20, v15;
	v24 =	vor.u32 v6, v18;
	v20 =	vor.u32 v6, v10  }
0x9a: {  	v16 =	vld.idx.msk [tilespmem:v22+s15+$0x0], $0xffff;
	v39 =	vmul.bf16 v12, v28;
	v12 =	vimm.f32 $0.0e+00;
	v10 =	vimm.f32 $0.0e+00  }
0x9b: {  	v29 =	vld.idx.msk [tilespmem:v61+s13+$0x0], $0xffff;
	v13 =	vunpack.i.u.bf16.f32 v14;
	v14 =	vunpack.i.l.bf16.f32 v14;
	v19 =	vunpack.i.u.bf16.f32 v11  }
0x9c: {  	v27 =	vld.idx.msk [tilespmem:v32+s15+$0x0], $0xffff;
	v11 =	vunpack.i.l.bf16.f32 v11;
	v31 =	vunpack.i.u.bf16.f32 v23;
	v18 =	vadd.f32 v14, v13  }
0x9d: {  	v22 =	vld.idx.msk [tilespmem:v22+s13+$0x0], $0xffff;
	v19 =	vadd.f32 v11, v19;
	v11 =	vunpack.i.u.bf16.f32 v15;
	v13 =	vunpack.i.l.bf16.f32 v15  }
0x9e: {  	v37 =	vld.idx.msk [tilespmem:v60+s15+$0x0], $0xffff;
	v14 =	vimm.f32 $0.0e+00;
	v15 =	vimm.f32 $0.0e+00;
	v11 =	vadd.f32 v13, v11  }
0x9f: {  	s1 =	simm.s32 $0x2;
	v38 =	vld.idx.msk [tilespmem:v61+s15+$0x0], $0xffff;
	v13 =	vimm.f32 $0.0e+00;
	v28 =	vmul.bf16 v17, v63;
	v17 =	vimm.f32 $0.0e+00  }
.LBB2_5:
0xa0: {  	s25 =	sadd.s32 $0x1, s1  }
0xa1: {  	p1 =	sne.s32 s1, $0x3E;
	v40 =	vld.idx.msk [tilespmem:v25+s15+$0x0], $0xffff;
	v41 =	vunpack.i.l.bf16.f32 v39;
	s14 =	smov.u32 s1;
	s1 =	sadd.s32 $0x2, s1  }
0xa2: {  	v42 =	vadd.s32 s25, v0;
	v32 =	vld.idx.msk [tilespmem:v32+s13+$0x0], $0xffff;
	v43 =	vunpack.i.u.bf16.f32 v28;
	v44 =	vunpack.i.l.bf16.f32 v28  }
0xa3: {  	v39 =	vunpack.i.u.bf16.f32 v39;
	v28 =	vand.u32 $0x3F, v42;
	v42 =	vld.idx.msk [tilespmem:v24+s13+$0x0], $0xffff;
	v43 =	vadd.f32 v44, v43  }
0xa4: {  	v44 =	vor.u32 v1, v28;
	v45 =	vor.u32 v2, v28;
	v46 =	vor.u32 v8, v28;
	v25 =	vld.idx.msk [tilespmem:v25+s13+$0x0], $0xffff  }
0xa5: {  	v47 =	vor.u32 v4, v28;
	v26 =	vmul.bf16 v37, v26;
	v9 =	vadd.f32 v43, v9;
	v37 =	vld.idx.msk [tilespmem:v35+s15+$0x0], $0xffff  }
0xa6: {  	v43 =	vor.u32 v3, v28;
	v29 =	vmul.bf16 v38, v29;
	v38 =	vadd.f32 v41, v39;
	v24 =	vld.idx.msk [tilespmem:v24+s15+$0x0], $0xffff  }
0xa7: {  	v23 =	vunpack.i.l.bf16.f32 v23;
	v39 =	vunpack.i.u.bf16.f32 v26;
	v26 =	vunpack.i.l.bf16.f32 v26;
	v35 =	vld.idx.msk [tilespmem:v35+s13+$0x0], $0xffff  }
0xa8: {  	v21 =	vmul.bf16 v36, v21;
	v27 =	vmul.bf16 v27, v32;
	v9 =	vadd.f32 v18, v9  }
0xa9: {  	v41 =	vadd.f32 v23, v31;
	v32 =	vunpack.i.u.bf16.f32 v29;
	v29 =	vunpack.i.l.bf16.f32 v29;
	v18 =	vld.idx.msk [tilespmem:v46+s13+$0x0], $0xffff  }
0xaa: {  	v33 =	vmul.bf16 v34, v33;
	v31 =	vunpack.i.u.bf16.f32 v21;
	v21 =	vunpack.i.l.bf16.f32 v21;
	v23 =	vld.idx.msk [tilespmem:v46+s15+$0x0], $0xffff  }
0xab: {  	v36 =	vadd.f32 v26, v39;
	v26 =	vunpack.i.u.bf16.f32 v27;
	v27 =	vunpack.i.l.bf16.f32 v27;
	v34 =	vld.idx.msk [tilespmem:v44+s13+$0x0], $0xffff  }
0xac: {  	v21 =	vadd.f32 v21, v31;
	v31 =	vmul.bf16 v40, v25;
	v40 =	vmul.bf16 v24, v42;
	v39 =	vld.idx.msk [tilespmem:v47+s13+$0x0], $0xffff  }
0xad: {  	v29 =	vadd.f32 v29, v32;
	v24 =	vadd.f32 v27, v26;
	v25 =	vmul.bf16 v37, v35;
	v42 =	vld.idx.msk [tilespmem:v47+s15+$0x0], $0xffff  }
0xae: {  	v16 =	vmul.bf16 v16, v22;
	v14 =	vadd.f32 v21, v14;
	v22 =	vunpack.i.u.bf16.f32 v31;
	v26 =	vld.idx.msk [tilespmem:v45+s13+$0x0], $0xffff  }
0xaf: {  	v21 =	vadd.s32 s14, v0;
	v30 =	vadd.f32 v24, v30;
	v24 =	vunpack.i.l.bf16.f32 v25;
	v27 =	vld.idx.msk [tilespmem:v45+s15+$0x0], $0xffff  }
0xb0: {  	v14 =	vadd.f32 v19, v14;
	v35 =	vand.u32 $0x3F, v21;
	v19 =	vunpack.i.u.bf16.f32 v25;
	v37 =	vld.idx.msk [tilespmem:v43+s15+$0x0], $0xffff  }
0xb1: {  	v46 =	vor.u32 v2, v35;
	v45 =	vor.u32 v1, v35;
	v47 =	vadd.f32 v24, v19;
	v19 =	vld.idx.msk [tilespmem:v20+s15+$0x0], $0xffff  }
0xb2: {  	v50 =	vunpack.i.l.bf16.f32 v33;
	v48 =	vor.u32 v3, v35;
	v49 =	vor.u32 v4, v35;
	v44 =	vld.idx.msk [tilespmem:v44+s15+$0x0], $0xffff  }
0xb3: {  	v51 =	vunpack.i.l.bf16.f32 v31;
	v25 =	vor.u32 v5, v35;
	v24 =	vor.u32 v6, v35;
	v20 =	vld.idx.msk [tilespmem:v20+s13+$0x0], $0xffff  }
0xb4: {  	v31 =	vunpack.i.l.bf16.f32 v16;
	v52 =	vunpack.i.l.bf16.f32 v40;
	v18 =	vmul.bf16 v23, v18  }
0xb5: {  	v32 =	vor.u32 v7, v35;
	v40 =	vunpack.i.u.bf16.f32 v40;
	v23 =	vmul.bf16 v27, v26;
	v43 =	vld.idx.msk [tilespmem:v43+s13+$0x0], $0xffff  }
0xb6: {  	v53 =	vunpack.i.u.bf16.f32 v16;
	v35 =	vor.u32 v8, v35;
	v27 =	vunpack.i.u.bf16.f32 v33;
	v21 =	vld.idx.msk [tilespmem:v45+s13+$0x0], $0xffff  }
0xb7: {  	v17 =	vadd.f32 v36, v17;
	v15 =	vadd.f32 v29, v15;
	v33 =	vunpack.i.u.bf16.f32 v18;
	v26 =	vld.idx.msk [tilespmem:v49+s13+$0x0], $0xffff  }
0xb8: {  	v18 =	vunpack.i.l.bf16.f32 v18;
	v34 =	vmul.bf16 v44, v34;
	v44 =	vadd.f32 v50, v27;
	v16 =	vld.idx.msk [tilespmem:v46+s15+$0x0], $0xffff  }
0xb9: {  	v36 =	vor.u32 v7, v28;
	v18 =	vadd.f32 v18, v33;
	v50 =	vmul.bf16 v19, v20;
	v29 =	vld.idx.msk [tilespmem:v48+s13+$0x0], $0xffff  }
0xba: {  	v19 =	vunpack.i.u.bf16.f32 v34;
	v20 =	vunpack.i.l.bf16.f32 v34;
	v34 =	vadd.f32 v31, v53;
	v27 =	vld.idx.msk [tilespmem:v32+s15+$0x0], $0xffff  }
0xbb: {  	v40 =	vadd.f32 v52, v40;
	v31 =	vunpack.i.u.bf16.f32 v23;
	v19 =	vadd.f32 v20, v19;
	v53 =	vld.idx.msk [tilespmem:v35+s15+$0x0], $0xffff  }
0xbc: {  	v51 =	vadd.f32 v51, v22;
	v15 =	vadd.f32 v11, v15;
	v52 =	vld.idx.msk [tilespmem:v35+s13+$0x0], $0xffff;
	v35 =	vor.u32 v5, v28  }
0xbd: {  	v17 =	vadd.f32 v38, v17;
	v11 =	vmul.bf16 v37, v43;
	v37 =	vunpack.i.l.bf16.f32 v50;
	v22 =	vld.idx.msk [tilespmem:v46+s13+$0x0], $0xffff  }
.Ltmp1:
0xbe: {  	v13 =	vadd.f32 v51, v13;
	v20 =	vor.u32 v6, v28;
	v12 =	vadd.f32 v34, v12;
	v33 =	vld.idx.msk [tilespmem:v36+s13+$0x0], $0xffff;
	(pc) =	sbr.rel @p1 .LBB2_5-.Ltmp1, $4  }
0xbf: {  	v10 =	vadd.f32 v40, v10;
	v38 =	vunpack.i.u.bf16.f32 v50;
	v28 =	vunpack.i.u.bf16.f32 v11;
	v34 =	vld.idx.msk [tilespmem:v36+s15+$0x0], $0xffff  }
0xc0: {  	v40 =	vadd.f32 v37, v38;
	v11 =	vunpack.i.l.bf16.f32 v11;
	v12 =	vadd.f32 v41, v12;
	v36 =	vld.idx.msk [tilespmem:v45+s15+$0x0], $0xffff  }
0xc1: {  	v39 =	vmul.bf16 v42, v39;
	v30 =	vadd.f32 v44, v30;
	v11 =	vadd.f32 v11, v28;
	v37 =	vld.idx.msk [tilespmem:v49+s15+$0x0], $0xffff  }
0xc2: {  	v13 =	vadd.f32 v47, v13;
	v10 =	vadd.f32 v40, v10;
	v28 =	vmul.bf16 v53, v52;
	v38 =	vld.idx.msk [tilespmem:v48+s15+$0x0], $0xffff  }
0xc3: {  	_ =	sdelay $0x3  }
0xc4: {  	v40 =	vld.idx.msk [tilespmem:v25+s15+$0x0], $0xffff  }
0xc5: {  	v32 =	vld.idx.msk [tilespmem:v32+s13+$0x0], $0xffff  }
0xc6: {  	v41 =	vunpack.i.l.bf16.f32 v39;
	v25 =	vld.idx.msk [tilespmem:v25+s13+$0x0], $0xffff;
	v54 =	vunpack.i.u.bf16.f32 v39;
	v23 =	vunpack.i.l.bf16.f32 v23  }
0xc7: {  	v55 =	vld.idx.msk [tilespmem:v35+s15+$0x0], $0xffff;
	v16 =	vmul.bf16 v16, v22;
	v43 =	vunpack.i.u.bf16.f32 v28;
	v28 =	vunpack.i.l.bf16.f32 v28  }
0xc8: {  	v57 =	vld.idx.msk [tilespmem:v35+s13+$0x0], $0xffff;
	v23 =	vadd.f32 v23, v31;
	v33 =	vmul.bf16 v34, v33;
	v21 =	vmul.bf16 v36, v21  }
0xc9: {  	v28 =	vadd.f32 v28, v43;
	v26 =	vmul.bf16 v37, v26;
	v37 =	vadd.f32 v41, v54  }
0xca: {  	v42 =	vld.idx.msk [tilespmem:v24+s13+$0x0], $0xffff;
	v29 =	vmul.bf16 v38, v29;
	v31 =	vunpack.i.u.bf16.f32 v21;
	v21 =	vunpack.i.l.bf16.f32 v21  }
0xcb: {  	v24 =	vld.idx.msk [tilespmem:v24+s15+$0x0], $0xffff;
	v9 =	vadd.f32 v28, v9;
	v56 =	vunpack.i.u.bf16.f32 v26;
	v26 =	vunpack.i.l.bf16.f32 v26  }
0xcc: {  	v27 =	vmul.bf16 v27, v32;
	v21 =	vadd.f32 v21, v31;
	v25 =	vmul.bf16 v40, v25  }
0xcd: {  	v31 =	vmul.bf16 v55, v57;
	v58 =	vunpack.i.u.bf16.f32 v29;
	v26 =	vadd.f32 v26, v56  }
0xce: {  	v9 =	vadd.f32 v18, v9;
	v59 =	vunpack.i.u.bf16.f32 v27;
	v27 =	vunpack.i.l.bf16.f32 v27  }
0xcf: {  	v29 =	vunpack.i.l.bf16.f32 v29;
	v14 =	vadd.f32 v21, v14;
	v27 =	vadd.f32 v27, v59  }
0xd0: {  	v24 =	vmul.bf16 v24, v42;
	v21 =	vadd.f32 v29, v58;
	v29 =	vld.idx.msk [tilespmem:v20+s15+$0x0], $0xffff;
	v17 =	vadd.f32 v26, v17  }
0xd1: {  	v14 =	vadd.f32 v19, v14;
	v19 =	vld.idx.msk [tilespmem:v20+s13+$0x0], $0xffff;
	v20 =	vunpack.i.u.bf16.f32 v31;
	v27 =	vadd.f32 v27, v30  }
0xd2: {  	v30 =	vunpack.i.l.bf16.f32 v31;
	v31 =	vunpack.i.l.bf16.f32 v16;
	v16 =	vunpack.i.u.bf16.f32 v16  }
0xd3: {  	v22 =	vunpack.i.u.bf16.f32 v25;
	v15 =	vadd.f32 v21, v15;
	v16 =	vadd.f32 v31, v16  }
0xd4: {  	v21 =	vunpack.i.l.bf16.f32 v25;
	v17 =	vadd.f32 v37, v17;
	v20 =	vadd.f32 v30, v20  }
0xd5: {  	v30 =	vunpack.i.l.bf16.f32 v24;
	v24 =	vunpack.i.u.bf16.f32 v24;
	v12 =	vadd.f32 v16, v12  }
0xd6: {  	v11 =	vadd.f32 v11, v15;
	v16 =	vmul.bf16 v29, v19;
	v19 =	vadd.f32 v21, v22  }
0xd7: {  	[tilespmem:s0+$0x15D30] =	vst v9;
	v15 =	vunpack.i.l.bf16.f32 v33;
	v24 =	vadd.f32 v30, v24;
	v12 =	vadd.f32 v23, v12  }
0xd8: {  	[tilespmem:s0+$0x15CC0] =	vst v14;
	v21 =	vunpack.i.l.bf16.f32 v16;
	v13 =	vadd.f32 v19, v13;
	v16 =	vunpack.i.u.bf16.f32 v16  }
0xd9: {  	v14 =	vunpack.i.u.bf16.f32 v33;
	[tilespmem:s0+$0x15CF0] =	vst v17;
	v10 =	vadd.f32 v24, v10;
	v16 =	vadd.f32 v21, v16  }
0xda: {  	[tilespmem:s0+$0x15CD0] =	vst v12;
	v12 =	vadd.f32 v15, v14;
	v13 =	vadd.f32 v20, v13  }
0xdb: {  	[tilespmem:s0+$0x15CE0] =	vst v11;
	v10 =	vadd.f32 v16, v10  }
0xdc: {  	v11 =	vadd.f32 v12, v27;
	[tilespmem:s0+$0x15D00] =	vst v13  }
0xdd: {  	[tilespmem:s0+$0x15D10] =	vst v10  }
0xde: {  	s1 =	sadd.s32 @!p0 $0x200, s0;
	s14 =	simm.s32 @!p0 $0x80;
	s25 =	simm.s32 @!p0 $0xBC40;
	[tilespmem:s0+$0x15D20] =	vst v11  }
0xdf: {  	[tilespmem:s25], [sflag:$0x3] =	stream.indirect.gather @!p0 [hbm4b:s3+s14], $0x40, s1, s14, $0xb8;
	[tilespmem:$0x1AA60] =	vst v63  }
0xe0: {  	s0 =	sadd.s32 @!p0 $0x5020, s0;
	s1 =	simm.s32 @!p0 $0x11C40;
	s25 =	simm.s32 $0x1  }
0xe1: {  	v9 =	vadd.s32 s25, v0;
	[tilespmem:s1], [sflag:$0x4] =	stream.indirect.gather @!p0 [hbm4b:s3+s14], $0x40, s0, s14, $0xb8;
	[tilespmem:$0x1AA60] =	vst v63  }
0xe2: {  	v10 =	vand.u32 $0x3F, v9;
	_ =	swait.ge [sflag:s22], $0x2000  }
0xe3: {  	v9 =	vor.u32 v8, v10;
	[sflag:s22] =	ssyncset.done $0x0  }
0xe4: {  	[sflag:s22] =	ssyncadd.s32 $0xFFFFE000  }
0xe5: {  	v11 =	vor.u32 v1, v10;
	_ =	swait.ge [sflag:s23], $0x2000  }
0xe6: {  	v12 =	vor.u32 v4, v10;
	[sflag:s23] =	ssyncset.done $0x0  }
0xe7: {  	[sflag:s23] =	ssyncadd.s32 $0xFFFFE000  }
0xe8: {  	v13 =	vor.u32 v2, v10;
	v14 =	vld.idx.msk [tilespmem:v9+s16+$0x0], $0xffff  }
0xe9: {  	v9 =	vld.idx.msk [tilespmem:v9+s17+$0x0], $0xffff  }
0xea: {  	s25 =	simm.s32 $0x0;
	v15 =	vor.u32 v3, v10;
	v17 =	vld.idx.msk [tilespmem:v11+s16+$0x0], $0xffff  }
0xeb: {  	v16 =	vadd.s32 s25, v0;
	v28 =	vld.idx.msk [tilespmem:v12+s16+$0x0], $0xffff  }
0xec: {  	v18 =	vand.u32 $0x3F, v16;
	v12 =	vld.idx.msk [tilespmem:v12+s17+$0x0], $0xffff  }
0xed: {  	v30 =	vor.u32 v1, v18;
	v19 =	vld.idx.msk [tilespmem:v13+s16+$0x0], $0xffff  }
0xee: {  	v60 =	vor.u32 v4, v18;
	v13 =	vld.idx.msk [tilespmem:v13+s17+$0x0], $0xffff  }
0xef: {  	v22 =	vor.u32 v2, v18;
	v20 =	vld.idx.msk [tilespmem:v15+s17+$0x0], $0xffff  }
0xf0: {  	v61 =	vor.u32 v3, v18;
	v11 =	vld.idx.msk [tilespmem:v11+s17+$0x0], $0xffff  }
0xf1: {  	v15 =	vld.idx.msk [tilespmem:v15+s16+$0x0], $0xffff  }
0xf2: {  	v24 =	vor.u32 v8, v18;
	v21 =	vld.idx.msk [tilespmem:v30+s16+$0x0], $0xffff  }
0xf3: {  	v26 =	vld.idx.msk [tilespmem:v60+s16+$0x0], $0xffff  }
0xf4: {  	v32 =	vor.u32 v7, v18;
	v16 =	vld.idx.msk [tilespmem:v22+s17+$0x0], $0xffff  }
0xf5: {  	v62 =	vor.u32 v7, v10;
	v35 =	vor.u32 v5, v10;
	v29 =	vld.idx.msk [tilespmem:v61+s16+$0x0], $0xffff  }
0xf6: {  	v25 =	vor.u32 v5, v18;
	v36 =	vld.idx.msk [tilespmem:v30+s17+$0x0], $0xffff;
	v30 =	vimm.f32 $0.0e+00;
	v14 =	vmul.bf16 v9, v14  }
0xf7: {  	v63 =	vld.idx.msk [tilespmem:v24+s16+$0x0], $0xffff;
	v9 =	vimm.f32 $0.0e+00;
	v11 =	vmul.bf16 v11, v17;
	v23 =	vmul.bf16 v13, v19  }
0xf8: {  	v17 =	vld.idx.msk [tilespmem:v24+s17+$0x0], $0xffff;
	v15 =	vmul.bf16 v20, v15;
	v24 =	vor.u32 v6, v18;
	v20 =	vor.u32 v6, v10  }
0xf9: {  	v27 =	vld.idx.msk [tilespmem:v32+s17+$0x0], $0xffff;
	v39 =	vmul.bf16 v12, v28;
	v12 =	vimm.f32 $0.0e+00;
	v10 =	vimm.f32 $0.0e+00  }
0xfa: {  	v22 =	vld.idx.msk [tilespmem:v22+s16+$0x0], $0xffff;
	v13 =	vunpack.i.u.bf16.f32 v14;
	v14 =	vunpack.i.l.bf16.f32 v14;
	v19 =	vunpack.i.u.bf16.f32 v11  }
0xfb: {  	v33 =	vld.idx.msk [tilespmem:v62+s16+$0x0], $0xffff;
	v11 =	vunpack.i.l.bf16.f32 v11;
	v31 =	vunpack.i.u.bf16.f32 v23;
	v18 =	vadd.f32 v14, v13  }
0xfc: {  	v34 =	vld.idx.msk [tilespmem:v62+s17+$0x0], $0xffff;
	v19 =	vadd.f32 v11, v19;
	v11 =	vunpack.i.u.bf16.f32 v15;
	v13 =	vunpack.i.l.bf16.f32 v15  }
0xfd: {  	v37 =	vld.idx.msk [tilespmem:v60+s17+$0x0], $0xffff;
	v14 =	vimm.f32 $0.0e+00;
	v15 =	vimm.f32 $0.0e+00;
	v11 =	vadd.f32 v13, v11  }
0xfe: {  	s0 =	simm.s32 $0x2;
	v38 =	vld.idx.msk [tilespmem:v61+s17+$0x0], $0xffff;
	v13 =	vimm.f32 $0.0e+00;
	v28 =	vmul.bf16 v17, v63;
	v17 =	vimm.f32 $0.0e+00  }
.LBB2_7:
0xff: {  	s14 =	sadd.s32 $0x1, s0  }
0x100: {  	p0 =	sne.s32 s0, $0x3E;
	v40 =	vld.idx.msk [tilespmem:v25+s17+$0x0], $0xffff;
	v41 =	vunpack.i.l.bf16.f32 v39;
	s1 =	smov.u32 s0;
	s0 =	sadd.s32 $0x2, s0  }
0x101: {  	v42 =	vadd.s32 s14, v0;
	v32 =	vld.idx.msk [tilespmem:v32+s16+$0x0], $0xffff;
	v43 =	vunpack.i.u.bf16.f32 v28;
	v44 =	vunpack.i.l.bf16.f32 v28  }
0x102: {  	v39 =	vunpack.i.u.bf16.f32 v39;
	v28 =	vand.u32 $0x3F, v42;
	v42 =	vld.idx.msk [tilespmem:v24+s16+$0x0], $0xffff;
	v43 =	vadd.f32 v44, v43  }
0x103: {  	v44 =	vor.u32 v1, v28;
	v45 =	vor.u32 v2, v28;
	v46 =	vor.u32 v8, v28;
	v25 =	vld.idx.msk [tilespmem:v25+s16+$0x0], $0xffff  }
0x104: {  	v47 =	vor.u32 v4, v28;
	v26 =	vmul.bf16 v37, v26;
	v9 =	vadd.f32 v43, v9;
	v37 =	vld.idx.msk [tilespmem:v35+s17+$0x0], $0xffff  }
0x105: {  	v43 =	vor.u32 v3, v28;
	v29 =	vmul.bf16 v38, v29;
	v38 =	vadd.f32 v41, v39;
	v24 =	vld.idx.msk [tilespmem:v24+s17+$0x0], $0xffff  }
0x106: {  	v23 =	vunpack.i.l.bf16.f32 v23;
	v39 =	vunpack.i.u.bf16.f32 v26;
	v26 =	vunpack.i.l.bf16.f32 v26;
	v35 =	vld.idx.msk [tilespmem:v35+s16+$0x0], $0xffff  }
0x107: {  	v21 =	vmul.bf16 v36, v21;
	v27 =	vmul.bf16 v27, v32;
	v9 =	vadd.f32 v18, v9  }
0x108: {  	v41 =	vadd.f32 v23, v31;
	v32 =	vunpack.i.u.bf16.f32 v29;
	v29 =	vunpack.i.l.bf16.f32 v29;
	v18 =	vld.idx.msk [tilespmem:v46+s16+$0x0], $0xffff  }
0x109: {  	v33 =	vmul.bf16 v34, v33;
	v31 =	vunpack.i.u.bf16.f32 v21;
	v21 =	vunpack.i.l.bf16.f32 v21;
	v23 =	vld.idx.msk [tilespmem:v46+s17+$0x0], $0xffff  }
0x10a: {  	v36 =	vadd.f32 v26, v39;
	v26 =	vunpack.i.u.bf16.f32 v27;
	v27 =	vunpack.i.l.bf16.f32 v27;
	v34 =	vld.idx.msk [tilespmem:v44+s16+$0x0], $0xffff  }
0x10b: {  	v21 =	vadd.f32 v21, v31;
	v31 =	vmul.bf16 v40, v25;
	v40 =	vmul.bf16 v24, v42;
	v39 =	vld.idx.msk [tilespmem:v47+s16+$0x0], $0xffff  }
0x10c: {  	v29 =	vadd.f32 v29, v32;
	v24 =	vadd.f32 v27, v26;
	v25 =	vmul.bf16 v37, v35;
	v42 =	vld.idx.msk [tilespmem:v47+s17+$0x0], $0xffff  }
0x10d: {  	v16 =	vmul.bf16 v16, v22;
	v14 =	vadd.f32 v21, v14;
	v22 =	vunpack.i.u.bf16.f32 v31;
	v26 =	vld.idx.msk [tilespmem:v45+s16+$0x0], $0xffff  }
0x10e: {  	v21 =	vadd.s32 s1, v0;
	v30 =	vadd.f32 v24, v30;
	v24 =	vunpack.i.l.bf16.f32 v25;
	v27 =	vld.idx.msk [tilespmem:v45+s17+$0x0], $0xffff  }
0x10f: {  	v14 =	vadd.f32 v19, v14;
	v35 =	vand.u32 $0x3F, v21;
	v19 =	vunpack.i.u.bf16.f32 v25;
	v37 =	vld.idx.msk [tilespmem:v43+s17+$0x0], $0xffff  }
0x110: {  	v46 =	vor.u32 v2, v35;
	v45 =	vor.u32 v1, v35;
	v47 =	vadd.f32 v24, v19;
	v19 =	vld.idx.msk [tilespmem:v20+s17+$0x0], $0xffff  }
0x111: {  	v50 =	vunpack.i.l.bf16.f32 v33;
	v48 =	vor.u32 v3, v35;
	v49 =	vor.u32 v4, v35;
	v44 =	vld.idx.msk [tilespmem:v44+s17+$0x0], $0xffff  }
0x112: {  	v51 =	vunpack.i.l.bf16.f32 v31;
	v25 =	vor.u32 v5, v35;
	v24 =	vor.u32 v6, v35;
	v20 =	vld.idx.msk [tilespmem:v20+s16+$0x0], $0xffff  }
0x113: {  	v31 =	vunpack.i.l.bf16.f32 v16;
	v52 =	vunpack.i.l.bf16.f32 v40;
	v18 =	vmul.bf16 v23, v18  }
0x114: {  	v32 =	vor.u32 v7, v35;
	v40 =	vunpack.i.u.bf16.f32 v40;
	v23 =	vmul.bf16 v27, v26;
	v43 =	vld.idx.msk [tilespmem:v43+s16+$0x0], $0xffff  }
0x115: {  	v53 =	vunpack.i.u.bf16.f32 v16;
	v35 =	vor.u32 v8, v35;
	v27 =	vunpack.i.u.bf16.f32 v33;
	v21 =	vld.idx.msk [tilespmem:v45+s16+$0x0], $0xffff  }
0x116: {  	v17 =	vadd.f32 v36, v17;
	v15 =	vadd.f32 v29, v15;
	v33 =	vunpack.i.u.bf16.f32 v18;
	v26 =	vld.idx.msk [tilespmem:v49+s16+$0x0], $0xffff  }
0x117: {  	v18 =	vunpack.i.l.bf16.f32 v18;
	v34 =	vmul.bf16 v44, v34;
	v44 =	vadd.f32 v50, v27;
	v16 =	vld.idx.msk [tilespmem:v46+s17+$0x0], $0xffff  }
0x118: {  	v36 =	vor.u32 v7, v28;
	v18 =	vadd.f32 v18, v33;
	v50 =	vmul.bf16 v19, v20;
	v29 =	vld.idx.msk [tilespmem:v48+s16+$0x0], $0xffff  }
0x119: {  	v19 =	vunpack.i.u.bf16.f32 v34;
	v20 =	vunpack.i.l.bf16.f32 v34;
	v34 =	vadd.f32 v31, v53;
	v27 =	vld.idx.msk [tilespmem:v32+s17+$0x0], $0xffff  }
0x11a: {  	v40 =	vadd.f32 v52, v40;
	v31 =	vunpack.i.u.bf16.f32 v23;
	v19 =	vadd.f32 v20, v19;
	v53 =	vld.idx.msk [tilespmem:v35+s17+$0x0], $0xffff  }
0x11b: {  	v51 =	vadd.f32 v51, v22;
	v15 =	vadd.f32 v11, v15;
	v52 =	vld.idx.msk [tilespmem:v35+s16+$0x0], $0xffff;
	v35 =	vor.u32 v5, v28  }
0x11c: {  	v17 =	vadd.f32 v38, v17;
	v11 =	vmul.bf16 v37, v43;
	v37 =	vunpack.i.l.bf16.f32 v50;
	v22 =	vld.idx.msk [tilespmem:v46+s16+$0x0], $0xffff  }
.Ltmp2:
0x11d: {  	v13 =	vadd.f32 v51, v13;
	v20 =	vor.u32 v6, v28;
	v12 =	vadd.f32 v34, v12;
	v33 =	vld.idx.msk [tilespmem:v36+s16+$0x0], $0xffff;
	(pc) =	sbr.rel @p0 .LBB2_7-.Ltmp2, $4  }
0x11e: {  	v10 =	vadd.f32 v40, v10;
	v38 =	vunpack.i.u.bf16.f32 v50;
	v28 =	vunpack.i.u.bf16.f32 v11;
	v34 =	vld.idx.msk [tilespmem:v36+s17+$0x0], $0xffff  }
0x11f: {  	v40 =	vadd.f32 v37, v38;
	v11 =	vunpack.i.l.bf16.f32 v11;
	v12 =	vadd.f32 v41, v12;
	v36 =	vld.idx.msk [tilespmem:v45+s17+$0x0], $0xffff  }
0x120: {  	v39 =	vmul.bf16 v42, v39;
	v30 =	vadd.f32 v44, v30;
	v11 =	vadd.f32 v11, v28;
	v37 =	vld.idx.msk [tilespmem:v49+s17+$0x0], $0xffff  }
0x121: {  	v13 =	vadd.f32 v47, v13;
	v10 =	vadd.f32 v40, v10;
	v28 =	vmul.bf16 v53, v52;
	v38 =	vld.idx.msk [tilespmem:v48+s17+$0x0], $0xffff  }
0x122: {  	_ =	sdelay $0x3  }
0x123: {  	v40 =	vld.idx.msk [tilespmem:v25+s17+$0x0], $0xffff  }
0x124: {  	v32 =	vld.idx.msk [tilespmem:v32+s16+$0x0], $0xffff  }
0x125: {  	v42 =	vld.idx.msk [tilespmem:v24+s16+$0x0], $0xffff  }
0x126: {  	v60 =	vld.idx.msk [tilespmem:v25+s16+$0x0], $0xffff  }
0x127: {  	v41 =	vunpack.i.l.bf16.f32 v39;
	v62 =	vld.idx.msk [tilespmem:v35+s17+$0x0], $0xffff  }
0x128: {  	v61 =	vunpack.i.u.bf16.f32 v39;
	v63 =	vld.idx.msk [tilespmem:v24+s17+$0x0], $0xffff;
	v23 =	vunpack.i.l.bf16.f32 v23;
	v16 =	vmul.bf16 v16, v22  }
0x129: {  	v44 =	vld.idx.msk [tilespmem:v35+s16+$0x0], $0xffff;
	v43 =	vunpack.i.u.bf16.f32 v28;
	v59 =	vunpack.i.l.bf16.f32 v28;
	v23 =	vadd.f32 v23, v31  }
0x12a: {  	v51 =	vld.idx.msk [tilespmem:v20+s17+$0x0], $0xffff;
	v33 =	vmul.bf16 v34, v33;
	v28 =	vadd.f32 v59, v43;
	v21 =	vmul.bf16 v36, v21  }
0x12b: {  	v53 =	vld.idx.msk [tilespmem:v20+s16+$0x0], $0xffff;
	v55 =	vunpack.i.l.bf16.f32 v16;
	v16 =	vunpack.i.u.bf16.f32 v16;
	v26 =	vmul.bf16 v37, v26  }
0x12c: {  	v37 =	vadd.f32 v41, v61;
	v16 =	vadd.f32 v55, v16;
	v29 =	vmul.bf16 v38, v29  }
0x12d: {  	v46 =	vunpack.i.u.bf16.f32 v21;
	v21 =	vunpack.i.l.bf16.f32 v21;
	v9 =	vadd.f32 v28, v9  }
0x12e: {  	v43 =	vunpack.i.u.bf16.f32 v26;
	v26 =	vunpack.i.l.bf16.f32 v26;
	v27 =	vmul.bf16 v27, v32  }
0x12f: {  	v21 =	vadd.f32 v21, v46;
	v25 =	vmul.bf16 v40, v60;
	v24 =	vmul.bf16 v63, v42  }
0x130: {  	v48 =	vmul.bf16 v62, v44;
	v12 =	vadd.f32 v16, v12;
	v58 =	vmul.bf16 v51, v53  }
0x131: {  	v60 =	vunpack.i.l.bf16.f32 v33;
	v62 =	vunpack.i.u.bf16.f32 v33;
	v45 =	vunpack.i.u.bf16.f32 v29  }
0x132: {  	v29 =	vunpack.i.l.bf16.f32 v29;
	v26 =	vadd.f32 v26, v43;
	v63 =	vadd.f32 v60, v62  }
0x133: {  	v9 =	vadd.f32 v18, v9;
	v47 =	vunpack.i.u.bf16.f32 v27;
	v27 =	vunpack.i.l.bf16.f32 v27  }
0x134: {  	v14 =	vadd.f32 v21, v14;
	v49 =	vadd.f32 v29, v45;
	v50 =	vunpack.i.u.bf16.f32 v25  }
0x135: {  	v52 =	vunpack.i.l.bf16.f32 v48;
	v54 =	vunpack.i.u.bf16.f32 v48;
	v56 =	vunpack.i.l.bf16.f32 v24  }
0x136: {  	v24 =	vunpack.i.u.bf16.f32 v24;
	v57 =	vunpack.i.l.bf16.f32 v25;
	v12 =	vadd.f32 v23, v12  }
0x137: {  	v61 =	vunpack.i.l.bf16.f32 v58;
	v27 =	vadd.f32 v27, v47;
	v20 =	vadd.f32 v52, v54  }
0x138: {  	v16 =	vunpack.i.u.bf16.f32 v58;
	v17 =	vadd.f32 v26, v17;
	v24 =	vadd.f32 v56, v24  }
0x139: {  	v59 =	vadd.f32 v57, v50;
	v16 =	vadd.f32 v61, v16  }
0x13a: {  	[tilespmem:s31+$0x15CB0] =	vst v9;
	v14 =	vadd.f32 v19, v14;
	v15 =	vadd.f32 v49, v15  }
0x13b: {  	s30 =	sadd.s32 $0x1, s30;
	[tilespmem:s31+$0x15C50] =	vst v12;
	v17 =	vadd.f32 v37, v17;
	v13 =	vadd.f32 v59, v13  }
0x13c: {  	p0 =	sne.s32 s30, $0x34;
	v10 =	vadd.f32 v24, v10;
	v11 =	vadd.f32 v11, v15;
	[tilespmem:s31+$0x15C40] =	vst v14  }
.Ltmp3:
0x13d: {  	v27 =	vadd.f32 v27, v30;
	v13 =	vadd.f32 v20, v13;
	[tilespmem:s31+$0x15C70] =	vst v17;
	(pc) =	sbr.rel @p0 .LBB2_2-.Ltmp3, $4  }
0x13e: {  	v10 =	vadd.f32 v16, v10;
	[tilespmem:s31+$0x15C60] =	vst v11  }
0x13f: {  	v11 =	vadd.f32 v63, v27;
	[tilespmem:s31+$0x15C80] =	vst v13  }
0x140: {  	[tilespmem:s31+$0x15C90] =	vst v10  }
0x141: {  	[tilespmem:s31+$0x15CA0] =	vst v11  }
0x142: {  	s0 =	simm.s32 $0x4E00  }
0x143: {  	[tilespmem:s11], [sflag:$0x1] =	stream.indirect.gather [hbm4b:s3+s24], $0x40, s0, s24, $0xb8;
	[tilespmem:$0x1AA60] =	vst v63  }
0x144: {  	s31 =	simm.s32 $0x1;
	s1 =	simm.s32 $0x9C20  }
0x145: {  	v9 =	vadd.s32 s31, v0;
	[tilespmem:s12], [sflag:$0x2] =	stream.indirect.gather [hbm4b:s3+s24], $0x40, s1, s24, $0xb8;
	[tilespmem:$0x1AA60] =	vst v63  }
0x146: {  	v9 =	vand.u32 $0x3F, v9;
	_ =	swait.ge [sflag:s18], $0x800  }
0x147: {  	v10 =	vor.u32 v2, v9;
	[sflag:s18] =	ssyncset.done $0x0  }
0x148: {  	s14 =	simm.s32 $0x0;
	v9 =	vor.u32 v1, v9;
	[sflag:s18] =	ssyncadd.s32 $0xFFFFF800  }
0x149: {  	v11 =	vadd.s32 s14, v0;
	_ =	swait.ge [sflag:s19], $0x800  }
0x14a: {  	s25 =	simm.s32 $0x3;
	v11 =	vand.u32 $0x3F, v11;
	[sflag:s19] =	ssyncset.done $0x0  }
0x14b: {  	v12 =	vadd.s32 s25, v0;
	v13 =	vor.u32 v1, v11;
	[sflag:s19] =	ssyncadd.s32 $0xFFFFF800  }
0x14c: {  	v12 =	vand.u32 $0x3F, v12;
	v14 =	vld.idx.msk [tilespmem:v10+s12+$0x0], $0xffff  }
0x14d: {  	v16 =	vor.u32 v2, v12;
	v15 =	vld.idx.msk [tilespmem:v9+s11+$0x0], $0xffff  }
0x14e: {  	v12 =	vor.u32 v1, v12;
	v9 =	vld.idx.msk [tilespmem:v9+s12+$0x0], $0xffff  }
0x14f: {  	v10 =	vld.idx.msk [tilespmem:v10+s11+$0x0], $0xffff  }
0x150: {  	v18 =	vld.idx.msk [tilespmem:v13+s12+$0x0], $0xffff  }
0x151: {  	s30 =	simm.s32 $0x2;
	v19 =	vld.idx.msk [tilespmem:v13+s11+$0x0], $0xffff  }
0x152: {  	v17 =	vor.u32 v2, v11;
	v11 =	vadd.s32 s30, v0;
	v24 =	vld.idx.msk [tilespmem:v16+s12+$0x0], $0xffff  }
0x153: {  	v11 =	vand.u32 $0x3F, v11;
	v23 =	vld.idx.msk [tilespmem:v12+s11+$0x0], $0xffff  }
0x154: {  	s31 =	simm.s32 $0x5;
	v25 =	vor.u32 v1, v11;
	v12 =	vld.idx.msk [tilespmem:v12+s12+$0x0], $0xffff  }
0x155: {  	v11 =	vor.u32 v2, v11;
	v26 =	vld.idx.msk [tilespmem:v16+s11+$0x0], $0xffff;
	v16 =	vadd.s32 s31, v0  }
0x156: {  	v13 =	vmul.bf16 v14, v10;
	v10 =	vmul.bf16 v9, v15;
	v9 =	vand.u32 $0x3F, v16  }
0x157: {  	v22 =	vld.idx.msk [tilespmem:v17+s12+$0x0], $0xffff;
	v16 =	vor.u32 v2, v9  }
0x158: {  	v21 =	vld.idx.msk [tilespmem:v17+s11+$0x0], $0xffff;
	v20 =	vor.u32 v1, v9  }
0x159: {  	v17 =	vld.idx.msk [tilespmem:v25+s12+$0x0], $0xffff;
	v14 =	vimm.f32 $0.0e+00;
	v9 =	vmul.bf16 v12, v23  }
0x15a: {  	v15 =	vld.idx.msk [tilespmem:v25+s11+$0x0], $0xffff;
	v23 =	vmul.bf16 v18, v19;
	v27 =	vunpack.i.u.bf16.f32 v13;
	v28 =	vunpack.i.l.bf16.f32 v13  }
0x15b: {  	s0 =	simm.s32 $0x6;
	s1 =	simm.s32 $0x4;
	v18 =	vmul.bf16 v24, v26;
	v19 =	vimm.f32 $0.0e+00;
	v13 =	vld.idx.msk [tilespmem:v11+s12+$0x0], $0xffff;
	v12 =	vadd.f32 v28, v27  }
.LBB2_10:
0x15c: {  	p0 =	sne.s32 s0, $0x3E;
	v24 =	vadd.s32 s1, v0;
	v25 =	vld.idx.msk [tilespmem:v16+s12+$0x0], $0xffff;
	v26 =	vunpack.i.u.bf16.f32 v23;
	s1 =	smov.u32 s0;
	s0 =	sadd.s32 $0x2, s0  }
0x15d: {  	v23 =	vunpack.i.l.bf16.f32 v23;
	v22 =	vmul.bf16 v22, v21;
	s14 =	sadd.s32 $0x1, s1;
	v24 =	vand.u32 $0x3F, v24;
	v27 =	vld.idx.msk [tilespmem:v20+s11+$0x0], $0xffff  }
0x15e: {  	v23 =	vadd.f32 v23, v26;
	v21 =	vadd.s32 s14, v0;
	v28 =	vor.u32 v1, v24;
	v29 =	vld.idx.msk [tilespmem:v20+s12+$0x0], $0xffff  }
0x15f: {  	v24 =	vor.u32 v2, v24;
	v30 =	vunpack.i.u.bf16.f32 v22;
	v31 =	vmovc v17;
	v21 =	vand.u32 $0x3F, v21;
	v26 =	vld.idx.msk [tilespmem:v16+s11+$0x0], $0xffff  }
0x160: {  	v17 =	vunpack.i.l.bf16.f32 v22;
	v20 =	vor.u32 v1, v21;
	v16 =	vor.u32 v2, v21;
	v21 =	vld.idx.msk [tilespmem:v11+s11+$0x0], $0xffff;
	v11 =	vmovc v24  }
.Ltmp4:
0x161: {  	v32 =	vunpack.i.l.bf16.f32 v10;
	v30 =	vadd.f32 v17, v30;
	v17 =	vunpack.i.u.bf16.f32 v10;
	v10 =	vmovc v9;
	v22 =	vmovc v13;
	(pc) =	sbr.rel @p0 .LBB2_10-.Ltmp4, $4  }
0x162: {  	v33 =	vunpack.i.u.bf16.f32 v18;
	v14 =	vadd.f32 v23, v14;
	v32 =	vadd.f32 v32, v17  }
0x163: {  	v34 =	vunpack.i.l.bf16.f32 v18;
	v19 =	vadd.f32 v30, v19;
	v17 =	vld.idx.msk [tilespmem:v28+s12+$0x0], $0xffff  }
0x164: {  	v23 =	vmul.bf16 v31, v15;
	v14 =	vadd.f32 v32, v14;
	v9 =	vmul.bf16 v29, v27;
	v13 =	vld.idx.msk [tilespmem:v24+s12+$0x0], $0xffff  }
0x165: {  	v19 =	vadd.f32 v12, v19;
	v12 =	vadd.f32 v34, v33;
	v18 =	vmul.bf16 v25, v26;
	v15 =	vld.idx.msk [tilespmem:v28+s11+$0x0], $0xffff  }
0x166: {  	_ =	sdelay $0x1  }
0x167: {  	v24 =	vadd.s32 s1, v0  }
0x168: {  	v24 =	vand.u32 $0x3F, v24  }
0x169: {  	v25 =	vld.idx.msk [tilespmem:v20+s11+$0x0], $0xffff;
	v26 =	vor.u32 v1, v24  }
0x16a: {  	v21 =	vmul.bf16 v22, v21;
	v39 =	vld.idx.msk [tilespmem:v20+s12+$0x0], $0xffff;
	v40 =	vor.u32 v2, v24  }
0x16b: {  	v41 =	vunpack.i.u.bf16.f32 v23;
	v42 =	vunpack.i.l.bf16.f32 v23;
	v11 =	vld.idx.msk [tilespmem:v11+s11+$0x0], $0xffff;
	v45 =	vunpack.i.u.bf16.f32 v10  }
0x16c: {  	v27 =	vld.idx.msk [tilespmem:v16+s12+$0x0], $0xffff;
	v10 =	vunpack.i.l.bf16.f32 v10;
	v54 =	vunpack.i.u.bf16.f32 v9;
	v9 =	vunpack.i.l.bf16.f32 v9  }
0x16d: {  	v44 =	vld.idx.msk [tilespmem:v16+s11+$0x0], $0xffff;
	v23 =	vadd.f32 v42, v41;
	v28 =	vunpack.i.u.bf16.f32 v18;
	v10 =	vadd.f32 v10, v45  }
0x16e: {  	v47 =	vunpack.i.l.bf16.f32 v18;
	v43 =	vunpack.i.u.bf16.f32 v21;
	v21 =	vunpack.i.l.bf16.f32 v21;
	v46 =	vld.idx.msk [tilespmem:v26+s12+$0x0], $0xffff  }
0x16f: {  	v9 =	vadd.f32 v9, v54;
	v21 =	vadd.f32 v21, v43;
	v15 =	vmul.bf16 v17, v15;
	v48 =	vld.idx.msk [tilespmem:v40+s12+$0x0], $0xffff  }
0x170: {  	v55 =	vadd.f32 v47, v28;
	v14 =	vadd.f32 v23, v14;
	v50 =	vld.idx.msk [tilespmem:v26+s11+$0x0], $0xffff  }
0x171: {  	v19 =	vadd.f32 v21, v19;
	v51 =	vunpack.i.u.bf16.f32 v15;
	v15 =	vunpack.i.l.bf16.f32 v15;
	v52 =	vld.idx.msk [tilespmem:v40+s11+$0x0], $0xffff  }
0x172: {  	v10 =	vadd.f32 v10, v14;
	v11 =	vmul.bf16 v13, v11;
	v13 =	vadd.f32 v15, v51  }
0x173: {  	v49 =	vmul.bf16 v39, v25;
	v16 =	vmul.bf16 v27, v44;
	v12 =	vadd.f32 v12, v19  }
0x174: {  	v53 =	vunpack.i.u.bf16.f32 v11;
	v11 =	vunpack.i.l.bf16.f32 v11;
	v10 =	vadd.f32 v13, v10  }
0x175: {  	v57 =	vunpack.i.u.bf16.f32 v16;
	v11 =	vadd.f32 v11, v53;
	v56 =	vmul.bf16 v46, v50  }
0x176: {  	v60 =	vunpack.i.u.bf16.f32 v49;
	v9 =	vadd.f32 v9, v10;
	v10 =	vmul.bf16 v48, v52  }
0x177: {  	v11 =	vadd.f32 v11, v12;
	v58 =	vunpack.i.u.bf16.f32 v56;
	v12 =	vunpack.i.l.bf16.f32 v56  }
0x178: {  	v59 =	vunpack.i.u.bf16.f32 v10;
	v10 =	vunpack.i.l.bf16.f32 v10;
	v12 =	vadd.f32 v12, v58  }
0x179: {  	v61 =	vunpack.i.l.bf16.f32 v49;
	v11 =	vadd.f32 v55, v11;
	v10 =	vadd.f32 v10, v59  }
0x17a: {  	v16 =	vunpack.i.l.bf16.f32 v16;
	v62 =	vadd.f32 v61, v60;
	v9 =	vadd.f32 v12, v9  }
0x17b: {  	v63 =	vadd.f32 v16, v57;
	v10 =	vadd.f32 v10, v11  }
0x17c: {  	v9 =	vadd.f32 v62, v9  }
0x17d: {  	s29 =	sadd.s32 $0x1, s29;
	v10 =	vadd.f32 v63, v10  }
0x17e: {  	p0 =	sne.s32 s29, s6;
	[tilespmem:$0x1AA40] =	vst v9  }
.Ltmp5:
0x17f: {  	[tilespmem:$0x1AA50] =	vst v10;
	(pc) =	sbr.rel @p0 .LBB2_1-.Ltmp5, $4  }
0x180: {  	[hbm4b:s5+s2] =	stream.linear.scatter [tilespmem:s28], [sflag:$0x7], $0x4E20, $0x38;
	[tilespmem:$0x1AA60] =	vst v63  }
0x181: {  	_ =	swait.ge [sflag:s8], $0x4E20  }
0x182: {  	[sflag:s8] =	ssyncset.done $0x0  }
0x183: {  	[sflag:s8] =	ssyncadd.s32 $0xFFFFB1E0  }
0x184: {  	_ =	sfence.sel $0x180000  }
0x185: {  	[bflag:$0x0] =	sbarrier.arrive $0xFFFF  }
0x186: {  	_ =	strace $0x90000047  }
0x187: {  	s0 =	stileid.u32;
	[bflag:$0x2] =	sbarrier.arrive $0xFFFF  }
0x188: {  	p0 =	sne.s32 s0, $0x0;
	s0 =	rddreg [dreg:$0x1]  }
0x189: {  	s0 =	sadd.s32 @!p0 $0x100000, s0  }
0x18a: {  	[sflag:s0] =	ssyncadd.tile.s32 @!p0 $0x1;
	_ =	shalt  }
.Lfunc_end2:
_tile_overlayer_lowered:
.L_overlay_start_2:
0x18b: {  	(tag) =	ssettag $0x2  }
0x18c: {  	s0 =	rddreg [dreg:$0x0];
	s2 =	stileid.u32  }
0x18d: {  	s1 =	rddreg [dreg:$0x1];
	p0 =	sne.s32 s2, $0x0  }
0x18e: {  	s3 =	rddreg [dreg:$0x2];
	[bflag:$0x3] =	sbarrier.arrive $0xFFFF;
	s2 =	simm.s32 @!p0 $0x1C07  }
0x18f: {  	[timem:s3], [sflag:s2] =	dma.local @!p0 [hbm:s0], s1  }
0x190: {  	s0 =	simm.s32 @!p0 $0x7  }
0x191: {  	_ =	swait.ge @!p0 [sflag:s0], s1  }
0x192: {  	s1 =	ssub.s32 @!p0 $0x0, s1;
	[sflag:s0] =	ssyncset.done @!p0 $0x0  }
0x193: {  	[sflag:s0] =	ssyncadd.s32 @!p0 s1  }
0x194: {  	[bflag:$0x3] =	sbarrier.arrive $0xFFFF  }
0x195: {  	_ =	shalt  }

</sc_bundles>
